<compile_context>
chip_gen: v7x
topology: tpu7x:2x2x1
jax: 0.10.2.dev20260603
libtpu: 0.0.44.dev20260713+nightly
codegen_flags: <defaults>
</compile_context>

<pallas_src>
import jax
import jax.numpy as jnp
from jax import lax
from jax.experimental import pallas as pl
from jax.experimental.pallas import tpu as pltpu
from jax.experimental.pallas import tpu_sc as plsc

N = 10000
D = 128
E = 320000
NC, NS, L = 2, 16, 16
NW = NC * NS
EPW = 10112
EPL = E - (NW - 1) * EPW
NP = 10240
NPW = NP // NS


def _sc_body(xf_hbm, ei_hbm, part_hbm, xcol_hbm, stage_hbm,
             both_v, init_i, init_v, xcol_v, acc_v, red_v,
             sem, sem2):
    c = lax.axis_index("c")
    s = lax.axis_index("s")
    wid = c * NS + s
    n0 = s * NPW

    lane = lax.iota(jnp.int32, L)

    with jax.named_scope("ph0_edges_dma"):
        @pl.when(wid < NW - 1)
        def _():
            pltpu.sync_copy(ei_hbm.at[:, pl.ds(wid * EPW, EPW)], both_v)

        @pl.when(wid == NW - 1)
        def _():
            pltpu.sync_copy(ei_hbm.at[:, pl.ds((NW - 1) * EPW, EPL)],
                            both_v.at[:, pl.ds(0, EPL)])

    with jax.named_scope("ph1_init"):
        @plsc.parallel_loop(0, NPW // L, unroll=8)
        def mk_idx(i):
            node = n0 + i * L + lane
            node = jnp.where(node >= N, node - N, node)
            init_i[pl.ds(i * L, L)] = node * D
        pltpu.async_copy(xf_hbm.at[init_i], init_v, sem2).wait()
        pltpu.sync_copy(init_v, xcol_hbm.at[c, pl.ds(n0, NPW)])

    with jax.named_scope("ph2_zero"):
        zero = jnp.zeros((L,), jnp.float32)

        @plsc.parallel_loop(0, NP // L, unroll=8)
        def mk_zero(i):
            acc_v[pl.ds(i * L, L)] = zero

        @pl.when(c == 0)
        def _():
            @plsc.parallel_loop(0, NPW // L, unroll=8)
            def seed(i):
                acc_v[pl.ds(n0 + i * L, L)] = init_v[pl.ds(i * L, L)]

    with jax.named_scope("ph3_barrier"):
        plsc.subcore_barrier()

    with jax.named_scope("ph4_bcast"):
        bdescs = []
        for t in range(NS):
            chunk = lax.rem(s + t, NS)
            off = chunk * NPW
            bdescs.append(pltpu.async_copy(
                xcol_hbm.at[c, pl.ds(off, NPW)],
                xcol_v.at[pl.ds(off, NPW)], sem2))
        for dsc in bdescs:
            dsc.wait()

    n_edges = jnp.where(wid < NW - 1, EPW, EPL)
    with jax.named_scope("ph5_edges"):
        @plsc.parallel_loop(0, EPW // L, unroll=8)
        def edge_step(i):
            m16 = (i * L + lane) < n_edges
            s16 = both_v[0, pl.ds(i * L, L)]
            v16 = plsc.load_gather(xcol_v, [s16], mask=m16)
            d16 = both_v[1, pl.ds(i * L, L)]
            plsc.addupdate_scatter(acc_v, [d16], v16, mask=m16)

    with jax.named_scope("ph6_stage"):
        pltpu.sync_copy(acc_v, stage_hbm.at[wid])

    with jax.named_scope("ph7_barrier"):
        plsc.subcore_barrier()

    with jax.named_scope("ph8_reduce"):
        descs = []
        for t in range(NS):
            descs.append(pltpu.async_copy(
                stage_hbm.at[c * NS + t, pl.ds(n0, NPW)], red_v.at[t], sem))
        for dsc in descs:
            dsc.wait()

        @plsc.parallel_loop(0, NPW // L, unroll=4)
        def red_step(q):
            acc16 = red_v[0, pl.ds(q * L, L)]
            for t in range(1, NS):
                acc16 = acc16 + red_v[t, pl.ds(q * L, L)]
            init_v[pl.ds(q * L, L)] = acc16

        pltpu.sync_copy(init_v, part_hbm.at[c, pl.ds(n0, NPW)])


_sc_kernel = pl.kernel(
    _sc_body,
    out_type=(
        jax.ShapeDtypeStruct((NC, NP), jnp.float32),
        jax.ShapeDtypeStruct((NC, NP), jnp.float32),
        jax.ShapeDtypeStruct((NW, NP), jnp.float32),
    ),
    mesh=plsc.VectorSubcoreMesh(core_axis_name="c", subcore_axis_name="s"),
    compiler_params=pltpu.CompilerParams(needs_layout_passes=False),
    scratch_types=[
        pltpu.VMEM((2, EPW), jnp.int32),
        pltpu.VMEM((NPW,), jnp.int32),
        pltpu.VMEM((NPW,), jnp.float32),
        pltpu.VMEM((NP,), jnp.float32),
        pltpu.VMEM((NP,), jnp.float32),
        pltpu.VMEM((NS, NPW), jnp.float32),
        pltpu.SemaphoreType.DMA,
        pltpu.SemaphoreType.DMA,
    ],
)


def _combine_body(p_ref, o_ref):
    total = p_ref[pl.ds(0, NP)] + p_ref[pl.ds(NP, NP)]
    o_ref[...] = (total > 0.0).astype(jnp.int32)


_combine = pl.pallas_call(
    _combine_body,
    out_shape=jax.ShapeDtypeStruct((NP,), jnp.int32),
)


@jax.jit
def kernel(x, edge_index):
    xf = x.reshape(-1)
    ei = edge_index.astype(jnp.int32)
    partial, _, _ = _sc_kernel(xf, ei)
    bits = _combine(partial.reshape(-1))
    return bits[:N].astype(jnp.int64)

# --- scband reference (transcript-rebuilt; emitter-appended) ---
"""Pipeline reference for scband-classifier-61040075211449 (READ-ONLY COPY).

The authoritative reference and input builder live on the scoring server;
editing this copy changes nothing except your own understanding.
"""

import jax, jax.numpy as jnp
import numpy as np

X_VALUE = 0.0


def setup_inputs(seed: int = 0) -> dict:
    key = jax.random.key(seed)
    k1, k2 = jax.random.split(key)
    N, D, E = 10000, 128, 320000
    x = jax.random.normal(k1, (N, D), dtype=jnp.float32)
    edge_index = jax.random.randint(k2, (2, E), 0, N, dtype=jnp.int64)
    return {"x": x, "edge_index": edge_index}


def reference(x, edge_index):
    # pyg_nn.SimpleConv(aggr='mean', combine_root='self_loop'):
    # add self-loops, then mean-aggregate source features at destinations.
    N = x.shape[0]
    loop = jnp.arange(N, dtype=edge_index.dtype)
    src = jnp.concatenate([edge_index[0], loop])
    dst = jnp.concatenate([edge_index[1], loop])
    msg = jnp.take(x, src, axis=0)  # gather source features
    summed = jax.ops.segment_sum(msg, dst, num_segments=N)
    count = jax.ops.segment_sum(jnp.ones_like(dst, dtype=x.dtype), dst, num_segments=N)
    out = summed / jnp.maximum(count, 1.0)[:, None]
    return (out[:, 0] > X_VALUE).astype(jnp.int64)

if __name__ == "__main__":
    import jax
    _d = setup_inputs()
    print(jax.jit(kernel)(*tuple(_d.values())))

</pallas_src>

<mosaic_0001>
#map = affine_map<(d0, d1) -> (0)>
#map1 = affine_map<(d0, d1) -> (0, 0)>
module attributes {stable_mosaic.version = 14 : i64} {
  func.func @_sc_body(%arg0: i32, %arg1: i32, %arg2: memref<1280000xf32, #tpu.memory_space<hbm>>, %arg3: memref<2x320000xi32, #tpu.memory_space<hbm>>, %arg4: memref<2x10240xf32, #tpu.memory_space<hbm>>, %arg5: memref<2x10240xf32, #tpu.memory_space<hbm>>, %arg6: memref<32x10240xf32, #tpu.memory_space<hbm>>, %arg7: memref<2x10112xi32, #tpu.memory_space<vmem>>, %arg8: memref<640xi32, #tpu.memory_space<vmem>>, %arg9: memref<640xf32, #tpu.memory_space<vmem>>, %arg10: memref<10240xf32, #tpu.memory_space<vmem>>, %arg11: memref<10240xf32, #tpu.memory_space<vmem>>, %arg12: memref<16x640xf32, #tpu.memory_space<vmem>>, %arg13: memref<!tpu.dma_semaphore, #tpu.memory_space<semaphore_mem>>, %arg14: memref<!tpu.dma_semaphore, #tpu.memory_space<semaphore_mem>>) attributes {dimension_semantics = [#tpu.dimension_semantics<core_parallel>, #tpu.dimension_semantics<subcore_parallel>], iteration_bounds = array<i64: 2, 16>, scalar_prefetch = 0 : i64, scratch_operands = 8 : i64, tpu.core_type = #tpu.core_type<sc_vector_subcore>, window_params = [{transform_indices = #map}, {transform_indices = #map1}, {transform_indices = #map1}, {transform_indices = #map1}, {transform_indices = #map1}]} {
    %mul3A = arith.constant 16 : i32
    %mul3A_0 = arith.muli %arg0, %mul3A : i32
    %add3A = arith.addi %mul3A_0, %arg1 : i32
    %mul3A_1 = arith.constant 640 : i32
    %mul3A_2 = arith.muli %arg1, %mul3A_1 : i32
    %iota3A = tpu.iota {dimensions = array<i32: 0>} : vector<16xi32>
    %lt3A = arith.constant 31 : i32
    "tpu.trace_start"() <{level = 10 : i32, message = "ph0_edges_dma"}> : () -> ()
    %lt3A_3 = arith.cmpi slt, %add3A, %lt3A : i32
    %convert_element_type3A = arith.extui %lt3A_3 : i1 to i32
    %cond3A = arith.constant 0 : i32
    %cond3A_4 = arith.cmpi ne, %convert_element_type3A, %cond3A : i32
    scf.if %cond3A_4 {
      %mul3A_735 = arith.constant 10112 : i32
      %mul3A_736 = arith.muli %add3A, %mul3A_735 : i32
      "tpu.region"() ({
        %run_scoped3A = tpu.sem_alloc : memref<!tpu.dma_semaphore, #tpu.memory_space<semaphore_mem>>
        %dma_start3A_737 = arith.constant 0 : i32
        %dma_start3A_738 = tpu.memref_slice %arg3[%dma_start3A_737, %mul3A_736] : memref<2x320000xi32, #tpu.memory_space<hbm>> -> memref<2x10112xi32, #tpu.memory_space<hbm>>
        %dma_start3A_739 = arith.constant 0 : i32
        %dma_start3A_740 = tpu.memref_slice %arg3[%dma_start3A_739, %mul3A_736] : memref<2x320000xi32, #tpu.memory_space<hbm>> -> memref<2x10112xi32, #tpu.memory_space<hbm>>
        tpu.enqueue_dma source(%dma_start3A_740 : memref<2x10112xi32, #tpu.memory_space<hbm>>) target(%arg7 : memref<2x10112xi32, #tpu.memory_space<vmem>>) target_semaphore(%run_scoped3A : memref<!tpu.dma_semaphore, #tpu.memory_space<semaphore_mem>>)
        %dma_wait3A_741 = arith.constant 0 : i32
        %dma_wait3A_742 = tpu.memref_slice %arg3[%dma_wait3A_741, %mul3A_736] : memref<2x320000xi32, #tpu.memory_space<hbm>> -> memref<2x10112xi32, #tpu.memory_space<hbm>>
        %dma_wait3A_743 = arith.constant 0 : i32
        %dma_wait3A_744 = tpu.memref_slice %arg3[%dma_wait3A_743, %mul3A_736] : memref<2x320000xi32, #tpu.memory_space<hbm>> -> memref<2x10112xi32, #tpu.memory_space<hbm>>
        tpu.wait_dma2 semaphore(%run_scoped3A : memref<!tpu.dma_semaphore, #tpu.memory_space<semaphore_mem>>) src(%dma_wait3A_744 : memref<2x10112xi32, #tpu.memory_space<hbm>>) dst(%arg7 : memref<2x10112xi32, #tpu.memory_space<vmem>>)
        tpu.yield
      }) : () -> ()
    } else {
    }
    %eq3A = arith.constant 31 : i32
    %eq3A_5 = arith.cmpi eq, %add3A, %eq3A : i32
    %convert_element_type3A_6 = arith.extui %eq3A_5 : i1 to i32
    %cond3A_7 = arith.constant 0 : i32
    %cond3A_8 = arith.cmpi ne, %convert_element_type3A_6, %cond3A_7 : i32
    scf.if %cond3A_8 {
      "tpu.region"() ({
        %run_scoped3A = tpu.sem_alloc : memref<!tpu.dma_semaphore, #tpu.memory_space<semaphore_mem>>
        %dma_start3A_735 = arith.constant 0 : i32
        %dma_start3A_736 = arith.constant 0 : i32
        %dma_start3A_737 = tpu.memref_slice %arg7[%dma_start3A_735, %dma_start3A_736] : memref<2x10112xi32, #tpu.memory_space<vmem>> -> memref<2x6528xi32, #tpu.memory_space<vmem>>
        %dma_start3A_738 = arith.constant 0 : i32
        %dma_start3A_739 = arith.constant 313472 : i32
        %dma_start3A_740 = tpu.memref_slice %arg3[%dma_start3A_738, %dma_start3A_739] : memref<2x320000xi32, #tpu.memory_space<hbm>> -> memref<2x6528xi32, #tpu.memory_space<hbm>>
        %dma_start3A_741 = arith.constant 0 : i32
        %dma_start3A_742 = arith.constant 0 : i32
        %dma_start3A_743 = tpu.memref_slice %arg7[%dma_start3A_741, %dma_start3A_742] : memref<2x10112xi32, #tpu.memory_space<vmem>> -> memref<2x6528xi32, #tpu.memory_space<vmem>>
        %dma_start3A_744 = arith.constant 0 : i32
        %dma_start3A_745 = arith.constant 313472 : i32
        %dma_start3A_746 = tpu.memref_slice %arg3[%dma_start3A_744, %dma_start3A_745] : memref<2x320000xi32, #tpu.memory_space<hbm>> -> memref<2x6528xi32, #tpu.memory_space<hbm>>
        tpu.enqueue_dma source(%dma_start3A_746 : memref<2x6528xi32, #tpu.memory_space<hbm>>) target(%dma_start3A_743 : memref<2x6528xi32, #tpu.memory_space<vmem>>) target_semaphore(%run_scoped3A : memref<!tpu.dma_semaphore, #tpu.memory_space<semaphore_mem>>)
        %dma_wait3A_747 = arith.constant 0 : i32
        %dma_wait3A_748 = arith.constant 0 : i32
        %dma_wait3A_749 = tpu.memref_slice %arg7[%dma_wait3A_747, %dma_wait3A_748] : memref<2x10112xi32, #tpu.memory_space<vmem>> -> memref<2x6528xi32, #tpu.memory_space<vmem>>
        %dma_wait3A_750 = arith.constant 0 : i32
        %dma_wait3A_751 = arith.constant 313472 : i32
        %dma_wait3A_752 = tpu.memref_slice %arg3[%dma_wait3A_750, %dma_wait3A_751] : memref<2x320000xi32, #tpu.memory_space<hbm>> -> memref<2x6528xi32, #tpu.memory_space<hbm>>
        %dma_wait3A_753 = arith.constant 0 : i32
        %dma_wait3A_754 = arith.constant 0 : i32
        %dma_wait3A_755 = tpu.memref_slice %arg7[%dma_wait3A_753, %dma_wait3A_754] : memref<2x10112xi32, #tpu.memory_space<vmem>> -> memref<2x6528xi32, #tpu.memory_space<vmem>>
        %dma_wait3A_756 = arith.constant 0 : i32
        %dma_wait3A_757 = arith.constant 313472 : i32
        %dma_wait3A_758 = tpu.memref_slice %arg3[%dma_wait3A_756, %dma_wait3A_757] : memref<2x320000xi32, #tpu.memory_space<hbm>> -> memref<2x6528xi32, #tpu.memory_space<hbm>>
        tpu.wait_dma2 semaphore(%run_scoped3A : memref<!tpu.dma_semaphore, #tpu.memory_space<semaphore_mem>>) src(%dma_wait3A_758 : memref<2x6528xi32, #tpu.memory_space<hbm>>) dst(%dma_wait3A_755 : memref<2x6528xi32, #tpu.memory_space<vmem>>)
        tpu.yield
      }) : () -> ()
    } else {
    }
    %parallel_loop3A = arith.constant 0 : i32
    %parallel_loop3A_9 = arith.constant 40 : i32
    %parallel_loop3A_10 = arith.constant 1 : i32
    "tpu.trace_stop"() : () -> ()
    "tpu.trace_start"() <{level = 10 : i32, message = "ph1_init"}> : () -> ()
    scf.for %parallel_loop3A_735 = %parallel_loop3A to %parallel_loop3A_9 step %parallel_loop3A_10  : i32 {
      %parallel_loop3A_736 = arith.constant 16 : i32
      %parallel_loop3A_737 = arith.muli %parallel_loop3A_735, %parallel_loop3A_736 : i32
      %parallel_loop3A_738 = arith.addi %mul3A_2, %parallel_loop3A_737 : i32
      %parallel_loop3A_739 = vector.broadcast %parallel_loop3A_738 : i32 to vector<16xi32>
      %parallel_loop3A_740 = arith.addi %parallel_loop3A_739, %iota3A : vector<16xi32>
      %parallel_loop3A_741 = arith.constant 10000 : i32
      %parallel_loop3A_742 = vector.broadcast %parallel_loop3A_741 : i32 to vector<16xi32>
      %parallel_loop3A_743 = arith.cmpi sge, %parallel_loop3A_740, %parallel_loop3A_742 : vector<16xi32>
      %parallel_loop3A_744 = arith.constant 10000 : i32
      %parallel_loop3A_745 = vector.broadcast %parallel_loop3A_744 : i32 to vector<16xi32>
      %parallel_loop3A_746 = arith.subi %parallel_loop3A_740, %parallel_loop3A_745 : vector<16xi32>
      %parallel_loop3A_747 = arith.select %parallel_loop3A_743, %parallel_loop3A_746, %parallel_loop3A_740 : vector<16xi1>, vector<16xi32>
      %parallel_loop3A_748 = arith.constant 128 : i32
      %parallel_loop3A_749 = vector.broadcast %parallel_loop3A_748 : i32 to vector<16xi32>
      %parallel_loop3A_750 = arith.muli %parallel_loop3A_747, %parallel_loop3A_749 : vector<16xi32>
      %parallel_loop3A_751 = arith.constant 16 : i32
      %parallel_loop3A_752 = arith.muli %parallel_loop3A_735, %parallel_loop3A_751 : i32
      %parallel_loop3A_753 = arith.index_cast %parallel_loop3A_752 : i32 to index
      %parallel_loop3A_754 = tpu.vector_load %arg8[%parallel_loop3A_753] {strides = array<i32>} : memref<640xi32, #tpu.memory_space<vmem>>, vector<16xi32>,
      tpu.vector_store %arg8[%parallel_loop3A_753], %parallel_loop3A_750 {strides = array<i32>} : memref<640xi32, #tpu.memory_space<vmem>>, vector<16xi32>,
    } {sc.loop_unroll_factor = 8 : i64, sc.parallel_access}
    %dma_start3A = arith.constant 0 : i32
    %dma_start3A_11 = tpu.memref_slice %arg2[%dma_start3A] : memref<1280000xf32, #tpu.memory_space<hbm>> -> memref<1280000xf32, #tpu.memory_space<hbm>>
    tpu.enqueue_indirect_dma source(%dma_start3A_11 : memref<1280000xf32, #tpu.memory_space<hbm>>) target(%arg9 : memref<640xf32, #tpu.memory_space<vmem>>) offsets(%arg8 : memref<640xi32, #tpu.memory_space<vmem>>) semaphore(%arg14 : memref<!tpu.dma_semaphore, #tpu.memory_space<semaphore_mem>>)
    %dma_wait3A = arith.constant 0 : i32
    %dma_wait3A_12 = tpu.memref_slice %arg2[%dma_wait3A] : memref<1280000xf32, #tpu.memory_space<hbm>> -> memref<1280000xf32, #tpu.memory_space<hbm>>
    tpu.wait_indirect_dma semaphore(%arg14 : memref<!tpu.dma_semaphore, #tpu.memory_space<semaphore_mem>>) src(%dma_wait3A_12 : memref<1280000xf32, #tpu.memory_space<hbm>>) dst(%arg9 : memref<640xf32, #tpu.memory_space<vmem>>)
    "tpu.region"() ({
      %run_scoped3A = tpu.sem_alloc : memref<!tpu.dma_semaphore, #tpu.memory_space<semaphore_mem>>
      %dma_start3A_735 = tpu.memref_slice %arg5[%arg0, %mul3A_2] : memref<2x10240xf32, #tpu.memory_space<hbm>> -> memref<1x640xf32, #tpu.memory_space<hbm>>
      %dma_start3A_736 = tpu.memref_squeeze %dma_start3A_735 : memref<1x640xf32, #tpu.memory_space<hbm>> -> memref<640xf32, #tpu.memory_space<hbm>>
      %dma_start3A_737 = tpu.memref_slice %arg5[%arg0, %mul3A_2] : memref<2x10240xf32, #tpu.memory_space<hbm>> -> memref<1x640xf32, #tpu.memory_space<hbm>>
      %dma_start3A_738 = tpu.memref_squeeze %dma_start3A_737 : memref<1x640xf32, #tpu.memory_space<hbm>> -> memref<640xf32, #tpu.memory_space<hbm>>
      tpu.enqueue_dma source(%arg9 : memref<640xf32, #tpu.memory_space<vmem>>) target(%dma_start3A_738 : memref<640xf32, #tpu.memory_space<hbm>>) target_semaphore(%run_scoped3A : memref<!tpu.dma_semaphore, #tpu.memory_space<semaphore_mem>>)
      %dma_wait3A_739 = tpu.memref_slice %arg5[%arg0, %mul3A_2] : memref<2x10240xf32, #tpu.memory_space<hbm>> -> memref<1x640xf32, #tpu.memory_space<hbm>>
      %dma_wait3A_740 = tpu.memref_squeeze %dma_wait3A_739 : memref<1x640xf32, #tpu.memory_space<hbm>> -> memref<640xf32, #tpu.memory_space<hbm>>
      %dma_wait3A_741 = tpu.memref_slice %arg5[%arg0, %mul3A_2] : memref<2x10240xf32, #tpu.memory_space<hbm>> -> memref<1x640xf32, #tpu.memory_space<hbm>>
      %dma_wait3A_742 = tpu.memref_squeeze %dma_wait3A_741 : memref<1x640xf32, #tpu.memory_space<hbm>> -> memref<640xf32, #tpu.memory_space<hbm>>
      tpu.wait_dma2 semaphore(%run_scoped3A : memref<!tpu.dma_semaphore, #tpu.memory_space<semaphore_mem>>) src(%arg9 : memref<640xf32, #tpu.memory_space<vmem>>) dst(%dma_wait3A_742 : memref<640xf32, #tpu.memory_space<hbm>>)
      tpu.yield
    }) : () -> ()
    %broadcast_in_dim3A = arith.constant 0.000000e+00 : f32
    "tpu.trace_stop"() : () -> ()
    "tpu.trace_start"() <{level = 10 : i32, message = "ph2_zero"}> : () -> ()
    %broadcast_in_dim3A_13 = vector.broadcast %broadcast_in_dim3A : f32 to vector<16xf32>
    %parallel_loop3A_14 = arith.constant 0 : i32
    %parallel_loop3A_15 = arith.constant 640 : i32
    %parallel_loop3A_16 = arith.constant 1 : i32
    scf.for %parallel_loop3A_735 = %parallel_loop3A_14 to %parallel_loop3A_15 step %parallel_loop3A_16  : i32 {
      %parallel_loop3A_736 = arith.constant 16 : i32
      %parallel_loop3A_737 = arith.muli %parallel_loop3A_735, %parallel_loop3A_736 : i32
      %parallel_loop3A_738 = arith.index_cast %parallel_loop3A_737 : i32 to index
      %parallel_loop3A_739 = tpu.vector_load %arg11[%parallel_loop3A_738] {strides = array<i32>} : memref<10240xf32, #tpu.memory_space<vmem>>, vector<16xf32>,
      tpu.vector_store %arg11[%parallel_loop3A_738], %broadcast_in_dim3A_13 {strides = array<i32>} : memref<10240xf32, #tpu.memory_space<vmem>>, vector<16xf32>,
    } {sc.loop_unroll_factor = 8 : i64, sc.parallel_access}
    %eq3A_17 = arith.constant 0 : i32
    %eq3A_18 = arith.cmpi eq, %arg0, %eq3A_17 : i32
    %convert_element_type3A_19 = arith.extui %eq3A_18 : i1 to i32
    %cond3A_20 = arith.constant 0 : i32
    %cond3A_21 = arith.cmpi ne, %convert_element_type3A_19, %cond3A_20 : i32
    scf.if %cond3A_21 {
      %parallel_loop3A_735 = arith.constant 0 : i32
      %parallel_loop3A_736 = arith.constant 40 : i32
      %parallel_loop3A_737 = arith.constant 1 : i32
      scf.for %parallel_loop3A_738 = %parallel_loop3A_735 to %parallel_loop3A_736 step %parallel_loop3A_737  : i32 {
        %parallel_loop3A_739 = arith.constant 16 : i32
        %parallel_loop3A_740 = arith.muli %parallel_loop3A_738, %parallel_loop3A_739 : i32
        %parallel_loop3A_741 = arith.index_cast %parallel_loop3A_740 : i32 to index
        %parallel_loop3A_742 = tpu.vector_load %arg9[%parallel_loop3A_741] {strides = array<i32>} : memref<640xf32, #tpu.memory_space<vmem>>, vector<16xf32>,
        %parallel_loop3A_743 = arith.constant 16 : i32
        %parallel_loop3A_744 = arith.muli %parallel_loop3A_738, %parallel_loop3A_743 : i32
        %parallel_loop3A_745 = arith.addi %mul3A_2, %parallel_loop3A_744 : i32
        %parallel_loop3A_746 = arith.index_cast %parallel_loop3A_745 : i32 to index
        %parallel_loop3A_747 = tpu.vector_load %arg11[%parallel_loop3A_746] {strides = array<i32>} : memref<10240xf32, #tpu.memory_space<vmem>>, vector<16xf32>,
        tpu.vector_store %arg11[%parallel_loop3A_746], %parallel_loop3A_742 {strides = array<i32>} : memref<10240xf32, #tpu.memory_space<vmem>>, vector<16xf32>,
      } {sc.loop_unroll_factor = 8 : i64, sc.parallel_access}
    } else {
    }
    "tpu.trace_stop"() : () -> ()
    "tpu.trace_start"() <{level = 10 : i32, message = "ph3_barrier"}> : () -> ()
    %barrier3A = arith.constant 0 : index
    tpu.barrier barrier_id(%barrier3A)
    "tpu.trace_stop"() : () -> ()
    "tpu.trace_start"() <{level = 10 : i32, message = "ph4_bcast"}> : () -> ()
    %add3A_22 = arith.constant 0 : i32
    %add3A_23 = arith.addi %arg1, %add3A_22 : i32
    %rem3A = arith.constant 16 : i32
    %rem3A_24 = arith.remsi %add3A_23, %rem3A : i32
    %mul3A_25 = arith.constant 640 : i32
    %mul3A_26 = arith.muli %rem3A_24, %mul3A_25 : i32
    %dma_start3A_27 = tpu.memref_slice %arg10[%mul3A_26] : memref<10240xf32, #tpu.memory_space<vmem>> -> memref<640xf32, #tpu.memory_space<vmem>>
    %dma_start3A_28 = tpu.memref_slice %arg5[%arg0, %mul3A_26] : memref<2x10240xf32, #tpu.memory_space<hbm>> -> memref<1x640xf32, #tpu.memory_space<hbm>>
    %dma_start3A_29 = tpu.memref_squeeze %dma_start3A_28 : memref<1x640xf32, #tpu.memory_space<hbm>> -> memref<640xf32, #tpu.memory_space<hbm>>
    %dma_start3A_30 = tpu.memref_slice %arg10[%mul3A_26] : memref<10240xf32, #tpu.memory_space<vmem>> -> memref<640xf32, #tpu.memory_space<vmem>>
    %dma_start3A_31 = tpu.memref_slice %arg5[%arg0, %mul3A_26] : memref<2x10240xf32, #tpu.memory_space<hbm>> -> memref<1x640xf32, #tpu.memory_space<hbm>>
    %dma_start3A_32 = tpu.memref_squeeze %dma_start3A_31 : memref<1x640xf32, #tpu.memory_space<hbm>> -> memref<640xf32, #tpu.memory_space<hbm>>
    tpu.enqueue_dma source(%dma_start3A_32 : memref<640xf32, #tpu.memory_space<hbm>>) target(%dma_start3A_30 : memref<640xf32, #tpu.memory_space<vmem>>) target_semaphore(%arg14 : memref<!tpu.dma_semaphore, #tpu.memory_space<semaphore_mem>>)
    %add3A_33 = arith.constant 1 : i32
    %add3A_34 = arith.addi %arg1, %add3A_33 : i32
    %rem3A_35 = arith.constant 16 : i32
    %rem3A_36 = arith.remsi %add3A_34, %rem3A_35 : i32
    %mul3A_37 = arith.constant 640 : i32
    %mul3A_38 = arith.muli %rem3A_36, %mul3A_37 : i32
    %dma_start3A_39 = tpu.memref_slice %arg10[%mul3A_38] : memref<10240xf32, #tpu.memory_space<vmem>> -> memref<640xf32, #tpu.memory_space<vmem>>
    %dma_start3A_40 = tpu.memref_slice %arg5[%arg0, %mul3A_38] : memref<2x10240xf32, #tpu.memory_space<hbm>> -> memref<1x640xf32, #tpu.memory_space<hbm>>
    %dma_start3A_41 = tpu.memref_squeeze %dma_start3A_40 : memref<1x640xf32, #tpu.memory_space<hbm>> -> memref<640xf32, #tpu.memory_space<hbm>>
    %dma_start3A_42 = tpu.memref_slice %arg10[%mul3A_38] : memref<10240xf32, #tpu.memory_space<vmem>> -> memref<640xf32, #tpu.memory_space<vmem>>
    %dma_start3A_43 = tpu.memref_slice %arg5[%arg0, %mul3A_38] : memref<2x10240xf32, #tpu.memory_space<hbm>> -> memref<1x640xf32, #tpu.memory_space<hbm>>
    %dma_start3A_44 = tpu.memref_squeeze %dma_start3A_43 : memref<1x640xf32, #tpu.memory_space<hbm>> -> memref<640xf32, #tpu.memory_space<hbm>>
    tpu.enqueue_dma source(%dma_start3A_44 : memref<640xf32, #tpu.memory_space<hbm>>) target(%dma_start3A_42 : memref<640xf32, #tpu.memory_space<vmem>>) target_semaphore(%arg14 : memref<!tpu.dma_semaphore, #tpu.memory_space<semaphore_mem>>)
    %add3A_45 = arith.constant 2 : i32
    %add3A_46 = arith.addi %arg1, %add3A_45 : i32
    %rem3A_47 = arith.constant 16 : i32
    %rem3A_48 = arith.remsi %add3A_46, %rem3A_47 : i32
    %mul3A_49 = arith.constant 640 : i32
    %mul3A_50 = arith.muli %rem3A_48, %mul3A_49 : i32
    %dma_start3A_51 = tpu.memref_slice %arg10[%mul3A_50] : memref<10240xf32, #tpu.memory_space<vmem>> -> memref<640xf32, #tpu.memory_space<vmem>>
    %dma_start3A_52 = tpu.memref_slice %arg5[%arg0, %mul3A_50] : memref<2x10240xf32, #tpu.memory_space<hbm>> -> memref<1x640xf32, #tpu.memory_space<hbm>>
    %dma_start3A_53 = tpu.memref_squeeze %dma_start3A_52 : memref<1x640xf32, #tpu.memory_space<hbm>> -> memref<640xf32, #tpu.memory_space<hbm>>
    %dma_start3A_54 = tpu.memref_slice %arg10[%mul3A_50] : memref<10240xf32, #tpu.memory_space<vmem>> -> memref<640xf32, #tpu.memory_space<vmem>>
    %dma_start3A_55 = tpu.memref_slice %arg5[%arg0, %mul3A_50] : memref<2x10240xf32, #tpu.memory_space<hbm>> -> memref<1x640xf32, #tpu.memory_space<hbm>>
    %dma_start3A_56 = tpu.memref_squeeze %dma_start3A_55 : memref<1x640xf32, #tpu.memory_space<hbm>> -> memref<640xf32, #tpu.memory_space<hbm>>
    tpu.enqueue_dma source(%dma_start3A_56 : memref<640xf32, #tpu.memory_space<hbm>>) target(%dma_start3A_54 : memref<640xf32, #tpu.memory_space<vmem>>) target_semaphore(%arg14 : memref<!tpu.dma_semaphore, #tpu.memory_space<semaphore_mem>>)
    %add3A_57 = arith.constant 3 : i32
    %add3A_58 = arith.addi %arg1, %add3A_57 : i32
    %rem3A_59 = arith.constant 16 : i32
    %rem3A_60 = arith.remsi %add3A_58, %rem3A_59 : i32
    %mul3A_61 = arith.constant 640 : i32
    %mul3A_62 = arith.muli %rem3A_60, %mul3A_61 : i32
    %dma_start3A_63 = tpu.memref_slice %arg10[%mul3A_62] : memref<10240xf32, #tpu.memory_space<vmem>> -> memref<640xf32, #tpu.memory_space<vmem>>
    %dma_start3A_64 = tpu.memref_slice %arg5[%arg0, %mul3A_62] : memref<2x10240xf32, #tpu.memory_space<hbm>> -> memref<1x640xf32, #tpu.memory_space<hbm>>
    %dma_start3A_65 = tpu.memref_squeeze %dma_start3A_64 : memref<1x640xf32, #tpu.memory_space<hbm>> -> memref<640xf32, #tpu.memory_space<hbm>>
    %dma_start3A_66 = tpu.memref_slice %arg10[%mul3A_62] : memref<10240xf32, #tpu.memory_space<vmem>> -> memref<640xf32, #tpu.memory_space<vmem>>
    %dma_start3A_67 = tpu.memref_slice %arg5[%arg0, %mul3A_62] : memref<2x10240xf32, #tpu.memory_space<hbm>> -> memref<1x640xf32, #tpu.memory_space<hbm>>
    %dma_start3A_68 = tpu.memref_squeeze %dma_start3A_67 : memref<1x640xf32, #tpu.memory_space<hbm>> -> memref<640xf32, #tpu.memory_space<hbm>>
    tpu.enqueue_dma source(%dma_start3A_68 : memref<640xf32, #tpu.memory_space<hbm>>) target(%dma_start3A_66 : memref<640xf32, #tpu.memory_space<vmem>>) target_semaphore(%arg14 : memref<!tpu.dma_semaphore, #tpu.memory_space<semaphore_mem>>)
    %add3A_69 = arith.constant 4 : i32
    %add3A_70 = arith.addi %arg1, %add3A_69 : i32
    %rem3A_71 = arith.constant 16 : i32
    %rem3A_72 = arith.remsi %add3A_70, %rem3A_71 : i32
    %mul3A_73 = arith.constant 640 : i32
    %mul3A_74 = arith.muli %rem3A_72, %mul3A_73 : i32
    %dma_start3A_75 = tpu.memref_slice %arg10[%mul3A_74] : memref<10240xf32, #tpu.memory_space<vmem>> -> memref<640xf32, #tpu.memory_space<vmem>>
    %dma_start3A_76 = tpu.memref_slice %arg5[%arg0, %mul3A_74] : memref<2x10240xf32, #tpu.memory_space<hbm>> -> memref<1x640xf32, #tpu.memory_space<hbm>>
    %dma_start3A_77 = tpu.memref_squeeze %dma_start3A_76 : memref<1x640xf32, #tpu.memory_space<hbm>> -> memref<640xf32, #tpu.memory_space<hbm>>
    %dma_start3A_78 = tpu.memref_slice %arg10[%mul3A_74] : memref<10240xf32, #tpu.memory_space<vmem>> -> memref<640xf32, #tpu.memory_space<vmem>>
    %dma_start3A_79 = tpu.memref_slice %arg5[%arg0, %mul3A_74] : memref<2x10240xf32, #tpu.memory_space<hbm>> -> memref<1x640xf32, #tpu.memory_space<hbm>>
    %dma_start3A_80 = tpu.memref_squeeze %dma_start3A_79 : memref<1x640xf32, #tpu.memory_space<hbm>> -> memref<640xf32, #tpu.memory_space<hbm>>
    tpu.enqueue_dma source(%dma_start3A_80 : memref<640xf32, #tpu.memory_space<hbm>>) target(%dma_start3A_78 : memref<640xf32, #tpu.memory_space<vmem>>) target_semaphore(%arg14 : memref<!tpu.dma_semaphore, #tpu.memory_space<semaphore_mem>>)
    %add3A_81 = arith.constant 5 : i32
    %add3A_82 = arith.addi %arg1, %add3A_81 : i32
    %rem3A_83 = arith.constant 16 : i32
    %rem3A_84 = arith.remsi %add3A_82, %rem3A_83 : i32
    %mul3A_85 = arith.constant 640 : i32
    %mul3A_86 = arith.muli %rem3A_84, %mul3A_85 : i32
    %dma_start3A_87 = tpu.memref_slice %arg10[%mul3A_86] : memref<10240xf32, #tpu.memory_space<vmem>> -> memref<640xf32, #tpu.memory_space<vmem>>
    %dma_start3A_88 = tpu.memref_slice %arg5[%arg0, %mul3A_86] : memref<2x10240xf32, #tpu.memory_space<hbm>> -> memref<1x640xf32, #tpu.memory_space<hbm>>
    %dma_start3A_89 = tpu.memref_squeeze %dma_start3A_88 : memref<1x640xf32, #tpu.memory_space<hbm>> -> memref<640xf32, #tpu.memory_space<hbm>>
    %dma_start3A_90 = tpu.memref_slice %arg10[%mul3A_86] : memref<10240xf32, #tpu.memory_space<vmem>> -> memref<640xf32, #tpu.memory_space<vmem>>
    %dma_start3A_91 = tpu.memref_slice %arg5[%arg0, %mul3A_86] : memref<2x10240xf32, #tpu.memory_space<hbm>> -> memref<1x640xf32, #tpu.memory_space<hbm>>
    %dma_start3A_92 = tpu.memref_squeeze %dma_start3A_91 : memref<1x640xf32, #tpu.memory_space<hbm>> -> memref<640xf32, #tpu.memory_space<hbm>>
    tpu.enqueue_dma source(%dma_start3A_92 : memref<640xf32, #tpu.memory_space<hbm>>) target(%dma_start3A_90 : memref<640xf32, #tpu.memory_space<vmem>>) target_semaphore(%arg14 : memref<!tpu.dma_semaphore, #tpu.memory_space<semaphore_mem>>)
    %add3A_93 = arith.constant 6 : i32
    %add3A_94 = arith.addi %arg1, %add3A_93 : i32
    %rem3A_95 = arith.constant 16 : i32
    %rem3A_96 = arith.remsi %add3A_94, %rem3A_95 : i32
    %mul3A_97 = arith.constant 640 : i32
    %mul3A_98 = arith.muli %rem3A_96, %mul3A_97 : i32
    %dma_start3A_99 = tpu.memref_slice %arg10[%mul3A_98] : memref<10240xf32, #tpu.memory_space<vmem>> -> memref<640xf32, #tpu.memory_space<vmem>>
    %dma_start3A_100 = tpu.memref_slice %arg5[%arg0, %mul3A_98] : memref<2x10240xf32, #tpu.memory_space<hbm>> -> memref<1x640xf32, #tpu.memory_space<hbm>>
    %dma_start3A_101 = tpu.memref_squeeze %dma_start3A_100 : memref<1x640xf32, #tpu.memory_space<hbm>> -> memref<640xf32, #tpu.memory_space<hbm>>
    %dma_start3A_102 = tpu.memref_slice %arg10[%mul3A_98] : memref<10240xf32, #tpu.memory_space<vmem>> -> memref<640xf32, #tpu.memory_space<vmem>>
    %dma_start3A_103 = tpu.memref_slice %arg5[%arg0, %mul3A_98] : memref<2x10240xf32, #tpu.memory_space<hbm>> -> memref<1x640xf32, #tpu.memory_space<hbm>>
    %dma_start3A_104 = tpu.memref_squeeze %dma_start3A_103 : memref<1x640xf32, #tpu.memory_space<hbm>> -> memref<640xf32, #tpu.memory_space<hbm>>
    tpu.enqueue_dma source(%dma_start3A_104 : memref<640xf32, #tpu.memory_space<hbm>>) target(%dma_start3A_102 : memref<640xf32, #tpu.memory_space<vmem>>) target_semaphore(%arg14 : memref<!tpu.dma_semaphore, #tpu.memory_space<semaphore_mem>>)
    %add3A_105 = arith.constant 7 : i32
    %add3A_106 = arith.addi %arg1, %add3A_105 : i32
    %rem3A_107 = arith.constant 16 : i32
    %rem3A_108 = arith.remsi %add3A_106, %rem3A_107 : i32
    %mul3A_109 = arith.constant 640 : i32
    %mul3A_110 = arith.muli %rem3A_108, %mul3A_109 : i32
    %dma_start3A_111 = tpu.memref_slice %arg10[%mul3A_110] : memref<10240xf32, #tpu.memory_space<vmem>> -> memref<640xf32, #tpu.memory_space<vmem>>
    %dma_start3A_112 = tpu.memref_slice %arg5[%arg0, %mul3A_110] : memref<2x10240xf32, #tpu.memory_space<hbm>> -> memref<1x640xf32, #tpu.memory_space<hbm>>
    %dma_start3A_113 = tpu.memref_squeeze %dma_start3A_112 : memref<1x640xf32, #tpu.memory_space<hbm>> -> memref<640xf32, #tpu.memory_space<hbm>>
    %dma_start3A_114 = tpu.memref_slice %arg10[%mul3A_110] : memref<10240xf32, #tpu.memory_space<vmem>> -> memref<640xf32, #tpu.memory_space<vmem>>
    %dma_start3A_115 = tpu.memref_slice %arg5[%arg0, %mul3A_110] : memref<2x10240xf32, #tpu.memory_space<hbm>> -> memref<1x640xf32, #tpu.memory_space<hbm>>
    %dma_start3A_116 = tpu.memref_squeeze %dma_start3A_115 : memref<1x640xf32, #tpu.memory_space<hbm>> -> memref<640xf32, #tpu.memory_space<hbm>>
    tpu.enqueue_dma source(%dma_start3A_116 : memref<640xf32, #tpu.memory_space<hbm>>) target(%dma_start3A_114 : memref<640xf32, #tpu.memory_space<vmem>>) target_semaphore(%arg14 : memref<!tpu.dma_semaphore, #tpu.memory_space<semaphore_mem>>)
    %add3A_117 = arith.constant 8 : i32
    %add3A_118 = arith.addi %arg1, %add3A_117 : i32
    %rem3A_119 = arith.constant 16 : i32
    %rem3A_120 = arith.remsi %add3A_118, %rem3A_119 : i32
    %mul3A_121 = arith.constant 640 : i32
    %mul3A_122 = arith.muli %rem3A_120, %mul3A_121 : i32
    %dma_start3A_123 = tpu.memref_slice %arg10[%mul3A_122] : memref<10240xf32, #tpu.memory_space<vmem>> -> memref<640xf32, #tpu.memory_space<vmem>>
    %dma_start3A_124 = tpu.memref_slice %arg5[%arg0, %mul3A_122] : memref<2x10240xf32, #tpu.memory_space<hbm>> -> memref<1x640xf32, #tpu.memory_space<hbm>>
    %dma_start3A_125 = tpu.memref_squeeze %dma_start3A_124 : memref<1x640xf32, #tpu.memory_space<hbm>> -> memref<640xf32, #tpu.memory_space<hbm>>
    %dma_start3A_126 = tpu.memref_slice %arg10[%mul3A_122] : memref<10240xf32, #tpu.memory_space<vmem>> -> memref<640xf32, #tpu.memory_space<vmem>>
    %dma_start3A_127 = tpu.memref_slice %arg5[%arg0, %mul3A_122] : memref<2x10240xf32, #tpu.memory_space<hbm>> -> memref<1x640xf32, #tpu.memory_space<hbm>>
    %dma_start3A_128 = tpu.memref_squeeze %dma_start3A_127 : memref<1x640xf32, #tpu.memory_space<hbm>> -> memref<640xf32, #tpu.memory_space<hbm>>
    tpu.enqueue_dma source(%dma_start3A_128 : memref<640xf32, #tpu.memory_space<hbm>>) target(%dma_start3A_126 : memref<640xf32, #tpu.memory_space<vmem>>) target_semaphore(%arg14 : memref<!tpu.dma_semaphore, #tpu.memory_space<semaphore_mem>>)
    %add3A_129 = arith.constant 9 : i32
    %add3A_130 = arith.addi %arg1, %add3A_129 : i32
    %rem3A_131 = arith.constant 16 : i32
    %rem3A_132 = arith.remsi %add3A_130, %rem3A_131 : i32
    %mul3A_133 = arith.constant 640 : i32
    %mul3A_134 = arith.muli %rem3A_132, %mul3A_133 : i32
    %dma_start3A_135 = tpu.memref_slice %arg10[%mul3A_134] : memref<10240xf32, #tpu.memory_space<vmem>> -> memref<640xf32, #tpu.memory_space<vmem>>
    %dma_start3A_136 = tpu.memref_slice %arg5[%arg0, %mul3A_134] : memref<2x10240xf32, #tpu.memory_space<hbm>> -> memref<1x640xf32, #tpu.memory_space<hbm>>
    %dma_start3A_137 = tpu.memref_squeeze %dma_start3A_136 : memref<1x640xf32, #tpu.memory_space<hbm>> -> memref<640xf32, #tpu.memory_space<hbm>>
    %dma_start3A_138 = tpu.memref_slice %arg10[%mul3A_134] : memref<10240xf32, #tpu.memory_space<vmem>> -> memref<640xf32, #tpu.memory_space<vmem>>
    %dma_start3A_139 = tpu.memref_slice %arg5[%arg0, %mul3A_134] : memref<2x10240xf32, #tpu.memory_space<hbm>> -> memref<1x640xf32, #tpu.memory_space<hbm>>
    %dma_start3A_140 = tpu.memref_squeeze %dma_start3A_139 : memref<1x640xf32, #tpu.memory_space<hbm>> -> memref<640xf32, #tpu.memory_space<hbm>>
    tpu.enqueue_dma source(%dma_start3A_140 : memref<640xf32, #tpu.memory_space<hbm>>) target(%dma_start3A_138 : memref<640xf32, #tpu.memory_space<vmem>>) target_semaphore(%arg14 : memref<!tpu.dma_semaphore, #tpu.memory_space<semaphore_mem>>)
    %add3A_141 = arith.constant 10 : i32
    %add3A_142 = arith.addi %arg1, %add3A_141 : i32
    %rem3A_143 = arith.constant 16 : i32
    %rem3A_144 = arith.remsi %add3A_142, %rem3A_143 : i32
    %mul3A_145 = arith.constant 640 : i32
    %mul3A_146 = arith.muli %rem3A_144, %mul3A_145 : i32
    %dma_start3A_147 = tpu.memref_slice %arg10[%mul3A_146] : memref<10240xf32, #tpu.memory_space<vmem>> -> memref<640xf32, #tpu.memory_space<vmem>>
    %dma_start3A_148 = tpu.memref_slice %arg5[%arg0, %mul3A_146] : memref<2x10240xf32, #tpu.memory_space<hbm>> -> memref<1x640xf32, #tpu.memory_space<hbm>>
    %dma_start3A_149 = tpu.memref_squeeze %dma_start3A_148 : memref<1x640xf32, #tpu.memory_space<hbm>> -> memref<640xf32, #tpu.memory_space<hbm>>
    %dma_start3A_150 = tpu.memref_slice %arg10[%mul3A_146] : memref<10240xf32, #tpu.memory_space<vmem>> -> memref<640xf32, #tpu.memory_space<vmem>>
    %dma_start3A_151 = tpu.memref_slice %arg5[%arg0, %mul3A_146] : memref<2x10240xf32, #tpu.memory_space<hbm>> -> memref<1x640xf32, #tpu.memory_space<hbm>>
    %dma_start3A_152 = tpu.memref_squeeze %dma_start3A_151 : memref<1x640xf32, #tpu.memory_space<hbm>> -> memref<640xf32, #tpu.memory_space<hbm>>
    tpu.enqueue_dma source(%dma_start3A_152 : memref<640xf32, #tpu.memory_space<hbm>>) target(%dma_start3A_150 : memref<640xf32, #tpu.memory_space<vmem>>) target_semaphore(%arg14 : memref<!tpu.dma_semaphore, #tpu.memory_space<semaphore_mem>>)
    %add3A_153 = arith.constant 11 : i32
    %add3A_154 = arith.addi %arg1, %add3A_153 : i32
    %rem3A_155 = arith.constant 16 : i32
    %rem3A_156 = arith.remsi %add3A_154, %rem3A_155 : i32
    %mul3A_157 = arith.constant 640 : i32
    %mul3A_158 = arith.muli %rem3A_156, %mul3A_157 : i32
    %dma_start3A_159 = tpu.memref_slice %arg10[%mul3A_158] : memref<10240xf32, #tpu.memory_space<vmem>> -> memref<640xf32, #tpu.memory_space<vmem>>
    %dma_start3A_160 = tpu.memref_slice %arg5[%arg0, %mul3A_158] : memref<2x10240xf32, #tpu.memory_space<hbm>> -> memref<1x640xf32, #tpu.memory_space<hbm>>
    %dma_start3A_161 = tpu.memref_squeeze %dma_start3A_160 : memref<1x640xf32, #tpu.memory_space<hbm>> -> memref<640xf32, #tpu.memory_space<hbm>>
    %dma_start3A_162 = tpu.memref_slice %arg10[%mul3A_158] : memref<10240xf32, #tpu.memory_space<vmem>> -> memref<640xf32, #tpu.memory_space<vmem>>
    %dma_start3A_163 = tpu.memref_slice %arg5[%arg0, %mul3A_158] : memref<2x10240xf32, #tpu.memory_space<hbm>> -> memref<1x640xf32, #tpu.memory_space<hbm>>
    %dma_start3A_164 = tpu.memref_squeeze %dma_start3A_163 : memref<1x640xf32, #tpu.memory_space<hbm>> -> memref<640xf32, #tpu.memory_space<hbm>>
    tpu.enqueue_dma source(%dma_start3A_164 : memref<640xf32, #tpu.memory_space<hbm>>) target(%dma_start3A_162 : memref<640xf32, #tpu.memory_space<vmem>>) target_semaphore(%arg14 : memref<!tpu.dma_semaphore, #tpu.memory_space<semaphore_mem>>)
    %add3A_165 = arith.constant 12 : i32
    %add3A_166 = arith.addi %arg1, %add3A_165 : i32
    %rem3A_167 = arith.constant 16 : i32
    %rem3A_168 = arith.remsi %add3A_166, %rem3A_167 : i32
    %mul3A_169 = arith.constant 640 : i32
    %mul3A_170 = arith.muli %rem3A_168, %mul3A_169 : i32
    %dma_start3A_171 = tpu.memref_slice %arg10[%mul3A_170] : memref<10240xf32, #tpu.memory_space<vmem>> -> memref<640xf32, #tpu.memory_space<vmem>>
    %dma_start3A_172 = tpu.memref_slice %arg5[%arg0, %mul3A_170] : memref<2x10240xf32, #tpu.memory_space<hbm>> -> memref<1x640xf32, #tpu.memory_space<hbm>>
    %dma_start3A_173 = tpu.memref_squeeze %dma_start3A_172 : memref<1x640xf32, #tpu.memory_space<hbm>> -> memref<640xf32, #tpu.memory_space<hbm>>
    %dma_start3A_174 = tpu.memref_slice %arg10[%mul3A_170] : memref<10240xf32, #tpu.memory_space<vmem>> -> memref<640xf32, #tpu.memory_space<vmem>>
    %dma_start3A_175 = tpu.memref_slice %arg5[%arg0, %mul3A_170] : memref<2x10240xf32, #tpu.memory_space<hbm>> -> memref<1x640xf32, #tpu.memory_space<hbm>>
    %dma_start3A_176 = tpu.memref_squeeze %dma_start3A_175 : memref<1x640xf32, #tpu.memory_space<hbm>> -> memref<640xf32, #tpu.memory_space<hbm>>
    tpu.enqueue_dma source(%dma_start3A_176 : memref<640xf32, #tpu.memory_space<hbm>>) target(%dma_start3A_174 : memref<640xf32, #tpu.memory_space<vmem>>) target_semaphore(%arg14 : memref<!tpu.dma_semaphore, #tpu.memory_space<semaphore_mem>>)
    %add3A_177 = arith.constant 13 : i32
    %add3A_178 = arith.addi %arg1, %add3A_177 : i32
    %rem3A_179 = arith.constant 16 : i32
    %rem3A_180 = arith.remsi %add3A_178, %rem3A_179 : i32
    %mul3A_181 = arith.constant 640 : i32
    %mul3A_182 = arith.muli %rem3A_180, %mul3A_181 : i32
    %dma_start3A_183 = tpu.memref_slice %arg10[%mul3A_182] : memref<10240xf32, #tpu.memory_space<vmem>> -> memref<640xf32, #tpu.memory_space<vmem>>
    %dma_start3A_184 = tpu.memref_slice %arg5[%arg0, %mul3A_182] : memref<2x10240xf32, #tpu.memory_space<hbm>> -> memref<1x640xf32, #tpu.memory_space<hbm>>
    %dma_start3A_185 = tpu.memref_squeeze %dma_start3A_184 : memref<1x640xf32, #tpu.memory_space<hbm>> -> memref<640xf32, #tpu.memory_space<hbm>>
    %dma_start3A_186 = tpu.memref_slice %arg10[%mul3A_182] : memref<10240xf32, #tpu.memory_space<vmem>> -> memref<640xf32, #tpu.memory_space<vmem>>
    %dma_start3A_187 = tpu.memref_slice %arg5[%arg0, %mul3A_182] : memref<2x10240xf32, #tpu.memory_space<hbm>> -> memref<1x640xf32, #tpu.memory_space<hbm>>
    %dma_start3A_188 = tpu.memref_squeeze %dma_start3A_187 : memref<1x640xf32, #tpu.memory_space<hbm>> -> memref<640xf32, #tpu.memory_space<hbm>>
    tpu.enqueue_dma source(%dma_start3A_188 : memref<640xf32, #tpu.memory_space<hbm>>) target(%dma_start3A_186 : memref<640xf32, #tpu.memory_space<vmem>>) target_semaphore(%arg14 : memref<!tpu.dma_semaphore, #tpu.memory_space<semaphore_mem>>)
    %add3A_189 = arith.constant 14 : i32
    %add3A_190 = arith.addi %arg1, %add3A_189 : i32
    %rem3A_191 = arith.constant 16 : i32
    %rem3A_192 = arith.remsi %add3A_190, %rem3A_191 : i32
    %mul3A_193 = arith.constant 640 : i32
    %mul3A_194 = arith.muli %rem3A_192, %mul3A_193 : i32
    %dma_start3A_195 = tpu.memref_slice %arg10[%mul3A_194] : memref<10240xf32, #tpu.memory_space<vmem>> -> memref<640xf32, #tpu.memory_space<vmem>>
    %dma_start3A_196 = tpu.memref_slice %arg5[%arg0, %mul3A_194] : memref<2x10240xf32, #tpu.memory_space<hbm>> -> memref<1x640xf32, #tpu.memory_space<hbm>>
    %dma_start3A_197 = tpu.memref_squeeze %dma_start3A_196 : memref<1x640xf32, #tpu.memory_space<hbm>> -> memref<640xf32, #tpu.memory_space<hbm>>
    %dma_start3A_198 = tpu.memref_slice %arg10[%mul3A_194] : memref<10240xf32, #tpu.memory_space<vmem>> -> memref<640xf32, #tpu.memory_space<vmem>>
    %dma_start3A_199 = tpu.memref_slice %arg5[%arg0, %mul3A_194] : memref<2x10240xf32, #tpu.memory_space<hbm>> -> memref<1x640xf32, #tpu.memory_space<hbm>>
    %dma_start3A_200 = tpu.memref_squeeze %dma_start3A_199 : memref<1x640xf32, #tpu.memory_space<hbm>> -> memref<640xf32, #tpu.memory_space<hbm>>
    tpu.enqueue_dma source(%dma_start3A_200 : memref<640xf32, #tpu.memory_space<hbm>>) target(%dma_start3A_198 : memref<640xf32, #tpu.memory_space<vmem>>) target_semaphore(%arg14 : memref<!tpu.dma_semaphore, #tpu.memory_space<semaphore_mem>>)
    %add3A_201 = arith.constant 15 : i32
    %add3A_202 = arith.addi %arg1, %add3A_201 : i32
    %rem3A_203 = arith.constant 16 : i32
    %rem3A_204 = arith.remsi %add3A_202, %rem3A_203 : i32
    %mul3A_205 = arith.constant 640 : i32
    %mul3A_206 = arith.muli %rem3A_204, %mul3A_205 : i32
    %dma_start3A_207 = tpu.memref_slice %arg10[%mul3A_206] : memref<10240xf32, #tpu.memory_space<vmem>> -> memref<640xf32, #tpu.memory_space<vmem>>
    %dma_start3A_208 = tpu.memref_slice %arg5[%arg0, %mul3A_206] : memref<2x10240xf32, #tpu.memory_space<hbm>> -> memref<1x640xf32, #tpu.memory_space<hbm>>
    %dma_start3A_209 = tpu.memref_squeeze %dma_start3A_208 : memref<1x640xf32, #tpu.memory_space<hbm>> -> memref<640xf32, #tpu.memory_space<hbm>>
    %dma_start3A_210 = tpu.memref_slice %arg10[%mul3A_206] : memref<10240xf32, #tpu.memory_space<vmem>> -> memref<640xf32, #tpu.memory_space<vmem>>
    %dma_start3A_211 = tpu.memref_slice %arg5[%arg0, %mul3A_206] : memref<2x10240xf32, #tpu.memory_space<hbm>> -> memref<1x640xf32, #tpu.memory_space<hbm>>
    %dma_start3A_212 = tpu.memref_squeeze %dma_start3A_211 : memref<1x640xf32, #tpu.memory_space<hbm>> -> memref<640xf32, #tpu.memory_space<hbm>>
    tpu.enqueue_dma source(%dma_start3A_212 : memref<640xf32, #tpu.memory_space<hbm>>) target(%dma_start3A_210 : memref<640xf32, #tpu.memory_space<vmem>>) target_semaphore(%arg14 : memref<!tpu.dma_semaphore, #tpu.memory_space<semaphore_mem>>)
    %dma_wait3A_213 = tpu.memref_slice %arg10[%mul3A_26] : memref<10240xf32, #tpu.memory_space<vmem>> -> memref<640xf32, #tpu.memory_space<vmem>>
    %dma_wait3A_214 = tpu.memref_slice %arg5[%arg0, %mul3A_26] : memref<2x10240xf32, #tpu.memory_space<hbm>> -> memref<1x640xf32, #tpu.memory_space<hbm>>
    %dma_wait3A_215 = tpu.memref_squeeze %dma_wait3A_214 : memref<1x640xf32, #tpu.memory_space<hbm>> -> memref<640xf32, #tpu.memory_space<hbm>>
    %dma_wait3A_216 = tpu.memref_slice %arg10[%mul3A_26] : memref<10240xf32, #tpu.memory_space<vmem>> -> memref<640xf32, #tpu.memory_space<vmem>>
    %dma_wait3A_217 = tpu.memref_slice %arg5[%arg0, %mul3A_26] : memref<2x10240xf32, #tpu.memory_space<hbm>> -> memref<1x640xf32, #tpu.memory_space<hbm>>
    %dma_wait3A_218 = tpu.memref_squeeze %dma_wait3A_217 : memref<1x640xf32, #tpu.memory_space<hbm>> -> memref<640xf32, #tpu.memory_space<hbm>>
    tpu.wait_dma2 semaphore(%arg14 : memref<!tpu.dma_semaphore, #tpu.memory_space<semaphore_mem>>) src(%dma_wait3A_218 : memref<640xf32, #tpu.memory_space<hbm>>) dst(%dma_wait3A_216 : memref<640xf32, #tpu.memory_space<vmem>>)
    %dma_wait3A_219 = tpu.memref_slice %arg10[%mul3A_38] : memref<10240xf32, #tpu.memory_space<vmem>> -> memref<640xf32, #tpu.memory_space<vmem>>
    %dma_wait3A_220 = tpu.memref_slice %arg5[%arg0, %mul3A_38] : memref<2x10240xf32, #tpu.memory_space<hbm>> -> memref<1x640xf32, #tpu.memory_space<hbm>>
    %dma_wait3A_221 = tpu.memref_squeeze %dma_wait3A_220 : memref<1x640xf32, #tpu.memory_space<hbm>> -> memref<640xf32, #tpu.memory_space<hbm>>
    %dma_wait3A_222 = tpu.memref_slice %arg10[%mul3A_38] : memref<10240xf32, #tpu.memory_space<vmem>> -> memref<640xf32, #tpu.memory_space<vmem>>
    %dma_wait3A_223 = tpu.memref_slice %arg5[%arg0, %mul3A_38] : memref<2x10240xf32, #tpu.memory_space<hbm>> -> memref<1x640xf32, #tpu.memory_space<hbm>>
    %dma_wait3A_224 = tpu.memref_squeeze %dma_wait3A_223 : memref<1x640xf32, #tpu.memory_space<hbm>> -> memref<640xf32, #tpu.memory_space<hbm>>
    tpu.wait_dma2 semaphore(%arg14 : memref<!tpu.dma_semaphore, #tpu.memory_space<semaphore_mem>>) src(%dma_wait3A_224 : memref<640xf32, #tpu.memory_space<hbm>>) dst(%dma_wait3A_222 : memref<640xf32, #tpu.memory_space<vmem>>)
    %dma_wait3A_225 = tpu.memref_slice %arg10[%mul3A_50] : memref<10240xf32, #tpu.memory_space<vmem>> -> memref<640xf32, #tpu.memory_space<vmem>>
    %dma_wait3A_226 = tpu.memref_slice %arg5[%arg0, %mul3A_50] : memref<2x10240xf32, #tpu.memory_space<hbm>> -> memref<1x640xf32, #tpu.memory_space<hbm>>
    %dma_wait3A_227 = tpu.memref_squeeze %dma_wait3A_226 : memref<1x640xf32, #tpu.memory_space<hbm>> -> memref<640xf32, #tpu.memory_space<hbm>>
    %dma_wait3A_228 = tpu.memref_slice %arg10[%mul3A_50] : memref<10240xf32, #tpu.memory_space<vmem>> -> memref<640xf32, #tpu.memory_space<vmem>>
    %dma_wait3A_229 = tpu.memref_slice %arg5[%arg0, %mul3A_50] : memref<2x10240xf32, #tpu.memory_space<hbm>> -> memref<1x640xf32, #tpu.memory_space<hbm>>
    %dma_wait3A_230 = tpu.memref_squeeze %dma_wait3A_229 : memref<1x640xf32, #tpu.memory_space<hbm>> -> memref<640xf32, #tpu.memory_space<hbm>>
    tpu.wait_dma2 semaphore(%arg14 : memref<!tpu.dma_semaphore, #tpu.memory_space<semaphore_mem>>) src(%dma_wait3A_230 : memref<640xf32, #tpu.memory_space<hbm>>) dst(%dma_wait3A_228 : memref<640xf32, #tpu.memory_space<vmem>>)
    %dma_wait3A_231 = tpu.memref_slice %arg10[%mul3A_62] : memref<10240xf32, #tpu.memory_space<vmem>> -> memref<640xf32, #tpu.memory_space<vmem>>
    %dma_wait3A_232 = tpu.memref_slice %arg5[%arg0, %mul3A_62] : memref<2x10240xf32, #tpu.memory_space<hbm>> -> memref<1x640xf32, #tpu.memory_space<hbm>>
    %dma_wait3A_233 = tpu.memref_squeeze %dma_wait3A_232 : memref<1x640xf32, #tpu.memory_space<hbm>> -> memref<640xf32, #tpu.memory_space<hbm>>
    %dma_wait3A_234 = tpu.memref_slice %arg10[%mul3A_62] : memref<10240xf32, #tpu.memory_space<vmem>> -> memref<640xf32, #tpu.memory_space<vmem>>
    %dma_wait3A_235 = tpu.memref_slice %arg5[%arg0, %mul3A_62] : memref<2x10240xf32, #tpu.memory_space<hbm>> -> memref<1x640xf32, #tpu.memory_space<hbm>>
    %dma_wait3A_236 = tpu.memref_squeeze %dma_wait3A_235 : memref<1x640xf32, #tpu.memory_space<hbm>> -> memref<640xf32, #tpu.memory_space<hbm>>
    tpu.wait_dma2 semaphore(%arg14 : memref<!tpu.dma_semaphore, #tpu.memory_space<semaphore_mem>>) src(%dma_wait3A_236 : memref<640xf32, #tpu.memory_space<hbm>>) dst(%dma_wait3A_234 : memref<640xf32, #tpu.memory_space<vmem>>)
    %dma_wait3A_237 = tpu.memref_slice %arg10[%mul3A_74] : memref<10240xf32, #tpu.memory_space<vmem>> -> memref<640xf32, #tpu.memory_space<vmem>>
    %dma_wait3A_238 = tpu.memref_slice %arg5[%arg0, %mul3A_74] : memref<2x10240xf32, #tpu.memory_space<hbm>> -> memref<1x640xf32, #tpu.memory_space<hbm>>
    %dma_wait3A_239 = tpu.memref_squeeze %dma_wait3A_238 : memref<1x640xf32, #tpu.memory_space<hbm>> -> memref<640xf32, #tpu.memory_space<hbm>>
    %dma_wait3A_240 = tpu.memref_slice %arg10[%mul3A_74] : memref<10240xf32, #tpu.memory_space<vmem>> -> memref<640xf32, #tpu.memory_space<vmem>>
    %dma_wait3A_241 = tpu.memref_slice %arg5[%arg0, %mul3A_74] : memref<2x10240xf32, #tpu.memory_space<hbm>> -> memref<1x640xf32, #tpu.memory_space<hbm>>
    %dma_wait3A_242 = tpu.memref_squeeze %dma_wait3A_241 : memref<1x640xf32, #tpu.memory_space<hbm>> -> memref<640xf32, #tpu.memory_space<hbm>>
    tpu.wait_dma2 semaphore(%arg14 : memref<!tpu.dma_semaphore, #tpu.memory_space<semaphore_mem>>) src(%dma_wait3A_242 : memref<640xf32, #tpu.memory_space<hbm>>) dst(%dma_wait3A_240 : memref<640xf32, #tpu.memory_space<vmem>>)
    %dma_wait3A_243 = tpu.memref_slice %arg10[%mul3A_86] : memref<10240xf32, #tpu.memory_space<vmem>> -> memref<640xf32, #tpu.memory_space<vmem>>
    %dma_wait3A_244 = tpu.memref_slice %arg5[%arg0, %mul3A_86] : memref<2x10240xf32, #tpu.memory_space<hbm>> -> memref<1x640xf32, #tpu.memory_space<hbm>>
    %dma_wait3A_245 = tpu.memref_squeeze %dma_wait3A_244 : memref<1x640xf32, #tpu.memory_space<hbm>> -> memref<640xf32, #tpu.memory_space<hbm>>
    %dma_wait3A_246 = tpu.memref_slice %arg10[%mul3A_86] : memref<10240xf32, #tpu.memory_space<vmem>> -> memref<640xf32, #tpu.memory_space<vmem>>
    %dma_wait3A_247 = tpu.memref_slice %arg5[%arg0, %mul3A_86] : memref<2x10240xf32, #tpu.memory_space<hbm>> -> memref<1x640xf32, #tpu.memory_space<hbm>>
    %dma_wait3A_248 = tpu.memref_squeeze %dma_wait3A_247 : memref<1x640xf32, #tpu.memory_space<hbm>> -> memref<640xf32, #tpu.memory_space<hbm>>
    tpu.wait_dma2 semaphore(%arg14 : memref<!tpu.dma_semaphore, #tpu.memory_space<semaphore_mem>>) src(%dma_wait3A_248 : memref<640xf32, #tpu.memory_space<hbm>>) dst(%dma_wait3A_246 : memref<640xf32, #tpu.memory_space<vmem>>)
    %dma_wait3A_249 = tpu.memref_slice %arg10[%mul3A_98] : memref<10240xf32, #tpu.memory_space<vmem>> -> memref<640xf32, #tpu.memory_space<vmem>>
    %dma_wait3A_250 = tpu.memref_slice %arg5[%arg0, %mul3A_98] : memref<2x10240xf32, #tpu.memory_space<hbm>> -> memref<1x640xf32, #tpu.memory_space<hbm>>
    %dma_wait3A_251 = tpu.memref_squeeze %dma_wait3A_250 : memref<1x640xf32, #tpu.memory_space<hbm>> -> memref<640xf32, #tpu.memory_space<hbm>>
    %dma_wait3A_252 = tpu.memref_slice %arg10[%mul3A_98] : memref<10240xf32, #tpu.memory_space<vmem>> -> memref<640xf32, #tpu.memory_space<vmem>>
    %dma_wait3A_253 = tpu.memref_slice %arg5[%arg0, %mul3A_98] : memref<2x10240xf32, #tpu.memory_space<hbm>> -> memref<1x640xf32, #tpu.memory_space<hbm>>
    %dma_wait3A_254 = tpu.memref_squeeze %dma_wait3A_253 : memref<1x640xf32, #tpu.memory_space<hbm>> -> memref<640xf32, #tpu.memory_space<hbm>>
    tpu.wait_dma2 semaphore(%arg14 : memref<!tpu.dma_semaphore, #tpu.memory_space<semaphore_mem>>) src(%dma_wait3A_254 : memref<640xf32, #tpu.memory_space<hbm>>) dst(%dma_wait3A_252 : memref<640xf32, #tpu.memory_space<vmem>>)
    %dma_wait3A_255 = tpu.memref_slice %arg10[%mul3A_110] : memref<10240xf32, #tpu.memory_space<vmem>> -> memref<640xf32, #tpu.memory_space<vmem>>
    %dma_wait3A_256 = tpu.memref_slice %arg5[%arg0, %mul3A_110] : memref<2x10240xf32, #tpu.memory_space<hbm>> -> memref<1x640xf32, #tpu.memory_space<hbm>>
    %dma_wait3A_257 = tpu.memref_squeeze %dma_wait3A_256 : memref<1x640xf32, #tpu.memory_space<hbm>> -> memref<640xf32, #tpu.memory_space<hbm>>
    %dma_wait3A_258 = tpu.memref_slice %arg10[%mul3A_110] : memref<10240xf32, #tpu.memory_space<vmem>> -> memref<640xf32, #tpu.memory_space<vmem>>
    %dma_wait3A_259 = tpu.memref_slice %arg5[%arg0, %mul3A_110] : memref<2x10240xf32, #tpu.memory_space<hbm>> -> memref<1x640xf32, #tpu.memory_space<hbm>>
    %dma_wait3A_260 = tpu.memref_squeeze %dma_wait3A_259 : memref<1x640xf32, #tpu.memory_space<hbm>> -> memref<640xf32, #tpu.memory_space<hbm>>
    tpu.wait_dma2 semaphore(%arg14 : memref<!tpu.dma_semaphore, #tpu.memory_space<semaphore_mem>>) src(%dma_wait3A_260 : memref<640xf32, #tpu.memory_space<hbm>>) dst(%dma_wait3A_258 : memref<640xf32, #tpu.memory_space<vmem>>)
    %dma_wait3A_261 = tpu.memref_slice %arg10[%mul3A_122] : memref<10240xf32, #tpu.memory_space<vmem>> -> memref<640xf32, #tpu.memory_space<vmem>>
    %dma_wait3A_262 = tpu.memref_slice %arg5[%arg0, %mul3A_122] : memref<2x10240xf32, #tpu.memory_space<hbm>> -> memref<1x640xf32, #tpu.memory_space<hbm>>
    %dma_wait3A_263 = tpu.memref_squeeze %dma_wait3A_262 : memref<1x640xf32, #tpu.memory_space<hbm>> -> memref<640xf32, #tpu.memory_space<hbm>>
    %dma_wait3A_264 = tpu.memref_slice %arg10[%mul3A_122] : memref<10240xf32, #tpu.memory_space<vmem>> -> memref<640xf32, #tpu.memory_space<vmem>>
    %dma_wait3A_265 = tpu.memref_slice %arg5[%arg0, %mul3A_122] : memref<2x10240xf32, #tpu.memory_space<hbm>> -> memref<1x640xf32, #tpu.memory_space<hbm>>
    %dma_wait3A_266 = tpu.memref_squeeze %dma_wait3A_265 : memref<1x640xf32, #tpu.memory_space<hbm>> -> memref<640xf32, #tpu.memory_space<hbm>>
    tpu.wait_dma2 semaphore(%arg14 : memref<!tpu.dma_semaphore, #tpu.memory_space<semaphore_mem>>) src(%dma_wait3A_266 : memref<640xf32, #tpu.memory_space<hbm>>) dst(%dma_wait3A_264 : memref<640xf32, #tpu.memory_space<vmem>>)
    %dma_wait3A_267 = tpu.memref_slice %arg10[%mul3A_134] : memref<10240xf32, #tpu.memory_space<vmem>> -> memref<640xf32, #tpu.memory_space<vmem>>
    %dma_wait3A_268 = tpu.memref_slice %arg5[%arg0, %mul3A_134] : memref<2x10240xf32, #tpu.memory_space<hbm>> -> memref<1x640xf32, #tpu.memory_space<hbm>>
    %dma_wait3A_269 = tpu.memref_squeeze %dma_wait3A_268 : memref<1x640xf32, #tpu.memory_space<hbm>> -> memref<640xf32, #tpu.memory_space<hbm>>
    %dma_wait3A_270 = tpu.memref_slice %arg10[%mul3A_134] : memref<10240xf32, #tpu.memory_space<vmem>> -> memref<640xf32, #tpu.memory_space<vmem>>
    %dma_wait3A_271 = tpu.memref_slice %arg5[%arg0, %mul3A_134] : memref<2x10240xf32, #tpu.memory_space<hbm>> -> memref<1x640xf32, #tpu.memory_space<hbm>>
    %dma_wait3A_272 = tpu.memref_squeeze %dma_wait3A_271 : memref<1x640xf32, #tpu.memory_space<hbm>> -> memref<640xf32, #tpu.memory_space<hbm>>
    tpu.wait_dma2 semaphore(%arg14 : memref<!tpu.dma_semaphore, #tpu.memory_space<semaphore_mem>>) src(%dma_wait3A_272 : memref<640xf32, #tpu.memory_space<hbm>>) dst(%dma_wait3A_270 : memref<640xf32, #tpu.memory_space<vmem>>)
    %dma_wait3A_273 = tpu.memref_slice %arg10[%mul3A_146] : memref<10240xf32, #tpu.memory_space<vmem>> -> memref<640xf32, #tpu.memory_space<vmem>>
    %dma_wait3A_274 = tpu.memref_slice %arg5[%arg0, %mul3A_146] : memref<2x10240xf32, #tpu.memory_space<hbm>> -> memref<1x640xf32, #tpu.memory_space<hbm>>
    %dma_wait3A_275 = tpu.memref_squeeze %dma_wait3A_274 : memref<1x640xf32, #tpu.memory_space<hbm>> -> memref<640xf32, #tpu.memory_space<hbm>>
    %dma_wait3A_276 = tpu.memref_slice %arg10[%mul3A_146] : memref<10240xf32, #tpu.memory_space<vmem>> -> memref<640xf32, #tpu.memory_space<vmem>>
    %dma_wait3A_277 = tpu.memref_slice %arg5[%arg0, %mul3A_146] : memref<2x10240xf32, #tpu.memory_space<hbm>> -> memref<1x640xf32, #tpu.memory_space<hbm>>
    %dma_wait3A_278 = tpu.memref_squeeze %dma_wait3A_277 : memref<1x640xf32, #tpu.memory_space<hbm>> -> memref<640xf32, #tpu.memory_space<hbm>>
    tpu.wait_dma2 semaphore(%arg14 : memref<!tpu.dma_semaphore, #tpu.memory_space<semaphore_mem>>) src(%dma_wait3A_278 : memref<640xf32, #tpu.memory_space<hbm>>) dst(%dma_wait3A_276 : memref<640xf32, #tpu.memory_space<vmem>>)
    %dma_wait3A_279 = tpu.memref_slice %arg10[%mul3A_158] : memref<10240xf32, #tpu.memory_space<vmem>> -> memref<640xf32, #tpu.memory_space<vmem>>
    %dma_wait3A_280 = tpu.memref_slice %arg5[%arg0, %mul3A_158] : memref<2x10240xf32, #tpu.memory_space<hbm>> -> memref<1x640xf32, #tpu.memory_space<hbm>>
    %dma_wait3A_281 = tpu.memref_squeeze %dma_wait3A_280 : memref<1x640xf32, #tpu.memory_space<hbm>> -> memref<640xf32, #tpu.memory_space<hbm>>
    %dma_wait3A_282 = tpu.memref_slice %arg10[%mul3A_158] : memref<10240xf32, #tpu.memory_space<vmem>> -> memref<640xf32, #tpu.memory_space<vmem>>
    %dma_wait3A_283 = tpu.memref_slice %arg5[%arg0, %mul3A_158] : memref<2x10240xf32, #tpu.memory_space<hbm>> -> memref<1x640xf32, #tpu.memory_space<hbm>>
    %dma_wait3A_284 = tpu.memref_squeeze %dma_wait3A_283 : memref<1x640xf32, #tpu.memory_space<hbm>> -> memref<640xf32, #tpu.memory_space<hbm>>
    tpu.wait_dma2 semaphore(%arg14 : memref<!tpu.dma_semaphore, #tpu.memory_space<semaphore_mem>>) src(%dma_wait3A_284 : memref<640xf32, #tpu.memory_space<hbm>>) dst(%dma_wait3A_282 : memref<640xf32, #tpu.memory_space<vmem>>)
    %dma_wait3A_285 = tpu.memref_slice %arg10[%mul3A_170] : memref<10240xf32, #tpu.memory_space<vmem>> -> memref<640xf32, #tpu.memory_space<vmem>>
    %dma_wait3A_286 = tpu.memref_slice %arg5[%arg0, %mul3A_170] : memref<2x10240xf32, #tpu.memory_space<hbm>> -> memref<1x640xf32, #tpu.memory_space<hbm>>
    %dma_wait3A_287 = tpu.memref_squeeze %dma_wait3A_286 : memref<1x640xf32, #tpu.memory_space<hbm>> -> memref<640xf32, #tpu.memory_space<hbm>>
    %dma_wait3A_288 = tpu.memref_slice %arg10[%mul3A_170] : memref<10240xf32, #tpu.memory_space<vmem>> -> memref<640xf32, #tpu.memory_space<vmem>>
    %dma_wait3A_289 = tpu.memref_slice %arg5[%arg0, %mul3A_170] : memref<2x10240xf32, #tpu.memory_space<hbm>> -> memref<1x640xf32, #tpu.memory_space<hbm>>
    %dma_wait3A_290 = tpu.memref_squeeze %dma_wait3A_289 : memref<1x640xf32, #tpu.memory_space<hbm>> -> memref<640xf32, #tpu.memory_space<hbm>>
    tpu.wait_dma2 semaphore(%arg14 : memref<!tpu.dma_semaphore, #tpu.memory_space<semaphore_mem>>) src(%dma_wait3A_290 : memref<640xf32, #tpu.memory_space<hbm>>) dst(%dma_wait3A_288 : memref<640xf32, #tpu.memory_space<vmem>>)
    %dma_wait3A_291 = tpu.memref_slice %arg10[%mul3A_182] : memref<10240xf32, #tpu.memory_space<vmem>> -> memref<640xf32, #tpu.memory_space<vmem>>
    %dma_wait3A_292 = tpu.memref_slice %arg5[%arg0, %mul3A_182] : memref<2x10240xf32, #tpu.memory_space<hbm>> -> memref<1x640xf32, #tpu.memory_space<hbm>>
    %dma_wait3A_293 = tpu.memref_squeeze %dma_wait3A_292 : memref<1x640xf32, #tpu.memory_space<hbm>> -> memref<640xf32, #tpu.memory_space<hbm>>
    %dma_wait3A_294 = tpu.memref_slice %arg10[%mul3A_182] : memref<10240xf32, #tpu.memory_space<vmem>> -> memref<640xf32, #tpu.memory_space<vmem>>
    %dma_wait3A_295 = tpu.memref_slice %arg5[%arg0, %mul3A_182] : memref<2x10240xf32, #tpu.memory_space<hbm>> -> memref<1x640xf32, #tpu.memory_space<hbm>>
    %dma_wait3A_296 = tpu.memref_squeeze %dma_wait3A_295 : memref<1x640xf32, #tpu.memory_space<hbm>> -> memref<640xf32, #tpu.memory_space<hbm>>
    tpu.wait_dma2 semaphore(%arg14 : memref<!tpu.dma_semaphore, #tpu.memory_space<semaphore_mem>>) src(%dma_wait3A_296 : memref<640xf32, #tpu.memory_space<hbm>>) dst(%dma_wait3A_294 : memref<640xf32, #tpu.memory_space<vmem>>)
    %dma_wait3A_297 = tpu.memref_slice %arg10[%mul3A_194] : memref<10240xf32, #tpu.memory_space<vmem>> -> memref<640xf32, #tpu.memory_space<vmem>>
    %dma_wait3A_298 = tpu.memref_slice %arg5[%arg0, %mul3A_194] : memref<2x10240xf32, #tpu.memory_space<hbm>> -> memref<1x640xf32, #tpu.memory_space<hbm>>
    %dma_wait3A_299 = tpu.memref_squeeze %dma_wait3A_298 : memref<1x640xf32, #tpu.memory_space<hbm>> -> memref<640xf32, #tpu.memory_space<hbm>>
    %dma_wait3A_300 = tpu.memref_slice %arg10[%mul3A_194] : memref<10240xf32, #tpu.memory_space<vmem>> -> memref<640xf32, #tpu.memory_space<vmem>>
    %dma_wait3A_301 = tpu.memref_slice %arg5[%arg0, %mul3A_194] : memref<2x10240xf32, #tpu.memory_space<hbm>> -> memref<1x640xf32, #tpu.memory_space<hbm>>
    %dma_wait3A_302 = tpu.memref_squeeze %dma_wait3A_301 : memref<1x640xf32, #tpu.memory_space<hbm>> -> memref<640xf32, #tpu.memory_space<hbm>>
    tpu.wait_dma2 semaphore(%arg14 : memref<!tpu.dma_semaphore, #tpu.memory_space<semaphore_mem>>) src(%dma_wait3A_302 : memref<640xf32, #tpu.memory_space<hbm>>) dst(%dma_wait3A_300 : memref<640xf32, #tpu.memory_space<vmem>>)
    %dma_wait3A_303 = tpu.memref_slice %arg10[%mul3A_206] : memref<10240xf32, #tpu.memory_space<vmem>> -> memref<640xf32, #tpu.memory_space<vmem>>
    %dma_wait3A_304 = tpu.memref_slice %arg5[%arg0, %mul3A_206] : memref<2x10240xf32, #tpu.memory_space<hbm>> -> memref<1x640xf32, #tpu.memory_space<hbm>>
    %dma_wait3A_305 = tpu.memref_squeeze %dma_wait3A_304 : memref<1x640xf32, #tpu.memory_space<hbm>> -> memref<640xf32, #tpu.memory_space<hbm>>
    %dma_wait3A_306 = tpu.memref_slice %arg10[%mul3A_206] : memref<10240xf32, #tpu.memory_space<vmem>> -> memref<640xf32, #tpu.memory_space<vmem>>
    %dma_wait3A_307 = tpu.memref_slice %arg5[%arg0, %mul3A_206] : memref<2x10240xf32, #tpu.memory_space<hbm>> -> memref<1x640xf32, #tpu.memory_space<hbm>>
    %dma_wait3A_308 = tpu.memref_squeeze %dma_wait3A_307 : memref<1x640xf32, #tpu.memory_space<hbm>> -> memref<640xf32, #tpu.memory_space<hbm>>
    tpu.wait_dma2 semaphore(%arg14 : memref<!tpu.dma_semaphore, #tpu.memory_space<semaphore_mem>>) src(%dma_wait3A_308 : memref<640xf32, #tpu.memory_space<hbm>>) dst(%dma_wait3A_306 : memref<640xf32, #tpu.memory_space<vmem>>)
    %lt3A_309 = arith.constant 31 : i32
    "tpu.trace_stop"() : () -> ()
    %lt3A_310 = arith.cmpi slt, %add3A, %lt3A_309 : i32
    %jit3A = arith.constant 10112 : i32
    %jit3A_311 = arith.constant 6528 : i32
    %select_n3A = arith.select %lt3A_310, %jit3A, %jit3A_311 : i32
    %parallel_loop3A_312 = arith.constant 0 : i32
    %parallel_loop3A_313 = arith.constant 632 : i32
    %parallel_loop3A_314 = arith.constant 1 : i32
    "tpu.trace_start"() <{level = 10 : i32, message = "ph5_edges"}> : () -> ()
    scf.for %parallel_loop3A_735 = %parallel_loop3A_312 to %parallel_loop3A_313 step %parallel_loop3A_314  : i32 {
      %parallel_loop3A_736 = arith.constant 16 : i32
      %parallel_loop3A_737 = arith.muli %parallel_loop3A_735, %parallel_loop3A_736 : i32
      %parallel_loop3A_738 = vector.broadcast %parallel_loop3A_737 : i32 to vector<16xi32>
      %parallel_loop3A_739 = arith.addi %parallel_loop3A_738, %iota3A : vector<16xi32>
      %parallel_loop3A_740 = vector.broadcast %select_n3A : i32 to vector<16xi32>
      %parallel_loop3A_741 = arith.cmpi slt, %parallel_loop3A_739, %parallel_loop3A_740 : vector<16xi32>
      %parallel_loop3A_742 = arith.constant 16 : i32
      %parallel_loop3A_743 = arith.muli %parallel_loop3A_735, %parallel_loop3A_742 : i32
      %parallel_loop3A_744 = arith.constant 0 : i32
      %parallel_loop3A_745 = arith.index_cast %parallel_loop3A_744 : i32 to index
      %parallel_loop3A_746 = arith.index_cast %parallel_loop3A_743 : i32 to index
      %parallel_loop3A_747 = tpu.vector_load %arg7[%parallel_loop3A_745, %parallel_loop3A_746] {strides = array<i32>} : memref<2x10112xi32, #tpu.memory_space<vmem>>, vector<16xi32>,
      %parallel_loop3A_748 = tpu.vector_load_idx %arg10[%parallel_loop3A_747] masked %parallel_loop3A_741 : memref<10240xf32, #tpu.memory_space<vmem>>[vector<16xi32>], vector<16xf32>, vector<16xi1>
      %parallel_loop3A_749 = arith.constant 16 : i32
      %parallel_loop3A_750 = arith.muli %parallel_loop3A_735, %parallel_loop3A_749 : i32
      %parallel_loop3A_751 = arith.constant 1 : i32
      %parallel_loop3A_752 = arith.index_cast %parallel_loop3A_751 : i32 to index
      %parallel_loop3A_753 = arith.index_cast %parallel_loop3A_750 : i32 to index
      %parallel_loop3A_754 = tpu.vector_load %arg7[%parallel_loop3A_752, %parallel_loop3A_753] {strides = array<i32>} : memref<2x10112xi32, #tpu.memory_space<vmem>>, vector<16xi32>,
      tpu.vector_store_idx %arg11[%parallel_loop3A_754], %parallel_loop3A_748 masked %parallel_loop3A_741 {add = true} : memref<10240xf32, #tpu.memory_space<vmem>>[vector<16xi32>], vector<16xf32>, vector<16xi1>
    } {sc.loop_unroll_factor = 8 : i64, sc.parallel_access}
    "tpu.trace_stop"() : () -> ()
    "tpu.trace_start"() <{level = 10 : i32, message = "ph6_stage"}> : () -> ()
    "tpu.region"() ({
      %run_scoped3A = tpu.sem_alloc : memref<!tpu.dma_semaphore, #tpu.memory_space<semaphore_mem>>
      %dma_start3A_735 = arith.constant 0 : i32
      %dma_start3A_736 = tpu.memref_slice %arg6[%add3A, %dma_start3A_735] : memref<32x10240xf32, #tpu.memory_space<hbm>> -> memref<1x10240xf32, #tpu.memory_space<hbm>>
      %dma_start3A_737 = tpu.memref_squeeze %dma_start3A_736 : memref<1x10240xf32, #tpu.memory_space<hbm>> -> memref<10240xf32, #tpu.memory_space<hbm>>
      %dma_start3A_738 = arith.constant 0 : i32
      %dma_start3A_739 = tpu.memref_slice %arg6[%add3A, %dma_start3A_738] : memref<32x10240xf32, #tpu.memory_space<hbm>> -> memref<1x10240xf32, #tpu.memory_space<hbm>>
      %dma_start3A_740 = tpu.memref_squeeze %dma_start3A_739 : memref<1x10240xf32, #tpu.memory_space<hbm>> -> memref<10240xf32, #tpu.memory_space<hbm>>
      tpu.enqueue_dma source(%arg11 : memref<10240xf32, #tpu.memory_space<vmem>>) target(%dma_start3A_740 : memref<10240xf32, #tpu.memory_space<hbm>>) target_semaphore(%run_scoped3A : memref<!tpu.dma_semaphore, #tpu.memory_space<semaphore_mem>>)
      %dma_wait3A_741 = arith.constant 0 : i32
      %dma_wait3A_742 = tpu.memref_slice %arg6[%add3A, %dma_wait3A_741] : memref<32x10240xf32, #tpu.memory_space<hbm>> -> memref<1x10240xf32, #tpu.memory_space<hbm>>
      %dma_wait3A_743 = tpu.memref_squeeze %dma_wait3A_742 : memref<1x10240xf32, #tpu.memory_space<hbm>> -> memref<10240xf32, #tpu.memory_space<hbm>>
      %dma_wait3A_744 = arith.constant 0 : i32
      %dma_wait3A_745 = tpu.memref_slice %arg6[%add3A, %dma_wait3A_744] : memref<32x10240xf32, #tpu.memory_space<hbm>> -> memref<1x10240xf32, #tpu.memory_space<hbm>>
      %dma_wait3A_746 = tpu.memref_squeeze %dma_wait3A_745 : memref<1x10240xf32, #tpu.memory_space<hbm>> -> memref<10240xf32, #tpu.memory_space<hbm>>
      tpu.wait_dma2 semaphore(%run_scoped3A : memref<!tpu.dma_semaphore, #tpu.memory_space<semaphore_mem>>) src(%arg11 : memref<10240xf32, #tpu.memory_space<vmem>>) dst(%dma_wait3A_746 : memref<10240xf32, #tpu.memory_space<hbm>>)
      tpu.yield
    }) : () -> ()
    "tpu.trace_stop"() : () -> ()
    "tpu.trace_start"() <{level = 10 : i32, message = "ph7_barrier"}> : () -> ()
    %barrier3A_315 = arith.constant 0 : index
    tpu.barrier barrier_id(%barrier3A_315)
    "tpu.trace_stop"() : () -> ()
    "tpu.trace_start"() <{level = 10 : i32, message = "ph8_reduce"}> : () -> ()
    %mul3A_316 = arith.constant 16 : i32
    %mul3A_317 = arith.muli %arg0, %mul3A_316 : i32
    %add3A_318 = arith.constant 0 : i32
    %add3A_319 = arith.addi %mul3A_317, %add3A_318 : i32
    %dma_start3A_320 = arith.constant 0 : i32
    %dma_start3A_321 = arith.constant 0 : i32
    %dma_start3A_322 = tpu.memref_slice %arg12[%dma_start3A_320, %dma_start3A_321] : memref<16x640xf32, #tpu.memory_space<vmem>> -> memref<1x640xf32, #tpu.memory_space<vmem>>
    %dma_start3A_323 = tpu.memref_squeeze %dma_start3A_322 : memref<1x640xf32, #tpu.memory_space<vmem>> -> memref<640xf32, #tpu.memory_space<vmem>>
    %dma_start3A_324 = tpu.memref_slice %arg6[%add3A_319, %mul3A_2] : memref<32x10240xf32, #tpu.memory_space<hbm>> -> memref<1x640xf32, #tpu.memory_space<hbm>>
    %dma_start3A_325 = tpu.memref_squeeze %dma_start3A_324 : memref<1x640xf32, #tpu.memory_space<hbm>> -> memref<640xf32, #tpu.memory_space<hbm>>
    %dma_start3A_326 = arith.constant 0 : i32
    %dma_start3A_327 = tpu.memref_slice %arg12[%dma_start3A_320, %dma_start3A_326] : memref<16x640xf32, #tpu.memory_space<vmem>> -> memref<1x640xf32, #tpu.memory_space<vmem>>
    %dma_start3A_328 = tpu.memref_squeeze %dma_start3A_327 : memref<1x640xf32, #tpu.memory_space<vmem>> -> memref<640xf32, #tpu.memory_space<vmem>>
    %dma_start3A_329 = tpu.memref_slice %arg6[%add3A_319, %mul3A_2] : memref<32x10240xf32, #tpu.memory_space<hbm>> -> memref<1x640xf32, #tpu.memory_space<hbm>>
    %dma_start3A_330 = tpu.memref_squeeze %dma_start3A_329 : memref<1x640xf32, #tpu.memory_space<hbm>> -> memref<640xf32, #tpu.memory_space<hbm>>
    tpu.enqueue_dma source(%dma_start3A_330 : memref<640xf32, #tpu.memory_space<hbm>>) target(%dma_start3A_328 : memref<640xf32, #tpu.memory_space<vmem>>) target_semaphore(%arg13 : memref<!tpu.dma_semaphore, #tpu.memory_space<semaphore_mem>>)
    %mul3A_331 = arith.constant 16 : i32
    %mul3A_332 = arith.muli %arg0, %mul3A_331 : i32
    %add3A_333 = arith.constant 1 : i32
    %add3A_334 = arith.addi %mul3A_332, %add3A_333 : i32
    %dma_start3A_335 = arith.constant 1 : i32
    %dma_start3A_336 = arith.constant 0 : i32
    %dma_start3A_337 = tpu.memref_slice %arg12[%dma_start3A_335, %dma_start3A_336] : memref<16x640xf32, #tpu.memory_space<vmem>> -> memref<1x640xf32, #tpu.memory_space<vmem>>
    %dma_start3A_338 = tpu.memref_squeeze %dma_start3A_337 : memref<1x640xf32, #tpu.memory_space<vmem>> -> memref<640xf32, #tpu.memory_space<vmem>>
    %dma_start3A_339 = tpu.memref_slice %arg6[%add3A_334, %mul3A_2] : memref<32x10240xf32, #tpu.memory_space<hbm>> -> memref<1x640xf32, #tpu.memory_space<hbm>>
    %dma_start3A_340 = tpu.memref_squeeze %dma_start3A_339 : memref<1x640xf32, #tpu.memory_space<hbm>> -> memref<640xf32, #tpu.memory_space<hbm>>
    %dma_start3A_341 = arith.constant 0 : i32
    %dma_start3A_342 = tpu.memref_slice %arg12[%dma_start3A_335, %dma_start3A_341] : memref<16x640xf32, #tpu.memory_space<vmem>> -> memref<1x640xf32, #tpu.memory_space<vmem>>
    %dma_start3A_343 = tpu.memref_squeeze %dma_start3A_342 : memref<1x640xf32, #tpu.memory_space<vmem>> -> memref<640xf32, #tpu.memory_space<vmem>>
    %dma_start3A_344 = tpu.memref_slice %arg6[%add3A_334, %mul3A_2] : memref<32x10240xf32, #tpu.memory_space<hbm>> -> memref<1x640xf32, #tpu.memory_space<hbm>>
    %dma_start3A_345 = tpu.memref_squeeze %dma_start3A_344 : memref<1x640xf32, #tpu.memory_space<hbm>> -> memref<640xf32, #tpu.memory_space<hbm>>
    tpu.enqueue_dma source(%dma_start3A_345 : memref<640xf32, #tpu.memory_space<hbm>>) target(%dma_start3A_343 : memref<640xf32, #tpu.memory_space<vmem>>) target_semaphore(%arg13 : memref<!tpu.dma_semaphore, #tpu.memory_space<semaphore_mem>>)
    %mul3A_346 = arith.constant 16 : i32
    %mul3A_347 = arith.muli %arg0, %mul3A_346 : i32
    %add3A_348 = arith.constant 2 : i32
    %add3A_349 = arith.addi %mul3A_347, %add3A_348 : i32
    %dma_start3A_350 = arith.constant 2 : i32
    %dma_start3A_351 = arith.constant 0 : i32
    %dma_start3A_352 = tpu.memref_slice %arg12[%dma_start3A_350, %dma_start3A_351] : memref<16x640xf32, #tpu.memory_space<vmem>> -> memref<1x640xf32, #tpu.memory_space<vmem>>
    %dma_start3A_353 = tpu.memref_squeeze %dma_start3A_352 : memref<1x640xf32, #tpu.memory_space<vmem>> -> memref<640xf32, #tpu.memory_space<vmem>>
    %dma_start3A_354 = tpu.memref_slice %arg6[%add3A_349, %mul3A_2] : memref<32x10240xf32, #tpu.memory_space<hbm>> -> memref<1x640xf32, #tpu.memory_space<hbm>>
    %dma_start3A_355 = tpu.memref_squeeze %dma_start3A_354 : memref<1x640xf32, #tpu.memory_space<hbm>> -> memref<640xf32, #tpu.memory_space<hbm>>
    %dma_start3A_356 = arith.constant 0 : i32
    %dma_start3A_357 = tpu.memref_slice %arg12[%dma_start3A_350, %dma_start3A_356] : memref<16x640xf32, #tpu.memory_space<vmem>> -> memref<1x640xf32, #tpu.memory_space<vmem>>
    %dma_start3A_358 = tpu.memref_squeeze %dma_start3A_357 : memref<1x640xf32, #tpu.memory_space<vmem>> -> memref<640xf32, #tpu.memory_space<vmem>>
    %dma_start3A_359 = tpu.memref_slice %arg6[%add3A_349, %mul3A_2] : memref<32x10240xf32, #tpu.memory_space<hbm>> -> memref<1x640xf32, #tpu.memory_space<hbm>>
    %dma_start3A_360 = tpu.memref_squeeze %dma_start3A_359 : memref<1x640xf32, #tpu.memory_space<hbm>> -> memref<640xf32, #tpu.memory_space<hbm>>
    tpu.enqueue_dma source(%dma_start3A_360 : memref<640xf32, #tpu.memory_space<hbm>>) target(%dma_start3A_358 : memref<640xf32, #tpu.memory_space<vmem>>) target_semaphore(%arg13 : memref<!tpu.dma_semaphore, #tpu.memory_space<semaphore_mem>>)
    %mul3A_361 = arith.constant 16 : i32
    %mul3A_362 = arith.muli %arg0, %mul3A_361 : i32
    %add3A_363 = arith.constant 3 : i32
    %add3A_364 = arith.addi %mul3A_362, %add3A_363 : i32
    %dma_start3A_365 = arith.constant 3 : i32
    %dma_start3A_366 = arith.constant 0 : i32
    %dma_start3A_367 = tpu.memref_slice %arg12[%dma_start3A_365, %dma_start3A_366] : memref<16x640xf32, #tpu.memory_space<vmem>> -> memref<1x640xf32, #tpu.memory_space<vmem>>
    %dma_start3A_368 = tpu.memref_squeeze %dma_start3A_367 : memref<1x640xf32, #tpu.memory_space<vmem>> -> memref<640xf32, #tpu.memory_space<vmem>>
    %dma_start3A_369 = tpu.memref_slice %arg6[%add3A_364, %mul3A_2] : memref<32x10240xf32, #tpu.memory_space<hbm>> -> memref<1x640xf32, #tpu.memory_space<hbm>>
    %dma_start3A_370 = tpu.memref_squeeze %dma_start3A_369 : memref<1x640xf32, #tpu.memory_space<hbm>> -> memref<640xf32, #tpu.memory_space<hbm>>
    %dma_start3A_371 = arith.constant 0 : i32
    %dma_start3A_372 = tpu.memref_slice %arg12[%dma_start3A_365, %dma_start3A_371] : memref<16x640xf32, #tpu.memory_space<vmem>> -> memref<1x640xf32, #tpu.memory_space<vmem>>
    %dma_start3A_373 = tpu.memref_squeeze %dma_start3A_372 : memref<1x640xf32, #tpu.memory_space<vmem>> -> memref<640xf32, #tpu.memory_space<vmem>>
    %dma_start3A_374 = tpu.memref_slice %arg6[%add3A_364, %mul3A_2] : memref<32x10240xf32, #tpu.memory_space<hbm>> -> memref<1x640xf32, #tpu.memory_space<hbm>>
    %dma_start3A_375 = tpu.memref_squeeze %dma_start3A_374 : memref<1x640xf32, #tpu.memory_space<hbm>> -> memref<640xf32, #tpu.memory_space<hbm>>
    tpu.enqueue_dma source(%dma_start3A_375 : memref<640xf32, #tpu.memory_space<hbm>>) target(%dma_start3A_373 : memref<640xf32, #tpu.memory_space<vmem>>) target_semaphore(%arg13 : memref<!tpu.dma_semaphore, #tpu.memory_space<semaphore_mem>>)
    %mul3A_376 = arith.constant 16 : i32
    %mul3A_377 = arith.muli %arg0, %mul3A_376 : i32
    %add3A_378 = arith.constant 4 : i32
    %add3A_379 = arith.addi %mul3A_377, %add3A_378 : i32
    %dma_start3A_380 = arith.constant 4 : i32
    %dma_start3A_381 = arith.constant 0 : i32
    %dma_start3A_382 = tpu.memref_slice %arg12[%dma_start3A_380, %dma_start3A_381] : memref<16x640xf32, #tpu.memory_space<vmem>> -> memref<1x640xf32, #tpu.memory_space<vmem>>
    %dma_start3A_383 = tpu.memref_squeeze %dma_start3A_382 : memref<1x640xf32, #tpu.memory_space<vmem>> -> memref<640xf32, #tpu.memory_space<vmem>>
    %dma_start3A_384 = tpu.memref_slice %arg6[%add3A_379, %mul3A_2] : memref<32x10240xf32, #tpu.memory_space<hbm>> -> memref<1x640xf32, #tpu.memory_space<hbm>>
    %dma_start3A_385 = tpu.memref_squeeze %dma_start3A_384 : memref<1x640xf32, #tpu.memory_space<hbm>> -> memref<640xf32, #tpu.memory_space<hbm>>
    %dma_start3A_386 = arith.constant 0 : i32
    %dma_start3A_387 = tpu.memref_slice %arg12[%dma_start3A_380, %dma_start3A_386] : memref<16x640xf32, #tpu.memory_space<vmem>> -> memref<1x640xf32, #tpu.memory_space<vmem>>
    %dma_start3A_388 = tpu.memref_squeeze %dma_start3A_387 : memref<1x640xf32, #tpu.memory_space<vmem>> -> memref<640xf32, #tpu.memory_space<vmem>>
    %dma_start3A_389 = tpu.memref_slice %arg6[%add3A_379, %mul3A_2] : memref<32x10240xf32, #tpu.memory_space<hbm>> -> memref<1x640xf32, #tpu.memory_space<hbm>>
    %dma_start3A_390 = tpu.memref_squeeze %dma_start3A_389 : memref<1x640xf32, #tpu.memory_space<hbm>> -> memref<640xf32, #tpu.memory_space<hbm>>
    tpu.enqueue_dma source(%dma_start3A_390 : memref<640xf32, #tpu.memory_space<hbm>>) target(%dma_start3A_388 : memref<640xf32, #tpu.memory_space<vmem>>) target_semaphore(%arg13 : memref<!tpu.dma_semaphore, #tpu.memory_space<semaphore_mem>>)
    %mul3A_391 = arith.constant 16 : i32
    %mul3A_392 = arith.muli %arg0, %mul3A_391 : i32
    %add3A_393 = arith.constant 5 : i32
    %add3A_394 = arith.addi %mul3A_392, %add3A_393 : i32
    %dma_start3A_395 = arith.constant 5 : i32
    %dma_start3A_396 = arith.constant 0 : i32
    %dma_start3A_397 = tpu.memref_slice %arg12[%dma_start3A_395, %dma_start3A_396] : memref<16x640xf32, #tpu.memory_space<vmem>> -> memref<1x640xf32, #tpu.memory_space<vmem>>
    %dma_start3A_398 = tpu.memref_squeeze %dma_start3A_397 : memref<1x640xf32, #tpu.memory_space<vmem>> -> memref<640xf32, #tpu.memory_space<vmem>>
    %dma_start3A_399 = tpu.memref_slice %arg6[%add3A_394, %mul3A_2] : memref<32x10240xf32, #tpu.memory_space<hbm>> -> memref<1x640xf32, #tpu.memory_space<hbm>>
    %dma_start3A_400 = tpu.memref_squeeze %dma_start3A_399 : memref<1x640xf32, #tpu.memory_space<hbm>> -> memref<640xf32, #tpu.memory_space<hbm>>
    %dma_start3A_401 = arith.constant 0 : i32
    %dma_start3A_402 = tpu.memref_slice %arg12[%dma_start3A_395, %dma_start3A_401] : memref<16x640xf32, #tpu.memory_space<vmem>> -> memref<1x640xf32, #tpu.memory_space<vmem>>
    %dma_start3A_403 = tpu.memref_squeeze %dma_start3A_402 : memref<1x640xf32, #tpu.memory_space<vmem>> -> memref<640xf32, #tpu.memory_space<vmem>>
    %dma_start3A_404 = tpu.memref_slice %arg6[%add3A_394, %mul3A_2] : memref<32x10240xf32, #tpu.memory_space<hbm>> -> memref<1x640xf32, #tpu.memory_space<hbm>>
    %dma_start3A_405 = tpu.memref_squeeze %dma_start3A_404 : memref<1x640xf32, #tpu.memory_space<hbm>> -> memref<640xf32, #tpu.memory_space<hbm>>
    tpu.enqueue_dma source(%dma_start3A_405 : memref<640xf32, #tpu.memory_space<hbm>>) target(%dma_start3A_403 : memref<640xf32, #tpu.memory_space<vmem>>) target_semaphore(%arg13 : memref<!tpu.dma_semaphore, #tpu.memory_space<semaphore_mem>>)
    %mul3A_406 = arith.constant 16 : i32
    %mul3A_407 = arith.muli %arg0, %mul3A_406 : i32
    %add3A_408 = arith.constant 6 : i32
    %add3A_409 = arith.addi %mul3A_407, %add3A_408 : i32
    %dma_start3A_410 = arith.constant 6 : i32
    %dma_start3A_411 = arith.constant 0 : i32
    %dma_start3A_412 = tpu.memref_slice %arg12[%dma_start3A_410, %dma_start3A_411] : memref<16x640xf32, #tpu.memory_space<vmem>> -> memref<1x640xf32, #tpu.memory_space<vmem>>
    %dma_start3A_413 = tpu.memref_squeeze %dma_start3A_412 : memref<1x640xf32, #tpu.memory_space<vmem>> -> memref<640xf32, #tpu.memory_space<vmem>>
    %dma_start3A_414 = tpu.memref_slice %arg6[%add3A_409, %mul3A_2] : memref<32x10240xf32, #tpu.memory_space<hbm>> -> memref<1x640xf32, #tpu.memory_space<hbm>>
    %dma_start3A_415 = tpu.memref_squeeze %dma_start3A_414 : memref<1x640xf32, #tpu.memory_space<hbm>> -> memref<640xf32, #tpu.memory_space<hbm>>
    %dma_start3A_416 = arith.constant 0 : i32
    %dma_start3A_417 = tpu.memref_slice %arg12[%dma_start3A_410, %dma_start3A_416] : memref<16x640xf32, #tpu.memory_space<vmem>> -> memref<1x640xf32, #tpu.memory_space<vmem>>
    %dma_start3A_418 = tpu.memref_squeeze %dma_start3A_417 : memref<1x640xf32, #tpu.memory_space<vmem>> -> memref<640xf32, #tpu.memory_space<vmem>>
    %dma_start3A_419 = tpu.memref_slice %arg6[%add3A_409, %mul3A_2] : memref<32x10240xf32, #tpu.memory_space<hbm>> -> memref<1x640xf32, #tpu.memory_space<hbm>>
    %dma_start3A_420 = tpu.memref_squeeze %dma_start3A_419 : memref<1x640xf32, #tpu.memory_space<hbm>> -> memref<640xf32, #tpu.memory_space<hbm>>
    tpu.enqueue_dma source(%dma_start3A_420 : memref<640xf32, #tpu.memory_space<hbm>>) target(%dma_start3A_418 : memref<640xf32, #tpu.memory_space<vmem>>) target_semaphore(%arg13 : memref<!tpu.dma_semaphore, #tpu.memory_space<semaphore_mem>>)
    %mul3A_421 = arith.constant 16 : i32
    %mul3A_422 = arith.muli %arg0, %mul3A_421 : i32
    %add3A_423 = arith.constant 7 : i32
    %add3A_424 = arith.addi %mul3A_422, %add3A_423 : i32
    %dma_start3A_425 = arith.constant 7 : i32
    %dma_start3A_426 = arith.constant 0 : i32
    %dma_start3A_427 = tpu.memref_slice %arg12[%dma_start3A_425, %dma_start3A_426] : memref<16x640xf32, #tpu.memory_space<vmem>> -> memref<1x640xf32, #tpu.memory_space<vmem>>
    %dma_start3A_428 = tpu.memref_squeeze %dma_start3A_427 : memref<1x640xf32, #tpu.memory_space<vmem>> -> memref<640xf32, #tpu.memory_space<vmem>>
    %dma_start3A_429 = tpu.memref_slice %arg6[%add3A_424, %mul3A_2] : memref<32x10240xf32, #tpu.memory_space<hbm>> -> memref<1x640xf32, #tpu.memory_space<hbm>>
    %dma_start3A_430 = tpu.memref_squeeze %dma_start3A_429 : memref<1x640xf32, #tpu.memory_space<hbm>> -> memref<640xf32, #tpu.memory_space<hbm>>
    %dma_start3A_431 = arith.constant 0 : i32
    %dma_start3A_432 = tpu.memref_slice %arg12[%dma_start3A_425, %dma_start3A_431] : memref<16x640xf32, #tpu.memory_space<vmem>> -> memref<1x640xf32, #tpu.memory_space<vmem>>
    %dma_start3A_433 = tpu.memref_squeeze %dma_start3A_432 : memref<1x640xf32, #tpu.memory_space<vmem>> -> memref<640xf32, #tpu.memory_space<vmem>>
    %dma_start3A_434 = tpu.memref_slice %arg6[%add3A_424, %mul3A_2] : memref<32x10240xf32, #tpu.memory_space<hbm>> -> memref<1x640xf32, #tpu.memory_space<hbm>>
    %dma_start3A_435 = tpu.memref_squeeze %dma_start3A_434 : memref<1x640xf32, #tpu.memory_space<hbm>> -> memref<640xf32, #tpu.memory_space<hbm>>
    tpu.enqueue_dma source(%dma_start3A_435 : memref<640xf32, #tpu.memory_space<hbm>>) target(%dma_start3A_433 : memref<640xf32, #tpu.memory_space<vmem>>) target_semaphore(%arg13 : memref<!tpu.dma_semaphore, #tpu.memory_space<semaphore_mem>>)
    %mul3A_436 = arith.constant 16 : i32
    %mul3A_437 = arith.muli %arg0, %mul3A_436 : i32
    %add3A_438 = arith.constant 8 : i32
    %add3A_439 = arith.addi %mul3A_437, %add3A_438 : i32
    %dma_start3A_440 = arith.constant 8 : i32
    %dma_start3A_441 = arith.constant 0 : i32
    %dma_start3A_442 = tpu.memref_slice %arg12[%dma_start3A_440, %dma_start3A_441] : memref<16x640xf32, #tpu.memory_space<vmem>> -> memref<1x640xf32, #tpu.memory_space<vmem>>
    %dma_start3A_443 = tpu.memref_squeeze %dma_start3A_442 : memref<1x640xf32, #tpu.memory_space<vmem>> -> memref<640xf32, #tpu.memory_space<vmem>>
    %dma_start3A_444 = tpu.memref_slice %arg6[%add3A_439, %mul3A_2] : memref<32x10240xf32, #tpu.memory_space<hbm>> -> memref<1x640xf32, #tpu.memory_space<hbm>>
    %dma_start3A_445 = tpu.memref_squeeze %dma_start3A_444 : memref<1x640xf32, #tpu.memory_space<hbm>> -> memref<640xf32, #tpu.memory_space<hbm>>
    %dma_start3A_446 = arith.constant 0 : i32
    %dma_start3A_447 = tpu.memref_slice %arg12[%dma_start3A_440, %dma_start3A_446] : memref<16x640xf32, #tpu.memory_space<vmem>> -> memref<1x640xf32, #tpu.memory_space<vmem>>
    %dma_start3A_448 = tpu.memref_squeeze %dma_start3A_447 : memref<1x640xf32, #tpu.memory_space<vmem>> -> memref<640xf32, #tpu.memory_space<vmem>>
    %dma_start3A_449 = tpu.memref_slice %arg6[%add3A_439, %mul3A_2] : memref<32x10240xf32, #tpu.memory_space<hbm>> -> memref<1x640xf32, #tpu.memory_space<hbm>>
    %dma_start3A_450 = tpu.memref_squeeze %dma_start3A_449 : memref<1x640xf32, #tpu.memory_space<hbm>> -> memref<640xf32, #tpu.memory_space<hbm>>
    tpu.enqueue_dma source(%dma_start3A_450 : memref<640xf32, #tpu.memory_space<hbm>>) target(%dma_start3A_448 : memref<640xf32, #tpu.memory_space<vmem>>) target_semaphore(%arg13 : memref<!tpu.dma_semaphore, #tpu.memory_space<semaphore_mem>>)
    %mul3A_451 = arith.constant 16 : i32
    %mul3A_452 = arith.muli %arg0, %mul3A_451 : i32
    %add3A_453 = arith.constant 9 : i32
    %add3A_454 = arith.addi %mul3A_452, %add3A_453 : i32
    %dma_start3A_455 = arith.constant 9 : i32
    %dma_start3A_456 = arith.constant 0 : i32
    %dma_start3A_457 = tpu.memref_slice %arg12[%dma_start3A_455, %dma_start3A_456] : memref<16x640xf32, #tpu.memory_space<vmem>> -> memref<1x640xf32, #tpu.memory_space<vmem>>
    %dma_start3A_458 = tpu.memref_squeeze %dma_start3A_457 : memref<1x640xf32, #tpu.memory_space<vmem>> -> memref<640xf32, #tpu.memory_space<vmem>>
    %dma_start3A_459 = tpu.memref_slice %arg6[%add3A_454, %mul3A_2] : memref<32x10240xf32, #tpu.memory_space<hbm>> -> memref<1x640xf32, #tpu.memory_space<hbm>>
    %dma_start3A_460 = tpu.memref_squeeze %dma_start3A_459 : memref<1x640xf32, #tpu.memory_space<hbm>> -> memref<640xf32, #tpu.memory_space<hbm>>
    %dma_start3A_461 = arith.constant 0 : i32
    %dma_start3A_462 = tpu.memref_slice %arg12[%dma_start3A_455, %dma_start3A_461] : memref<16x640xf32, #tpu.memory_space<vmem>> -> memref<1x640xf32, #tpu.memory_space<vmem>>
    %dma_start3A_463 = tpu.memref_squeeze %dma_start3A_462 : memref<1x640xf32, #tpu.memory_space<vmem>> -> memref<640xf32, #tpu.memory_space<vmem>>
    %dma_start3A_464 = tpu.memref_slice %arg6[%add3A_454, %mul3A_2] : memref<32x10240xf32, #tpu.memory_space<hbm>> -> memref<1x640xf32, #tpu.memory_space<hbm>>
    %dma_start3A_465 = tpu.memref_squeeze %dma_start3A_464 : memref<1x640xf32, #tpu.memory_space<hbm>> -> memref<640xf32, #tpu.memory_space<hbm>>
    tpu.enqueue_dma source(%dma_start3A_465 : memref<640xf32, #tpu.memory_space<hbm>>) target(%dma_start3A_463 : memref<640xf32, #tpu.memory_space<vmem>>) target_semaphore(%arg13 : memref<!tpu.dma_semaphore, #tpu.memory_space<semaphore_mem>>)
    %mul3A_466 = arith.constant 16 : i32
    %mul3A_467 = arith.muli %arg0, %mul3A_466 : i32
    %add3A_468 = arith.constant 10 : i32
    %add3A_469 = arith.addi %mul3A_467, %add3A_468 : i32
    %dma_start3A_470 = arith.constant 10 : i32
    %dma_start3A_471 = arith.constant 0 : i32
    %dma_start3A_472 = tpu.memref_slice %arg12[%dma_start3A_470, %dma_start3A_471] : memref<16x640xf32, #tpu.memory_space<vmem>> -> memref<1x640xf32, #tpu.memory_space<vmem>>
    %dma_start3A_473 = tpu.memref_squeeze %dma_start3A_472 : memref<1x640xf32, #tpu.memory_space<vmem>> -> memref<640xf32, #tpu.memory_space<vmem>>
    %dma_start3A_474 = tpu.memref_slice %arg6[%add3A_469, %mul3A_2] : memref<32x10240xf32, #tpu.memory_space<hbm>> -> memref<1x640xf32, #tpu.memory_space<hbm>>
    %dma_start3A_475 = tpu.memref_squeeze %dma_start3A_474 : memref<1x640xf32, #tpu.memory_space<hbm>> -> memref<640xf32, #tpu.memory_space<hbm>>
    %dma_start3A_476 = arith.constant 0 : i32
    %dma_start3A_477 = tpu.memref_slice %arg12[%dma_start3A_470, %dma_start3A_476] : memref<16x640xf32, #tpu.memory_space<vmem>> -> memref<1x640xf32, #tpu.memory_space<vmem>>
    %dma_start3A_478 = tpu.memref_squeeze %dma_start3A_477 : memref<1x640xf32, #tpu.memory_space<vmem>> -> memref<640xf32, #tpu.memory_space<vmem>>
    %dma_start3A_479 = tpu.memref_slice %arg6[%add3A_469, %mul3A_2] : memref<32x10240xf32, #tpu.memory_space<hbm>> -> memref<1x640xf32, #tpu.memory_space<hbm>>
    %dma_start3A_480 = tpu.memref_squeeze %dma_start3A_479 : memref<1x640xf32, #tpu.memory_space<hbm>> -> memref<640xf32, #tpu.memory_space<hbm>>
    tpu.enqueue_dma source(%dma_start3A_480 : memref<640xf32, #tpu.memory_space<hbm>>) target(%dma_start3A_478 : memref<640xf32, #tpu.memory_space<vmem>>) target_semaphore(%arg13 : memref<!tpu.dma_semaphore, #tpu.memory_space<semaphore_mem>>)
    %mul3A_481 = arith.constant 16 : i32
    %mul3A_482 = arith.muli %arg0, %mul3A_481 : i32
    %add3A_483 = arith.constant 11 : i32
    %add3A_484 = arith.addi %mul3A_482, %add3A_483 : i32
    %dma_start3A_485 = arith.constant 11 : i32
    %dma_start3A_486 = arith.constant 0 : i32
    %dma_start3A_487 = tpu.memref_slice %arg12[%dma_start3A_485, %dma_start3A_486] : memref<16x640xf32, #tpu.memory_space<vmem>> -> memref<1x640xf32, #tpu.memory_space<vmem>>
    %dma_start3A_488 = tpu.memref_squeeze %dma_start3A_487 : memref<1x640xf32, #tpu.memory_space<vmem>> -> memref<640xf32, #tpu.memory_space<vmem>>
    %dma_start3A_489 = tpu.memref_slice %arg6[%add3A_484, %mul3A_2] : memref<32x10240xf32, #tpu.memory_space<hbm>> -> memref<1x640xf32, #tpu.memory_space<hbm>>
    %dma_start3A_490 = tpu.memref_squeeze %dma_start3A_489 : memref<1x640xf32, #tpu.memory_space<hbm>> -> memref<640xf32, #tpu.memory_space<hbm>>
    %dma_start3A_491 = arith.constant 0 : i32
    %dma_start3A_492 = tpu.memref_slice %arg12[%dma_start3A_485, %dma_start3A_491] : memref<16x640xf32, #tpu.memory_space<vmem>> -> memref<1x640xf32, #tpu.memory_space<vmem>>
    %dma_start3A_493 = tpu.memref_squeeze %dma_start3A_492 : memref<1x640xf32, #tpu.memory_space<vmem>> -> memref<640xf32, #tpu.memory_space<vmem>>
    %dma_start3A_494 = tpu.memref_slice %arg6[%add3A_484, %mul3A_2] : memref<32x10240xf32, #tpu.memory_space<hbm>> -> memref<1x640xf32, #tpu.memory_space<hbm>>
    %dma_start3A_495 = tpu.memref_squeeze %dma_start3A_494 : memref<1x640xf32, #tpu.memory_space<hbm>> -> memref<640xf32, #tpu.memory_space<hbm>>
    tpu.enqueue_dma source(%dma_start3A_495 : memref<640xf32, #tpu.memory_space<hbm>>) target(%dma_start3A_493 : memref<640xf32, #tpu.memory_space<vmem>>) target_semaphore(%arg13 : memref<!tpu.dma_semaphore, #tpu.memory_space<semaphore_mem>>)
    %mul3A_496 = arith.constant 16 : i32
    %mul3A_497 = arith.muli %arg0, %mul3A_496 : i32
    %add3A_498 = arith.constant 12 : i32
    %add3A_499 = arith.addi %mul3A_497, %add3A_498 : i32
    %dma_start3A_500 = arith.constant 12 : i32
    %dma_start3A_501 = arith.constant 0 : i32
    %dma_start3A_502 = tpu.memref_slice %arg12[%dma_start3A_500, %dma_start3A_501] : memref<16x640xf32, #tpu.memory_space<vmem>> -> memref<1x640xf32, #tpu.memory_space<vmem>>
    %dma_start3A_503 = tpu.memref_squeeze %dma_start3A_502 : memref<1x640xf32, #tpu.memory_space<vmem>> -> memref<640xf32, #tpu.memory_space<vmem>>
    %dma_start3A_504 = tpu.memref_slice %arg6[%add3A_499, %mul3A_2] : memref<32x10240xf32, #tpu.memory_space<hbm>> -> memref<1x640xf32, #tpu.memory_space<hbm>>
    %dma_start3A_505 = tpu.memref_squeeze %dma_start3A_504 : memref<1x640xf32, #tpu.memory_space<hbm>> -> memref<640xf32, #tpu.memory_space<hbm>>
    %dma_start3A_506 = arith.constant 0 : i32
    %dma_start3A_507 = tpu.memref_slice %arg12[%dma_start3A_500, %dma_start3A_506] : memref<16x640xf32, #tpu.memory_space<vmem>> -> memref<1x640xf32, #tpu.memory_space<vmem>>
    %dma_start3A_508 = tpu.memref_squeeze %dma_start3A_507 : memref<1x640xf32, #tpu.memory_space<vmem>> -> memref<640xf32, #tpu.memory_space<vmem>>
    %dma_start3A_509 = tpu.memref_slice %arg6[%add3A_499, %mul3A_2] : memref<32x10240xf32, #tpu.memory_space<hbm>> -> memref<1x640xf32, #tpu.memory_space<hbm>>
    %dma_start3A_510 = tpu.memref_squeeze %dma_start3A_509 : memref<1x640xf32, #tpu.memory_space<hbm>> -> memref<640xf32, #tpu.memory_space<hbm>>
    tpu.enqueue_dma source(%dma_start3A_510 : memref<640xf32, #tpu.memory_space<hbm>>) target(%dma_start3A_508 : memref<640xf32, #tpu.memory_space<vmem>>) target_semaphore(%arg13 : memref<!tpu.dma_semaphore, #tpu.memory_space<semaphore_mem>>)
    %mul3A_511 = arith.constant 16 : i32
    %mul3A_512 = arith.muli %arg0, %mul3A_511 : i32
    %add3A_513 = arith.constant 13 : i32
    %add3A_514 = arith.addi %mul3A_512, %add3A_513 : i32
    %dma_start3A_515 = arith.constant 13 : i32
    %dma_start3A_516 = arith.constant 0 : i32
    %dma_start3A_517 = tpu.memref_slice %arg12[%dma_start3A_515, %dma_start3A_516] : memref<16x640xf32, #tpu.memory_space<vmem>> -> memref<1x640xf32, #tpu.memory_space<vmem>>
    %dma_start3A_518 = tpu.memref_squeeze %dma_start3A_517 : memref<1x640xf32, #tpu.memory_space<vmem>> -> memref<640xf32, #tpu.memory_space<vmem>>
    %dma_start3A_519 = tpu.memref_slice %arg6[%add3A_514, %mul3A_2] : memref<32x10240xf32, #tpu.memory_space<hbm>> -> memref<1x640xf32, #tpu.memory_space<hbm>>
    %dma_start3A_520 = tpu.memref_squeeze %dma_start3A_519 : memref<1x640xf32, #tpu.memory_space<hbm>> -> memref<640xf32, #tpu.memory_space<hbm>>
    %dma_start3A_521 = arith.constant 0 : i32
    %dma_start3A_522 = tpu.memref_slice %arg12[%dma_start3A_515, %dma_start3A_521] : memref<16x640xf32, #tpu.memory_space<vmem>> -> memref<1x640xf32, #tpu.memory_space<vmem>>
    %dma_start3A_523 = tpu.memref_squeeze %dma_start3A_522 : memref<1x640xf32, #tpu.memory_space<vmem>> -> memref<640xf32, #tpu.memory_space<vmem>>
    %dma_start3A_524 = tpu.memref_slice %arg6[%add3A_514, %mul3A_2] : memref<32x10240xf32, #tpu.memory_space<hbm>> -> memref<1x640xf32, #tpu.memory_space<hbm>>
    %dma_start3A_525 = tpu.memref_squeeze %dma_start3A_524 : memref<1x640xf32, #tpu.memory_space<hbm>> -> memref<640xf32, #tpu.memory_space<hbm>>
    tpu.enqueue_dma source(%dma_start3A_525 : memref<640xf32, #tpu.memory_space<hbm>>) target(%dma_start3A_523 : memref<640xf32, #tpu.memory_space<vmem>>) target_semaphore(%arg13 : memref<!tpu.dma_semaphore, #tpu.memory_space<semaphore_mem>>)
    %mul3A_526 = arith.constant 16 : i32
    %mul3A_527 = arith.muli %arg0, %mul3A_526 : i32
    %add3A_528 = arith.constant 14 : i32
    %add3A_529 = arith.addi %mul3A_527, %add3A_528 : i32
    %dma_start3A_530 = arith.constant 14 : i32
    %dma_start3A_531 = arith.constant 0 : i32
    %dma_start3A_532 = tpu.memref_slice %arg12[%dma_start3A_530, %dma_start3A_531] : memref<16x640xf32, #tpu.memory_space<vmem>> -> memref<1x640xf32, #tpu.memory_space<vmem>>
    %dma_start3A_533 = tpu.memref_squeeze %dma_start3A_532 : memref<1x640xf32, #tpu.memory_space<vmem>> -> memref<640xf32, #tpu.memory_space<vmem>>
    %dma_start3A_534 = tpu.memref_slice %arg6[%add3A_529, %mul3A_2] : memref<32x10240xf32, #tpu.memory_space<hbm>> -> memref<1x640xf32, #tpu.memory_space<hbm>>
    %dma_start3A_535 = tpu.memref_squeeze %dma_start3A_534 : memref<1x640xf32, #tpu.memory_space<hbm>> -> memref<640xf32, #tpu.memory_space<hbm>>
    %dma_start3A_536 = arith.constant 0 : i32
    %dma_start3A_537 = tpu.memref_slice %arg12[%dma_start3A_530, %dma_start3A_536] : memref<16x640xf32, #tpu.memory_space<vmem>> -> memref<1x640xf32, #tpu.memory_space<vmem>>
    %dma_start3A_538 = tpu.memref_squeeze %dma_start3A_537 : memref<1x640xf32, #tpu.memory_space<vmem>> -> memref<640xf32, #tpu.memory_space<vmem>>
    %dma_start3A_539 = tpu.memref_slice %arg6[%add3A_529, %mul3A_2] : memref<32x10240xf32, #tpu.memory_space<hbm>> -> memref<1x640xf32, #tpu.memory_space<hbm>>
    %dma_start3A_540 = tpu.memref_squeeze %dma_start3A_539 : memref<1x640xf32, #tpu.memory_space<hbm>> -> memref<640xf32, #tpu.memory_space<hbm>>
    tpu.enqueue_dma source(%dma_start3A_540 : memref<640xf32, #tpu.memory_space<hbm>>) target(%dma_start3A_538 : memref<640xf32, #tpu.memory_space<vmem>>) target_semaphore(%arg13 : memref<!tpu.dma_semaphore, #tpu.memory_space<semaphore_mem>>)
    %mul3A_541 = arith.constant 16 : i32
    %mul3A_542 = arith.muli %arg0, %mul3A_541 : i32
    %add3A_543 = arith.constant 15 : i32
    %add3A_544 = arith.addi %mul3A_542, %add3A_543 : i32
    %dma_start3A_545 = arith.constant 15 : i32
    %dma_start3A_546 = arith.constant 0 : i32
    %dma_start3A_547 = tpu.memref_slice %arg12[%dma_start3A_545, %dma_start3A_546] : memref<16x640xf32, #tpu.memory_space<vmem>> -> memref<1x640xf32, #tpu.memory_space<vmem>>
    %dma_start3A_548 = tpu.memref_squeeze %dma_start3A_547 : memref<1x640xf32, #tpu.memory_space<vmem>> -> memref<640xf32, #tpu.memory_space<vmem>>
    %dma_start3A_549 = tpu.memref_slice %arg6[%add3A_544, %mul3A_2] : memref<32x10240xf32, #tpu.memory_space<hbm>> -> memref<1x640xf32, #tpu.memory_space<hbm>>
    %dma_start3A_550 = tpu.memref_squeeze %dma_start3A_549 : memref<1x640xf32, #tpu.memory_space<hbm>> -> memref<640xf32, #tpu.memory_space<hbm>>
    %dma_start3A_551 = arith.constant 0 : i32
    %dma_start3A_552 = tpu.memref_slice %arg12[%dma_start3A_545, %dma_start3A_551] : memref<16x640xf32, #tpu.memory_space<vmem>> -> memref<1x640xf32, #tpu.memory_space<vmem>>
    %dma_start3A_553 = tpu.memref_squeeze %dma_start3A_552 : memref<1x640xf32, #tpu.memory_space<vmem>> -> memref<640xf32, #tpu.memory_space<vmem>>
    %dma_start3A_554 = tpu.memref_slice %arg6[%add3A_544, %mul3A_2] : memref<32x10240xf32, #tpu.memory_space<hbm>> -> memref<1x640xf32, #tpu.memory_space<hbm>>
    %dma_start3A_555 = tpu.memref_squeeze %dma_start3A_554 : memref<1x640xf32, #tpu.memory_space<hbm>> -> memref<640xf32, #tpu.memory_space<hbm>>
    tpu.enqueue_dma source(%dma_start3A_555 : memref<640xf32, #tpu.memory_space<hbm>>) target(%dma_start3A_553 : memref<640xf32, #tpu.memory_space<vmem>>) target_semaphore(%arg13 : memref<!tpu.dma_semaphore, #tpu.memory_space<semaphore_mem>>)
    %dma_wait3A_556 = arith.constant 0 : i32
    %dma_wait3A_557 = arith.constant 0 : i32
    %dma_wait3A_558 = tpu.memref_slice %arg12[%dma_wait3A_556, %dma_wait3A_557] : memref<16x640xf32, #tpu.memory_space<vmem>> -> memref<1x640xf32, #tpu.memory_space<vmem>>
    %dma_wait3A_559 = tpu.memref_squeeze %dma_wait3A_558 : memref<1x640xf32, #tpu.memory_space<vmem>> -> memref<640xf32, #tpu.memory_space<vmem>>
    %dma_wait3A_560 = tpu.memref_slice %arg6[%add3A_319, %mul3A_2] : memref<32x10240xf32, #tpu.memory_space<hbm>> -> memref<1x640xf32, #tpu.memory_space<hbm>>
    %dma_wait3A_561 = tpu.memref_squeeze %dma_wait3A_560 : memref<1x640xf32, #tpu.memory_space<hbm>> -> memref<640xf32, #tpu.memory_space<hbm>>
    %dma_wait3A_562 = arith.constant 0 : i32
    %dma_wait3A_563 = tpu.memref_slice %arg12[%dma_wait3A_556, %dma_wait3A_562] : memref<16x640xf32, #tpu.memory_space<vmem>> -> memref<1x640xf32, #tpu.memory_space<vmem>>
    %dma_wait3A_564 = tpu.memref_squeeze %dma_wait3A_563 : memref<1x640xf32, #tpu.memory_space<vmem>> -> memref<640xf32, #tpu.memory_space<vmem>>
    %dma_wait3A_565 = tpu.memref_slice %arg6[%add3A_319, %mul3A_2] : memref<32x10240xf32, #tpu.memory_space<hbm>> -> memref<1x640xf32, #tpu.memory_space<hbm>>
    %dma_wait3A_566 = tpu.memref_squeeze %dma_wait3A_565 : memref<1x640xf32, #tpu.memory_space<hbm>> -> memref<640xf32, #tpu.memory_space<hbm>>
    tpu.wait_dma2 semaphore(%arg13 : memref<!tpu.dma_semaphore, #tpu.memory_space<semaphore_mem>>) src(%dma_wait3A_566 : memref<640xf32, #tpu.memory_space<hbm>>) dst(%dma_wait3A_564 : memref<640xf32, #tpu.memory_space<vmem>>)
    %dma_wait3A_567 = arith.constant 1 : i32
    %dma_wait3A_568 = arith.constant 0 : i32
    %dma_wait3A_569 = tpu.memref_slice %arg12[%dma_wait3A_567, %dma_wait3A_568] : memref<16x640xf32, #tpu.memory_space<vmem>> -> memref<1x640xf32, #tpu.memory_space<vmem>>
    %dma_wait3A_570 = tpu.memref_squeeze %dma_wait3A_569 : memref<1x640xf32, #tpu.memory_space<vmem>> -> memref<640xf32, #tpu.memory_space<vmem>>
    %dma_wait3A_571 = tpu.memref_slice %arg6[%add3A_334, %mul3A_2] : memref<32x10240xf32, #tpu.memory_space<hbm>> -> memref<1x640xf32, #tpu.memory_space<hbm>>
    %dma_wait3A_572 = tpu.memref_squeeze %dma_wait3A_571 : memref<1x640xf32, #tpu.memory_space<hbm>> -> memref<640xf32, #tpu.memory_space<hbm>>
    %dma_wait3A_573 = arith.constant 0 : i32
    %dma_wait3A_574 = tpu.memref_slice %arg12[%dma_wait3A_567, %dma_wait3A_573] : memref<16x640xf32, #tpu.memory_space<vmem>> -> memref<1x640xf32, #tpu.memory_space<vmem>>
    %dma_wait3A_575 = tpu.memref_squeeze %dma_wait3A_574 : memref<1x640xf32, #tpu.memory_space<vmem>> -> memref<640xf32, #tpu.memory_space<vmem>>
    %dma_wait3A_576 = tpu.memref_slice %arg6[%add3A_334, %mul3A_2] : memref<32x10240xf32, #tpu.memory_space<hbm>> -> memref<1x640xf32, #tpu.memory_space<hbm>>
    %dma_wait3A_577 = tpu.memref_squeeze %dma_wait3A_576 : memref<1x640xf32, #tpu.memory_space<hbm>> -> memref<640xf32, #tpu.memory_space<hbm>>
    tpu.wait_dma2 semaphore(%arg13 : memref<!tpu.dma_semaphore, #tpu.memory_space<semaphore_mem>>) src(%dma_wait3A_577 : memref<640xf32, #tpu.memory_space<hbm>>) dst(%dma_wait3A_575 : memref<640xf32, #tpu.memory_space<vmem>>)
    %dma_wait3A_578 = arith.constant 2 : i32
    %dma_wait3A_579 = arith.constant 0 : i32
    %dma_wait3A_580 = tpu.memref_slice %arg12[%dma_wait3A_578, %dma_wait3A_579] : memref<16x640xf32, #tpu.memory_space<vmem>> -> memref<1x640xf32, #tpu.memory_space<vmem>>
    %dma_wait3A_581 = tpu.memref_squeeze %dma_wait3A_580 : memref<1x640xf32, #tpu.memory_space<vmem>> -> memref<640xf32, #tpu.memory_space<vmem>>
    %dma_wait3A_582 = tpu.memref_slice %arg6[%add3A_349, %mul3A_2] : memref<32x10240xf32, #tpu.memory_space<hbm>> -> memref<1x640xf32, #tpu.memory_space<hbm>>
    %dma_wait3A_583 = tpu.memref_squeeze %dma_wait3A_582 : memref<1x640xf32, #tpu.memory_space<hbm>> -> memref<640xf32, #tpu.memory_space<hbm>>
    %dma_wait3A_584 = arith.constant 0 : i32
    %dma_wait3A_585 = tpu.memref_slice %arg12[%dma_wait3A_578, %dma_wait3A_584] : memref<16x640xf32, #tpu.memory_space<vmem>> -> memref<1x640xf32, #tpu.memory_space<vmem>>
    %dma_wait3A_586 = tpu.memref_squeeze %dma_wait3A_585 : memref<1x640xf32, #tpu.memory_space<vmem>> -> memref<640xf32, #tpu.memory_space<vmem>>
    %dma_wait3A_587 = tpu.memref_slice %arg6[%add3A_349, %mul3A_2] : memref<32x10240xf32, #tpu.memory_space<hbm>> -> memref<1x640xf32, #tpu.memory_space<hbm>>
    %dma_wait3A_588 = tpu.memref_squeeze %dma_wait3A_587 : memref<1x640xf32, #tpu.memory_space<hbm>> -> memref<640xf32, #tpu.memory_space<hbm>>
    tpu.wait_dma2 semaphore(%arg13 : memref<!tpu.dma_semaphore, #tpu.memory_space<semaphore_mem>>) src(%dma_wait3A_588 : memref<640xf32, #tpu.memory_space<hbm>>) dst(%dma_wait3A_586 : memref<640xf32, #tpu.memory_space<vmem>>)
    %dma_wait3A_589 = arith.constant 3 : i32
    %dma_wait3A_590 = arith.constant 0 : i32
    %dma_wait3A_591 = tpu.memref_slice %arg12[%dma_wait3A_589, %dma_wait3A_590] : memref<16x640xf32, #tpu.memory_space<vmem>> -> memref<1x640xf32, #tpu.memory_space<vmem>>
    %dma_wait3A_592 = tpu.memref_squeeze %dma_wait3A_591 : memref<1x640xf32, #tpu.memory_space<vmem>> -> memref<640xf32, #tpu.memory_space<vmem>>
    %dma_wait3A_593 = tpu.memref_slice %arg6[%add3A_364, %mul3A_2] : memref<32x10240xf32, #tpu.memory_space<hbm>> -> memref<1x640xf32, #tpu.memory_space<hbm>>
    %dma_wait3A_594 = tpu.memref_squeeze %dma_wait3A_593 : memref<1x640xf32, #tpu.memory_space<hbm>> -> memref<640xf32, #tpu.memory_space<hbm>>
    %dma_wait3A_595 = arith.constant 0 : i32
    %dma_wait3A_596 = tpu.memref_slice %arg12[%dma_wait3A_589, %dma_wait3A_595] : memref<16x640xf32, #tpu.memory_space<vmem>> -> memref<1x640xf32, #tpu.memory_space<vmem>>
    %dma_wait3A_597 = tpu.memref_squeeze %dma_wait3A_596 : memref<1x640xf32, #tpu.memory_space<vmem>> -> memref<640xf32, #tpu.memory_space<vmem>>
    %dma_wait3A_598 = tpu.memref_slice %arg6[%add3A_364, %mul3A_2] : memref<32x10240xf32, #tpu.memory_space<hbm>> -> memref<1x640xf32, #tpu.memory_space<hbm>>
    %dma_wait3A_599 = tpu.memref_squeeze %dma_wait3A_598 : memref<1x640xf32, #tpu.memory_space<hbm>> -> memref<640xf32, #tpu.memory_space<hbm>>
    tpu.wait_dma2 semaphore(%arg13 : memref<!tpu.dma_semaphore, #tpu.memory_space<semaphore_mem>>) src(%dma_wait3A_599 : memref<640xf32, #tpu.memory_space<hbm>>) dst(%dma_wait3A_597 : memref<640xf32, #tpu.memory_space<vmem>>)
    %dma_wait3A_600 = arith.constant 4 : i32
    %dma_wait3A_601 = arith.constant 0 : i32
    %dma_wait3A_602 = tpu.memref_slice %arg12[%dma_wait3A_600, %dma_wait3A_601] : memref<16x640xf32, #tpu.memory_space<vmem>> -> memref<1x640xf32, #tpu.memory_space<vmem>>
    %dma_wait3A_603 = tpu.memref_squeeze %dma_wait3A_602 : memref<1x640xf32, #tpu.memory_space<vmem>> -> memref<640xf32, #tpu.memory_space<vmem>>
    %dma_wait3A_604 = tpu.memref_slice %arg6[%add3A_379, %mul3A_2] : memref<32x10240xf32, #tpu.memory_space<hbm>> -> memref<1x640xf32, #tpu.memory_space<hbm>>
    %dma_wait3A_605 = tpu.memref_squeeze %dma_wait3A_604 : memref<1x640xf32, #tpu.memory_space<hbm>> -> memref<640xf32, #tpu.memory_space<hbm>>
    %dma_wait3A_606 = arith.constant 0 : i32
    %dma_wait3A_607 = tpu.memref_slice %arg12[%dma_wait3A_600, %dma_wait3A_606] : memref<16x640xf32, #tpu.memory_space<vmem>> -> memref<1x640xf32, #tpu.memory_space<vmem>>
    %dma_wait3A_608 = tpu.memref_squeeze %dma_wait3A_607 : memref<1x640xf32, #tpu.memory_space<vmem>> -> memref<640xf32, #tpu.memory_space<vmem>>
    %dma_wait3A_609 = tpu.memref_slice %arg6[%add3A_379, %mul3A_2] : memref<32x10240xf32, #tpu.memory_space<hbm>> -> memref<1x640xf32, #tpu.memory_space<hbm>>
    %dma_wait3A_610 = tpu.memref_squeeze %dma_wait3A_609 : memref<1x640xf32, #tpu.memory_space<hbm>> -> memref<640xf32, #tpu.memory_space<hbm>>
    tpu.wait_dma2 semaphore(%arg13 : memref<!tpu.dma_semaphore, #tpu.memory_space<semaphore_mem>>) src(%dma_wait3A_610 : memref<640xf32, #tpu.memory_space<hbm>>) dst(%dma_wait3A_608 : memref<640xf32, #tpu.memory_space<vmem>>)
    %dma_wait3A_611 = arith.constant 5 : i32
    %dma_wait3A_612 = arith.constant 0 : i32
    %dma_wait3A_613 = tpu.memref_slice %arg12[%dma_wait3A_611, %dma_wait3A_612] : memref<16x640xf32, #tpu.memory_space<vmem>> -> memref<1x640xf32, #tpu.memory_space<vmem>>
    %dma_wait3A_614 = tpu.memref_squeeze %dma_wait3A_613 : memref<1x640xf32, #tpu.memory_space<vmem>> -> memref<640xf32, #tpu.memory_space<vmem>>
    %dma_wait3A_615 = tpu.memref_slice %arg6[%add3A_394, %mul3A_2] : memref<32x10240xf32, #tpu.memory_space<hbm>> -> memref<1x640xf32, #tpu.memory_space<hbm>>
    %dma_wait3A_616 = tpu.memref_squeeze %dma_wait3A_615 : memref<1x640xf32, #tpu.memory_space<hbm>> -> memref<640xf32, #tpu.memory_space<hbm>>
    %dma_wait3A_617 = arith.constant 0 : i32
    %dma_wait3A_618 = tpu.memref_slice %arg12[%dma_wait3A_611, %dma_wait3A_617] : memref<16x640xf32, #tpu.memory_space<vmem>> -> memref<1x640xf32, #tpu.memory_space<vmem>>
    %dma_wait3A_619 = tpu.memref_squeeze %dma_wait3A_618 : memref<1x640xf32, #tpu.memory_space<vmem>> -> memref<640xf32, #tpu.memory_space<vmem>>
    %dma_wait3A_620 = tpu.memref_slice %arg6[%add3A_394, %mul3A_2] : memref<32x10240xf32, #tpu.memory_space<hbm>> -> memref<1x640xf32, #tpu.memory_space<hbm>>
    %dma_wait3A_621 = tpu.memref_squeeze %dma_wait3A_620 : memref<1x640xf32, #tpu.memory_space<hbm>> -> memref<640xf32, #tpu.memory_space<hbm>>
    tpu.wait_dma2 semaphore(%arg13 : memref<!tpu.dma_semaphore, #tpu.memory_space<semaphore_mem>>) src(%dma_wait3A_621 : memref<640xf32, #tpu.memory_space<hbm>>) dst(%dma_wait3A_619 : memref<640xf32, #tpu.memory_space<vmem>>)
    %dma_wait3A_622 = arith.constant 6 : i32
    %dma_wait3A_623 = arith.constant 0 : i32
    %dma_wait3A_624 = tpu.memref_slice %arg12[%dma_wait3A_622, %dma_wait3A_623] : memref<16x640xf32, #tpu.memory_space<vmem>> -> memref<1x640xf32, #tpu.memory_space<vmem>>
    %dma_wait3A_625 = tpu.memref_squeeze %dma_wait3A_624 : memref<1x640xf32, #tpu.memory_space<vmem>> -> memref<640xf32, #tpu.memory_space<vmem>>
    %dma_wait3A_626 = tpu.memref_slice %arg6[%add3A_409, %mul3A_2] : memref<32x10240xf32, #tpu.memory_space<hbm>> -> memref<1x640xf32, #tpu.memory_space<hbm>>
    %dma_wait3A_627 = tpu.memref_squeeze %dma_wait3A_626 : memref<1x640xf32, #tpu.memory_space<hbm>> -> memref<640xf32, #tpu.memory_space<hbm>>
    %dma_wait3A_628 = arith.constant 0 : i32
    %dma_wait3A_629 = tpu.memref_slice %arg12[%dma_wait3A_622, %dma_wait3A_628] : memref<16x640xf32, #tpu.memory_space<vmem>> -> memref<1x640xf32, #tpu.memory_space<vmem>>
    %dma_wait3A_630 = tpu.memref_squeeze %dma_wait3A_629 : memref<1x640xf32, #tpu.memory_space<vmem>> -> memref<640xf32, #tpu.memory_space<vmem>>
    %dma_wait3A_631 = tpu.memref_slice %arg6[%add3A_409, %mul3A_2] : memref<32x10240xf32, #tpu.memory_space<hbm>> -> memref<1x640xf32, #tpu.memory_space<hbm>>
    %dma_wait3A_632 = tpu.memref_squeeze %dma_wait3A_631 : memref<1x640xf32, #tpu.memory_space<hbm>> -> memref<640xf32, #tpu.memory_space<hbm>>
    tpu.wait_dma2 semaphore(%arg13 : memref<!tpu.dma_semaphore, #tpu.memory_space<semaphore_mem>>) src(%dma_wait3A_632 : memref<640xf32, #tpu.memory_space<hbm>>) dst(%dma_wait3A_630 : memref<640xf32, #tpu.memory_space<vmem>>)
    %dma_wait3A_633 = arith.constant 7 : i32
    %dma_wait3A_634 = arith.constant 0 : i32
    %dma_wait3A_635 = tpu.memref_slice %arg12[%dma_wait3A_633, %dma_wait3A_634] : memref<16x640xf32, #tpu.memory_space<vmem>> -> memref<1x640xf32, #tpu.memory_space<vmem>>
    %dma_wait3A_636 = tpu.memref_squeeze %dma_wait3A_635 : memref<1x640xf32, #tpu.memory_space<vmem>> -> memref<640xf32, #tpu.memory_space<vmem>>
    %dma_wait3A_637 = tpu.memref_slice %arg6[%add3A_424, %mul3A_2] : memref<32x10240xf32, #tpu.memory_space<hbm>> -> memref<1x640xf32, #tpu.memory_space<hbm>>
    %dma_wait3A_638 = tpu.memref_squeeze %dma_wait3A_637 : memref<1x640xf32, #tpu.memory_space<hbm>> -> memref<640xf32, #tpu.memory_space<hbm>>
    %dma_wait3A_639 = arith.constant 0 : i32
    %dma_wait3A_640 = tpu.memref_slice %arg12[%dma_wait3A_633, %dma_wait3A_639] : memref<16x640xf32, #tpu.memory_space<vmem>> -> memref<1x640xf32, #tpu.memory_space<vmem>>
    %dma_wait3A_641 = tpu.memref_squeeze %dma_wait3A_640 : memref<1x640xf32, #tpu.memory_space<vmem>> -> memref<640xf32, #tpu.memory_space<vmem>>
    %dma_wait3A_642 = tpu.memref_slice %arg6[%add3A_424, %mul3A_2] : memref<32x10240xf32, #tpu.memory_space<hbm>> -> memref<1x640xf32, #tpu.memory_space<hbm>>
    %dma_wait3A_643 = tpu.memref_squeeze %dma_wait3A_642 : memref<1x640xf32, #tpu.memory_space<hbm>> -> memref<640xf32, #tpu.memory_space<hbm>>
    tpu.wait_dma2 semaphore(%arg13 : memref<!tpu.dma_semaphore, #tpu.memory_space<semaphore_mem>>) src(%dma_wait3A_643 : memref<640xf32, #tpu.memory_space<hbm>>) dst(%dma_wait3A_641 : memref<640xf32, #tpu.memory_space<vmem>>)
    %dma_wait3A_644 = arith.constant 8 : i32
    %dma_wait3A_645 = arith.constant 0 : i32
    %dma_wait3A_646 = tpu.memref_slice %arg12[%dma_wait3A_644, %dma_wait3A_645] : memref<16x640xf32, #tpu.memory_space<vmem>> -> memref<1x640xf32, #tpu.memory_space<vmem>>
    %dma_wait3A_647 = tpu.memref_squeeze %dma_wait3A_646 : memref<1x640xf32, #tpu.memory_space<vmem>> -> memref<640xf32, #tpu.memory_space<vmem>>
    %dma_wait3A_648 = tpu.memref_slice %arg6[%add3A_439, %mul3A_2] : memref<32x10240xf32, #tpu.memory_space<hbm>> -> memref<1x640xf32, #tpu.memory_space<hbm>>
    %dma_wait3A_649 = tpu.memref_squeeze %dma_wait3A_648 : memref<1x640xf32, #tpu.memory_space<hbm>> -> memref<640xf32, #tpu.memory_space<hbm>>
    %dma_wait3A_650 = arith.constant 0 : i32
    %dma_wait3A_651 = tpu.memref_slice %arg12[%dma_wait3A_644, %dma_wait3A_650] : memref<16x640xf32, #tpu.memory_space<vmem>> -> memref<1x640xf32, #tpu.memory_space<vmem>>
    %dma_wait3A_652 = tpu.memref_squeeze %dma_wait3A_651 : memref<1x640xf32, #tpu.memory_space<vmem>> -> memref<640xf32, #tpu.memory_space<vmem>>
    %dma_wait3A_653 = tpu.memref_slice %arg6[%add3A_439, %mul3A_2] : memref<32x10240xf32, #tpu.memory_space<hbm>> -> memref<1x640xf32, #tpu.memory_space<hbm>>
    %dma_wait3A_654 = tpu.memref_squeeze %dma_wait3A_653 : memref<1x640xf32, #tpu.memory_space<hbm>> -> memref<640xf32, #tpu.memory_space<hbm>>
    tpu.wait_dma2 semaphore(%arg13 : memref<!tpu.dma_semaphore, #tpu.memory_space<semaphore_mem>>) src(%dma_wait3A_654 : memref<640xf32, #tpu.memory_space<hbm>>) dst(%dma_wait3A_652 : memref<640xf32, #tpu.memory_space<vmem>>)
    %dma_wait3A_655 = arith.constant 9 : i32
    %dma_wait3A_656 = arith.constant 0 : i32
    %dma_wait3A_657 = tpu.memref_slice %arg12[%dma_wait3A_655, %dma_wait3A_656] : memref<16x640xf32, #tpu.memory_space<vmem>> -> memref<1x640xf32, #tpu.memory_space<vmem>>
    %dma_wait3A_658 = tpu.memref_squeeze %dma_wait3A_657 : memref<1x640xf32, #tpu.memory_space<vmem>> -> memref<640xf32, #tpu.memory_space<vmem>>
    %dma_wait3A_659 = tpu.memref_slice %arg6[%add3A_454, %mul3A_2] : memref<32x10240xf32, #tpu.memory_space<hbm>> -> memref<1x640xf32, #tpu.memory_space<hbm>>
    %dma_wait3A_660 = tpu.memref_squeeze %dma_wait3A_659 : memref<1x640xf32, #tpu.memory_space<hbm>> -> memref<640xf32, #tpu.memory_space<hbm>>
    %dma_wait3A_661 = arith.constant 0 : i32
    %dma_wait3A_662 = tpu.memref_slice %arg12[%dma_wait3A_655, %dma_wait3A_661] : memref<16x640xf32, #tpu.memory_space<vmem>> -> memref<1x640xf32, #tpu.memory_space<vmem>>
    %dma_wait3A_663 = tpu.memref_squeeze %dma_wait3A_662 : memref<1x640xf32, #tpu.memory_space<vmem>> -> memref<640xf32, #tpu.memory_space<vmem>>
    %dma_wait3A_664 = tpu.memref_slice %arg6[%add3A_454, %mul3A_2] : memref<32x10240xf32, #tpu.memory_space<hbm>> -> memref<1x640xf32, #tpu.memory_space<hbm>>
    %dma_wait3A_665 = tpu.memref_squeeze %dma_wait3A_664 : memref<1x640xf32, #tpu.memory_space<hbm>> -> memref<640xf32, #tpu.memory_space<hbm>>
    tpu.wait_dma2 semaphore(%arg13 : memref<!tpu.dma_semaphore, #tpu.memory_space<semaphore_mem>>) src(%dma_wait3A_665 : memref<640xf32, #tpu.memory_space<hbm>>) dst(%dma_wait3A_663 : memref<640xf32, #tpu.memory_space<vmem>>)
    %dma_wait3A_666 = arith.constant 10 : i32
    %dma_wait3A_667 = arith.constant 0 : i32
    %dma_wait3A_668 = tpu.memref_slice %arg12[%dma_wait3A_666, %dma_wait3A_667] : memref<16x640xf32, #tpu.memory_space<vmem>> -> memref<1x640xf32, #tpu.memory_space<vmem>>
    %dma_wait3A_669 = tpu.memref_squeeze %dma_wait3A_668 : memref<1x640xf32, #tpu.memory_space<vmem>> -> memref<640xf32, #tpu.memory_space<vmem>>
    %dma_wait3A_670 = tpu.memref_slice %arg6[%add3A_469, %mul3A_2] : memref<32x10240xf32, #tpu.memory_space<hbm>> -> memref<1x640xf32, #tpu.memory_space<hbm>>
    %dma_wait3A_671 = tpu.memref_squeeze %dma_wait3A_670 : memref<1x640xf32, #tpu.memory_space<hbm>> -> memref<640xf32, #tpu.memory_space<hbm>>
    %dma_wait3A_672 = arith.constant 0 : i32
    %dma_wait3A_673 = tpu.memref_slice %arg12[%dma_wait3A_666, %dma_wait3A_672] : memref<16x640xf32, #tpu.memory_space<vmem>> -> memref<1x640xf32, #tpu.memory_space<vmem>>
    %dma_wait3A_674 = tpu.memref_squeeze %dma_wait3A_673 : memref<1x640xf32, #tpu.memory_space<vmem>> -> memref<640xf32, #tpu.memory_space<vmem>>
    %dma_wait3A_675 = tpu.memref_slice %arg6[%add3A_469, %mul3A_2] : memref<32x10240xf32, #tpu.memory_space<hbm>> -> memref<1x640xf32, #tpu.memory_space<hbm>>
    %dma_wait3A_676 = tpu.memref_squeeze %dma_wait3A_675 : memref<1x640xf32, #tpu.memory_space<hbm>> -> memref<640xf32, #tpu.memory_space<hbm>>
    tpu.wait_dma2 semaphore(%arg13 : memref<!tpu.dma_semaphore, #tpu.memory_space<semaphore_mem>>) src(%dma_wait3A_676 : memref<640xf32, #tpu.memory_space<hbm>>) dst(%dma_wait3A_674 : memref<640xf32, #tpu.memory_space<vmem>>)
    %dma_wait3A_677 = arith.constant 11 : i32
    %dma_wait3A_678 = arith.constant 0 : i32
    %dma_wait3A_679 = tpu.memref_slice %arg12[%dma_wait3A_677, %dma_wait3A_678] : memref<16x640xf32, #tpu.memory_space<vmem>> -> memref<1x640xf32, #tpu.memory_space<vmem>>
    %dma_wait3A_680 = tpu.memref_squeeze %dma_wait3A_679 : memref<1x640xf32, #tpu.memory_space<vmem>> -> memref<640xf32, #tpu.memory_space<vmem>>
    %dma_wait3A_681 = tpu.memref_slice %arg6[%add3A_484, %mul3A_2] : memref<32x10240xf32, #tpu.memory_space<hbm>> -> memref<1x640xf32, #tpu.memory_space<hbm>>
    %dma_wait3A_682 = tpu.memref_squeeze %dma_wait3A_681 : memref<1x640xf32, #tpu.memory_space<hbm>> -> memref<640xf32, #tpu.memory_space<hbm>>
    %dma_wait3A_683 = arith.constant 0 : i32
    %dma_wait3A_684 = tpu.memref_slice %arg12[%dma_wait3A_677, %dma_wait3A_683] : memref<16x640xf32, #tpu.memory_space<vmem>> -> memref<1x640xf32, #tpu.memory_space<vmem>>
    %dma_wait3A_685 = tpu.memref_squeeze %dma_wait3A_684 : memref<1x640xf32, #tpu.memory_space<vmem>> -> memref<640xf32, #tpu.memory_space<vmem>>
    %dma_wait3A_686 = tpu.memref_slice %arg6[%add3A_484, %mul3A_2] : memref<32x10240xf32, #tpu.memory_space<hbm>> -> memref<1x640xf32, #tpu.memory_space<hbm>>
    %dma_wait3A_687 = tpu.memref_squeeze %dma_wait3A_686 : memref<1x640xf32, #tpu.memory_space<hbm>> -> memref<640xf32, #tpu.memory_space<hbm>>
    tpu.wait_dma2 semaphore(%arg13 : memref<!tpu.dma_semaphore, #tpu.memory_space<semaphore_mem>>) src(%dma_wait3A_687 : memref<640xf32, #tpu.memory_space<hbm>>) dst(%dma_wait3A_685 : memref<640xf32, #tpu.memory_space<vmem>>)
    %dma_wait3A_688 = arith.constant 12 : i32
    %dma_wait3A_689 = arith.constant 0 : i32
    %dma_wait3A_690 = tpu.memref_slice %arg12[%dma_wait3A_688, %dma_wait3A_689] : memref<16x640xf32, #tpu.memory_space<vmem>> -> memref<1x640xf32, #tpu.memory_space<vmem>>
    %dma_wait3A_691 = tpu.memref_squeeze %dma_wait3A_690 : memref<1x640xf32, #tpu.memory_space<vmem>> -> memref<640xf32, #tpu.memory_space<vmem>>
    %dma_wait3A_692 = tpu.memref_slice %arg6[%add3A_499, %mul3A_2] : memref<32x10240xf32, #tpu.memory_space<hbm>> -> memref<1x640xf32, #tpu.memory_space<hbm>>
    %dma_wait3A_693 = tpu.memref_squeeze %dma_wait3A_692 : memref<1x640xf32, #tpu.memory_space<hbm>> -> memref<640xf32, #tpu.memory_space<hbm>>
    %dma_wait3A_694 = arith.constant 0 : i32
    %dma_wait3A_695 = tpu.memref_slice %arg12[%dma_wait3A_688, %dma_wait3A_694] : memref<16x640xf32, #tpu.memory_space<vmem>> -> memref<1x640xf32, #tpu.memory_space<vmem>>
    %dma_wait3A_696 = tpu.memref_squeeze %dma_wait3A_695 : memref<1x640xf32, #tpu.memory_space<vmem>> -> memref<640xf32, #tpu.memory_space<vmem>>
    %dma_wait3A_697 = tpu.memref_slice %arg6[%add3A_499, %mul3A_2] : memref<32x10240xf32, #tpu.memory_space<hbm>> -> memref<1x640xf32, #tpu.memory_space<hbm>>
    %dma_wait3A_698 = tpu.memref_squeeze %dma_wait3A_697 : memref<1x640xf32, #tpu.memory_space<hbm>> -> memref<640xf32, #tpu.memory_space<hbm>>
    tpu.wait_dma2 semaphore(%arg13 : memref<!tpu.dma_semaphore, #tpu.memory_space<semaphore_mem>>) src(%dma_wait3A_698 : memref<640xf32, #tpu.memory_space<hbm>>) dst(%dma_wait3A_696 : memref<640xf32, #tpu.memory_space<vmem>>)
    %dma_wait3A_699 = arith.constant 13 : i32
    %dma_wait3A_700 = arith.constant 0 : i32
    %dma_wait3A_701 = tpu.memref_slice %arg12[%dma_wait3A_699, %dma_wait3A_700] : memref<16x640xf32, #tpu.memory_space<vmem>> -> memref<1x640xf32, #tpu.memory_space<vmem>>
    %dma_wait3A_702 = tpu.memref_squeeze %dma_wait3A_701 : memref<1x640xf32, #tpu.memory_space<vmem>> -> memref<640xf32, #tpu.memory_space<vmem>>
    %dma_wait3A_703 = tpu.memref_slice %arg6[%add3A_514, %mul3A_2] : memref<32x10240xf32, #tpu.memory_space<hbm>> -> memref<1x640xf32, #tpu.memory_space<hbm>>
    %dma_wait3A_704 = tpu.memref_squeeze %dma_wait3A_703 : memref<1x640xf32, #tpu.memory_space<hbm>> -> memref<640xf32, #tpu.memory_space<hbm>>
    %dma_wait3A_705 = arith.constant 0 : i32
    %dma_wait3A_706 = tpu.memref_slice %arg12[%dma_wait3A_699, %dma_wait3A_705] : memref<16x640xf32, #tpu.memory_space<vmem>> -> memref<1x640xf32, #tpu.memory_space<vmem>>
    %dma_wait3A_707 = tpu.memref_squeeze %dma_wait3A_706 : memref<1x640xf32, #tpu.memory_space<vmem>> -> memref<640xf32, #tpu.memory_space<vmem>>
    %dma_wait3A_708 = tpu.memref_slice %arg6[%add3A_514, %mul3A_2] : memref<32x10240xf32, #tpu.memory_space<hbm>> -> memref<1x640xf32, #tpu.memory_space<hbm>>
    %dma_wait3A_709 = tpu.memref_squeeze %dma_wait3A_708 : memref<1x640xf32, #tpu.memory_space<hbm>> -> memref<640xf32, #tpu.memory_space<hbm>>
    tpu.wait_dma2 semaphore(%arg13 : memref<!tpu.dma_semaphore, #tpu.memory_space<semaphore_mem>>) src(%dma_wait3A_709 : memref<640xf32, #tpu.memory_space<hbm>>) dst(%dma_wait3A_707 : memref<640xf32, #tpu.memory_space<vmem>>)
    %dma_wait3A_710 = arith.constant 14 : i32
    %dma_wait3A_711 = arith.constant 0 : i32
    %dma_wait3A_712 = tpu.memref_slice %arg12[%dma_wait3A_710, %dma_wait3A_711] : memref<16x640xf32, #tpu.memory_space<vmem>> -> memref<1x640xf32, #tpu.memory_space<vmem>>
    %dma_wait3A_713 = tpu.memref_squeeze %dma_wait3A_712 : memref<1x640xf32, #tpu.memory_space<vmem>> -> memref<640xf32, #tpu.memory_space<vmem>>
    %dma_wait3A_714 = tpu.memref_slice %arg6[%add3A_529, %mul3A_2] : memref<32x10240xf32, #tpu.memory_space<hbm>> -> memref<1x640xf32, #tpu.memory_space<hbm>>
    %dma_wait3A_715 = tpu.memref_squeeze %dma_wait3A_714 : memref<1x640xf32, #tpu.memory_space<hbm>> -> memref<640xf32, #tpu.memory_space<hbm>>
    %dma_wait3A_716 = arith.constant 0 : i32
    %dma_wait3A_717 = tpu.memref_slice %arg12[%dma_wait3A_710, %dma_wait3A_716] : memref<16x640xf32, #tpu.memory_space<vmem>> -> memref<1x640xf32, #tpu.memory_space<vmem>>
    %dma_wait3A_718 = tpu.memref_squeeze %dma_wait3A_717 : memref<1x640xf32, #tpu.memory_space<vmem>> -> memref<640xf32, #tpu.memory_space<vmem>>
    %dma_wait3A_719 = tpu.memref_slice %arg6[%add3A_529, %mul3A_2] : memref<32x10240xf32, #tpu.memory_space<hbm>> -> memref<1x640xf32, #tpu.memory_space<hbm>>
    %dma_wait3A_720 = tpu.memref_squeeze %dma_wait3A_719 : memref<1x640xf32, #tpu.memory_space<hbm>> -> memref<640xf32, #tpu.memory_space<hbm>>
    tpu.wait_dma2 semaphore(%arg13 : memref<!tpu.dma_semaphore, #tpu.memory_space<semaphore_mem>>) src(%dma_wait3A_720 : memref<640xf32, #tpu.memory_space<hbm>>) dst(%dma_wait3A_718 : memref<640xf32, #tpu.memory_space<vmem>>)
    %dma_wait3A_721 = arith.constant 15 : i32
    %dma_wait3A_722 = arith.constant 0 : i32
    %dma_wait3A_723 = tpu.memref_slice %arg12[%dma_wait3A_721, %dma_wait3A_722] : memref<16x640xf32, #tpu.memory_space<vmem>> -> memref<1x640xf32, #tpu.memory_space<vmem>>
    %dma_wait3A_724 = tpu.memref_squeeze %dma_wait3A_723 : memref<1x640xf32, #tpu.memory_space<vmem>> -> memref<640xf32, #tpu.memory_space<vmem>>
    %dma_wait3A_725 = tpu.memref_slice %arg6[%add3A_544, %mul3A_2] : memref<32x10240xf32, #tpu.memory_space<hbm>> -> memref<1x640xf32, #tpu.memory_space<hbm>>
    %dma_wait3A_726 = tpu.memref_squeeze %dma_wait3A_725 : memref<1x640xf32, #tpu.memory_space<hbm>> -> memref<640xf32, #tpu.memory_space<hbm>>
    %dma_wait3A_727 = arith.constant 0 : i32
    %dma_wait3A_728 = tpu.memref_slice %arg12[%dma_wait3A_721, %dma_wait3A_727] : memref<16x640xf32, #tpu.memory_space<vmem>> -> memref<1x640xf32, #tpu.memory_space<vmem>>
    %dma_wait3A_729 = tpu.memref_squeeze %dma_wait3A_728 : memref<1x640xf32, #tpu.memory_space<vmem>> -> memref<640xf32, #tpu.memory_space<vmem>>
    %dma_wait3A_730 = tpu.memref_slice %arg6[%add3A_544, %mul3A_2] : memref<32x10240xf32, #tpu.memory_space<hbm>> -> memref<1x640xf32, #tpu.memory_space<hbm>>
    %dma_wait3A_731 = tpu.memref_squeeze %dma_wait3A_730 : memref<1x640xf32, #tpu.memory_space<hbm>> -> memref<640xf32, #tpu.memory_space<hbm>>
    tpu.wait_dma2 semaphore(%arg13 : memref<!tpu.dma_semaphore, #tpu.memory_space<semaphore_mem>>) src(%dma_wait3A_731 : memref<640xf32, #tpu.memory_space<hbm>>) dst(%dma_wait3A_729 : memref<640xf32, #tpu.memory_space<vmem>>)
    %parallel_loop3A_732 = arith.constant 0 : i32
    %parallel_loop3A_733 = arith.constant 40 : i32
    %parallel_loop3A_734 = arith.constant 1 : i32
    scf.for %parallel_loop3A_735 = %parallel_loop3A_732 to %parallel_loop3A_733 step %parallel_loop3A_734  : i32 {
      %parallel_loop3A_736 = arith.constant 16 : i32
      %parallel_loop3A_737 = arith.muli %parallel_loop3A_735, %parallel_loop3A_736 : i32
      %parallel_loop3A_738 = arith.constant 0 : i32
      %parallel_loop3A_739 = arith.index_cast %parallel_loop3A_738 : i32 to index
      %parallel_loop3A_740 = arith.index_cast %parallel_loop3A_737 : i32 to index
      %parallel_loop3A_741 = tpu.vector_load %arg12[%parallel_loop3A_739, %parallel_loop3A_740] {strides = array<i32>} : memref<16x640xf32, #tpu.memory_space<vmem>>, vector<16xf32>,
      %parallel_loop3A_742 = arith.constant 16 : i32
      %parallel_loop3A_743 = arith.muli %parallel_loop3A_735, %parallel_loop3A_742 : i32
      %parallel_loop3A_744 = arith.constant 1 : i32
      %parallel_loop3A_745 = arith.index_cast %parallel_loop3A_744 : i32 to index
      %parallel_loop3A_746 = arith.index_cast %parallel_loop3A_743 : i32 to index
      %parallel_loop3A_747 = tpu.vector_load %arg12[%parallel_loop3A_745, %parallel_loop3A_746] {strides = array<i32>} : memref<16x640xf32, #tpu.memory_space<vmem>>, vector<16xf32>,
      %parallel_loop3A_748 = arith.addf %parallel_loop3A_741, %parallel_loop3A_747 : vector<16xf32>
      %parallel_loop3A_749 = arith.constant 16 : i32
      %parallel_loop3A_750 = arith.muli %parallel_loop3A_735, %parallel_loop3A_749 : i32
      %parallel_loop3A_751 = arith.constant 2 : i32
      %parallel_loop3A_752 = arith.index_cast %parallel_loop3A_751 : i32 to index
      %parallel_loop3A_753 = arith.index_cast %parallel_loop3A_750 : i32 to index
      %parallel_loop3A_754 = tpu.vector_load %arg12[%parallel_loop3A_752, %parallel_loop3A_753] {strides = array<i32>} : memref<16x640xf32, #tpu.memory_space<vmem>>, vector<16xf32>,
      %parallel_loop3A_755 = arith.addf %parallel_loop3A_748, %parallel_loop3A_754 : vector<16xf32>
      %parallel_loop3A_756 = arith.constant 16 : i32
      %parallel_loop3A_757 = arith.muli %parallel_loop3A_735, %parallel_loop3A_756 : i32
      %parallel_loop3A_758 = arith.constant 3 : i32
      %parallel_loop3A_759 = arith.index_cast %parallel_loop3A_758 : i32 to index
      %parallel_loop3A_760 = arith.index_cast %parallel_loop3A_757 : i32 to index
      %parallel_loop3A_761 = tpu.vector_load %arg12[%parallel_loop3A_759, %parallel_loop3A_760] {strides = array<i32>} : memref<16x640xf32, #tpu.memory_space<vmem>>, vector<16xf32>,
      %parallel_loop3A_762 = arith.addf %parallel_loop3A_755, %parallel_loop3A_761 : vector<16xf32>
      %parallel_loop3A_763 = arith.constant 16 : i32
      %parallel_loop3A_764 = arith.muli %parallel_loop3A_735, %parallel_loop3A_763 : i32
      %parallel_loop3A_765 = arith.constant 4 : i32
      %parallel_loop3A_766 = arith.index_cast %parallel_loop3A_765 : i32 to index
      %parallel_loop3A_767 = arith.index_cast %parallel_loop3A_764 : i32 to index
      %parallel_loop3A_768 = tpu.vector_load %arg12[%parallel_loop3A_766, %parallel_loop3A_767] {strides = array<i32>} : memref<16x640xf32, #tpu.memory_space<vmem>>, vector<16xf32>,
      %parallel_loop3A_769 = arith.addf %parallel_loop3A_762, %parallel_loop3A_768 : vector<16xf32>
      %parallel_loop3A_770 = arith.constant 16 : i32
      %parallel_loop3A_771 = arith.muli %parallel_loop3A_735, %parallel_loop3A_770 : i32
      %parallel_loop3A_772 = arith.constant 5 : i32
      %parallel_loop3A_773 = arith.index_cast %parallel_loop3A_772 : i32 to index
      %parallel_loop3A_774 = arith.index_cast %parallel_loop3A_771 : i32 to index
      %parallel_loop3A_775 = tpu.vector_load %arg12[%parallel_loop3A_773, %parallel_loop3A_774] {strides = array<i32>} : memref<16x640xf32, #tpu.memory_space<vmem>>, vector<16xf32>,
      %parallel_loop3A_776 = arith.addf %parallel_loop3A_769, %parallel_loop3A_775 : vector<16xf32>
      %parallel_loop3A_777 = arith.constant 16 : i32
      %parallel_loop3A_778 = arith.muli %parallel_loop3A_735, %parallel_loop3A_777 : i32
      %parallel_loop3A_779 = arith.constant 6 : i32
      %parallel_loop3A_780 = arith.index_cast %parallel_loop3A_779 : i32 to index
      %parallel_loop3A_781 = arith.index_cast %parallel_loop3A_778 : i32 to index
      %parallel_loop3A_782 = tpu.vector_load %arg12[%parallel_loop3A_780, %parallel_loop3A_781] {strides = array<i32>} : memref<16x640xf32, #tpu.memory_space<vmem>>, vector<16xf32>,
      %parallel_loop3A_783 = arith.addf %parallel_loop3A_776, %parallel_loop3A_782 : vector<16xf32>
      %parallel_loop3A_784 = arith.constant 16 : i32
      %parallel_loop3A_785 = arith.muli %parallel_loop3A_735, %parallel_loop3A_784 : i32
      %parallel_loop3A_786 = arith.constant 7 : i32
      %parallel_loop3A_787 = arith.index_cast %parallel_loop3A_786 : i32 to index
      %parallel_loop3A_788 = arith.index_cast %parallel_loop3A_785 : i32 to index
      %parallel_loop3A_789 = tpu.vector_load %arg12[%parallel_loop3A_787, %parallel_loop3A_788] {strides = array<i32>} : memref<16x640xf32, #tpu.memory_space<vmem>>, vector<16xf32>,
      %parallel_loop3A_790 = arith.addf %parallel_loop3A_783, %parallel_loop3A_789 : vector<16xf32>
      %parallel_loop3A_791 = arith.constant 16 : i32
      %parallel_loop3A_792 = arith.muli %parallel_loop3A_735, %parallel_loop3A_791 : i32
      %parallel_loop3A_793 = arith.constant 8 : i32
      %parallel_loop3A_794 = arith.index_cast %parallel_loop3A_793 : i32 to index
      %parallel_loop3A_795 = arith.index_cast %parallel_loop3A_792 : i32 to index
      %parallel_loop3A_796 = tpu.vector_load %arg12[%parallel_loop3A_794, %parallel_loop3A_795] {strides = array<i32>} : memref<16x640xf32, #tpu.memory_space<vmem>>, vector<16xf32>,
      %parallel_loop3A_797 = arith.addf %parallel_loop3A_790, %parallel_loop3A_796 : vector<16xf32>
      %parallel_loop3A_798 = arith.constant 16 : i32
      %parallel_loop3A_799 = arith.muli %parallel_loop3A_735, %parallel_loop3A_798 : i32
      %parallel_loop3A_800 = arith.constant 9 : i32
      %parallel_loop3A_801 = arith.index_cast %parallel_loop3A_800 : i32 to index
      %parallel_loop3A_802 = arith.index_cast %parallel_loop3A_799 : i32 to index
      %parallel_loop3A_803 = tpu.vector_load %arg12[%parallel_loop3A_801, %parallel_loop3A_802] {strides = array<i32>} : memref<16x640xf32, #tpu.memory_space<vmem>>, vector<16xf32>,
      %parallel_loop3A_804 = arith.addf %parallel_loop3A_797, %parallel_loop3A_803 : vector<16xf32>
      %parallel_loop3A_805 = arith.constant 16 : i32
      %parallel_loop3A_806 = arith.muli %parallel_loop3A_735, %parallel_loop3A_805 : i32
      %parallel_loop3A_807 = arith.constant 10 : i32
      %parallel_loop3A_808 = arith.index_cast %parallel_loop3A_807 : i32 to index
      %parallel_loop3A_809 = arith.index_cast %parallel_loop3A_806 : i32 to index
      %parallel_loop3A_810 = tpu.vector_load %arg12[%parallel_loop3A_808, %parallel_loop3A_809] {strides = array<i32>} : memref<16x640xf32, #tpu.memory_space<vmem>>, vector<16xf32>,
      %parallel_loop3A_811 = arith.addf %parallel_loop3A_804, %parallel_loop3A_810 : vector<16xf32>
      %parallel_loop3A_812 = arith.constant 16 : i32
      %parallel_loop3A_813 = arith.muli %parallel_loop3A_735, %parallel_loop3A_812 : i32
      %parallel_loop3A_814 = arith.constant 11 : i32
      %parallel_loop3A_815 = arith.index_cast %parallel_loop3A_814 : i32 to index
      %parallel_loop3A_816 = arith.index_cast %parallel_loop3A_813 : i32 to index
      %parallel_loop3A_817 = tpu.vector_load %arg12[%parallel_loop3A_815, %parallel_loop3A_816] {strides = array<i32>} : memref<16x640xf32, #tpu.memory_space<vmem>>, vector<16xf32>,
      %parallel_loop3A_818 = arith.addf %parallel_loop3A_811, %parallel_loop3A_817 : vector<16xf32>
      %parallel_loop3A_819 = arith.constant 16 : i32
      %parallel_loop3A_820 = arith.muli %parallel_loop3A_735, %parallel_loop3A_819 : i32
      %parallel_loop3A_821 = arith.constant 12 : i32
      %parallel_loop3A_822 = arith.index_cast %parallel_loop3A_821 : i32 to index
      %parallel_loop3A_823 = arith.index_cast %parallel_loop3A_820 : i32 to index
      %parallel_loop3A_824 = tpu.vector_load %arg12[%parallel_loop3A_822, %parallel_loop3A_823] {strides = array<i32>} : memref<16x640xf32, #tpu.memory_space<vmem>>, vector<16xf32>,
      %parallel_loop3A_825 = arith.addf %parallel_loop3A_818, %parallel_loop3A_824 : vector<16xf32>
      %parallel_loop3A_826 = arith.constant 16 : i32
      %parallel_loop3A_827 = arith.muli %parallel_loop3A_735, %parallel_loop3A_826 : i32
      %parallel_loop3A_828 = arith.constant 13 : i32
      %parallel_loop3A_829 = arith.index_cast %parallel_loop3A_828 : i32 to index
      %parallel_loop3A_830 = arith.index_cast %parallel_loop3A_827 : i32 to index
      %parallel_loop3A_831 = tpu.vector_load %arg12[%parallel_loop3A_829, %parallel_loop3A_830] {strides = array<i32>} : memref<16x640xf32, #tpu.memory_space<vmem>>, vector<16xf32>,
      %parallel_loop3A_832 = arith.addf %parallel_loop3A_825, %parallel_loop3A_831 : vector<16xf32>
      %parallel_loop3A_833 = arith.constant 16 : i32
      %parallel_loop3A_834 = arith.muli %parallel_loop3A_735, %parallel_loop3A_833 : i32
      %parallel_loop3A_835 = arith.constant 14 : i32
      %parallel_loop3A_836 = arith.index_cast %parallel_loop3A_835 : i32 to index
      %parallel_loop3A_837 = arith.index_cast %parallel_loop3A_834 : i32 to index
      %parallel_loop3A_838 = tpu.vector_load %arg12[%parallel_loop3A_836, %parallel_loop3A_837] {strides = array<i32>} : memref<16x640xf32, #tpu.memory_space<vmem>>, vector<16xf32>,
      %parallel_loop3A_839 = arith.addf %parallel_loop3A_832, %parallel_loop3A_838 : vector<16xf32>
      %parallel_loop3A_840 = arith.constant 16 : i32
      %parallel_loop3A_841 = arith.muli %parallel_loop3A_735, %parallel_loop3A_840 : i32
      %parallel_loop3A_842 = arith.constant 15 : i32
      %parallel_loop3A_843 = arith.index_cast %parallel_loop3A_842 : i32 to index
      %parallel_loop3A_844 = arith.index_cast %parallel_loop3A_841 : i32 to index
      %parallel_loop3A_845 = tpu.vector_load %arg12[%parallel_loop3A_843, %parallel_loop3A_844] {strides = array<i32>} : memref<16x640xf32, #tpu.memory_space<vmem>>, vector<16xf32>,
      %parallel_loop3A_846 = arith.addf %parallel_loop3A_839, %parallel_loop3A_845 : vector<16xf32>
      %parallel_loop3A_847 = arith.constant 16 : i32
      %parallel_loop3A_848 = arith.muli %parallel_loop3A_735, %parallel_loop3A_847 : i32
      %parallel_loop3A_849 = arith.index_cast %parallel_loop3A_848 : i32 to index
      %parallel_loop3A_850 = tpu.vector_load %arg9[%parallel_loop3A_849] {strides = array<i32>} : memref<640xf32, #tpu.memory_space<vmem>>, vector<16xf32>,
      tpu.vector_store %arg9[%parallel_loop3A_849], %parallel_loop3A_846 {strides = array<i32>} : memref<640xf32, #tpu.memory_space<vmem>>, vector<16xf32>,
    } {sc.loop_unroll_factor = 4 : i64, sc.parallel_access}
    "tpu.region"() ({
      %run_scoped3A = tpu.sem_alloc : memref<!tpu.dma_semaphore, #tpu.memory_space<semaphore_mem>>
      %dma_start3A_735 = tpu.memref_slice %arg4[%arg0, %mul3A_2] : memref<2x10240xf32, #tpu.memory_space<hbm>> -> memref<1x640xf32, #tpu.memory_space<hbm>>
      %dma_start3A_736 = tpu.memref_squeeze %dma_start3A_735 : memref<1x640xf32, #tpu.memory_space<hbm>> -> memref<640xf32, #tpu.memory_space<hbm>>
      %dma_start3A_737 = tpu.memref_slice %arg4[%arg0, %mul3A_2] : memref<2x10240xf32, #tpu.memory_space<hbm>> -> memref<1x640xf32, #tpu.memory_space<hbm>>
      %dma_start3A_738 = tpu.memref_squeeze %dma_start3A_737 : memref<1x640xf32, #tpu.memory_space<hbm>> -> memref<640xf32, #tpu.memory_space<hbm>>
      tpu.enqueue_dma source(%arg9 : memref<640xf32, #tpu.memory_space<vmem>>) target(%dma_start3A_738 : memref<640xf32, #tpu.memory_space<hbm>>) target_semaphore(%run_scoped3A : memref<!tpu.dma_semaphore, #tpu.memory_space<semaphore_mem>>)
      %dma_wait3A_739 = tpu.memref_slice %arg4[%arg0, %mul3A_2] : memref<2x10240xf32, #tpu.memory_space<hbm>> -> memref<1x640xf32, #tpu.memory_space<hbm>>
      %dma_wait3A_740 = tpu.memref_squeeze %dma_wait3A_739 : memref<1x640xf32, #tpu.memory_space<hbm>> -> memref<640xf32, #tpu.memory_space<hbm>>
      %dma_wait3A_741 = tpu.memref_slice %arg4[%arg0, %mul3A_2] : memref<2x10240xf32, #tpu.memory_space<hbm>> -> memref<1x640xf32, #tpu.memory_space<hbm>>
      %dma_wait3A_742 = tpu.memref_squeeze %dma_wait3A_741 : memref<1x640xf32, #tpu.memory_space<hbm>> -> memref<640xf32, #tpu.memory_space<hbm>>
      tpu.wait_dma2 semaphore(%run_scoped3A : memref<!tpu.dma_semaphore, #tpu.memory_space<semaphore_mem>>) src(%arg9 : memref<640xf32, #tpu.memory_space<vmem>>) dst(%dma_wait3A_742 : memref<640xf32, #tpu.memory_space<hbm>>)
      tpu.yield
    }) : () -> ()
    "tpu.trace_stop"() : () -> ()
    return
  }
}

module attributes {stable_mosaic.version = 14 : i64} {
  func.func @_combine_body(%arg0: memref<20480xf32, #tpu.memory_space<vmem>>, %arg1: memref<10240xi32, #tpu.memory_space<vmem>>) attributes {dimension_semantics = [], scalar_prefetch = 0 : i64, scratch_operands = 0 : i64, tpu.core_type = #tpu.core_type<tc>} {
    %get3A = arith.constant 0 : index
    %get3A_0 = vector.load %arg0[%get3A] : memref<20480xf32, #tpu.memory_space<vmem>>, vector<10240xf32>
    %get3A_1 = arith.constant 10240 : index
    %get3A_2 = vector.load %arg0[%get3A_1] : memref<20480xf32, #tpu.memory_space<vmem>>, vector<10240xf32>
    %add3A = arith.addf %get3A_0, %get3A_2 : vector<10240xf32>
    %gt3A = arith.constant 0.000000e+00 : f32
    %gt3A_3 = vector.broadcast %gt3A : f32 to vector<10240xf32>
    %gt3A_4 = arith.cmpf ogt, %add3A, %gt3A_3 : vector<10240xf32>
    %convert_element_type3A = arith.extui %gt3A_4 : vector<10240xi1> to vector<10240xi32>
    %swap3A = arith.constant 0 : index
    %swap3A_5 = vector.load %arg1[%swap3A] : memref<10240xi32, #tpu.memory_space<vmem>>, vector<10240xi32>
    tpu.vector_store %arg1[%swap3A], %convert_element_type3A {strides = array<i32>} : memref<10240xi32, #tpu.memory_space<vmem>>, vector<10240xi32>,
    return
  }
}

</mosaic_0001>

<sc_bundles>
// kernel: kernel.4.cloned.1.call-start
scs
__scs_entry_jumppad:
0x0: {  	(pc) =	sbr.rel $0x88, $3  }
0x1: {  	(tag) =	ssettag $0x0;
	lr =	simm.s32 $0x1  }
0x2: {  	[smem:$0x3F9F] =	sst lr;
	_ =	strace $0xD0000000  }
0x3: {  	_ = 	snop  }
0x4: {  	_ = 	snop  }
0x5: {  	_ = 	snop  }
0x6: {  	_ = 	snop  }
0x7: {  	_ = 	snop  }
__scs_overlays_trampoline_lowered:
0x8: {  	[smem:$0x3FAE] =	sst s0  }
0x9: {  	[smem:$0x3FAF] =	sst s1  }
0xa: {  	[smem:$0x3FB0] =	sst s2  }
0xb: {  	[smem:$0x3FB1] =	sst s3  }
0xc: {  	[smem:$0x3FB2] =	sst s4  }
0xd: {  	[smem:$0x3FB3] =	sst s5  }
0xe: {  	[smem:$0x3FB4] =	sst s6  }
0xf: {  	[smem:$0x3FB5] =	sst s7  }
0x10: {  	[smem:$0x3FB6] =	sst s8  }
0x11: {  	[smem:$0x3FB7] =	sst s9;
	s0 =	simm.s32 @!p0 $0x0  }
0x12: {  	s1 =	sld [smem:$0x3F9D];
	s0 =	simm.s32 @p0 $0x1  }
0x13: {  	[smem:$0x3FB8] =	sst s0;
	s0 =	simm.s32 @!p1 $0x0  }
0x14: {  	s2 =	sld [smem:$0x3F9C];
	s0 =	simm.s32 @p1 $0x1  }
0x15: {  	[smem:$0x3FB9] =	sst s0;
	s0 =	simm.s32 @!p2 $0x0  }
0x16: {  	s3 =	sld [smem:$0x3FDB];
	s0 =	simm.s32 @p2 $0x1  }
0x17: {  	s4 =	simm.s32 $0x1BF5;
	[smem:$0x3FBB] =	sst s0  }
0x18: {  	s0 =	sld [smem:$0x3F9E];
	_ =	swait.ge [sflag:s4], $0x0  }
0x19: {  	s7 =	sld [smem:$0x3F9F]  }
0x1a: {  	s8 =	sadd.s32 $0xFFFFE003, lr  }
0x1b: {  	s9 =	sadd.s32 $0xFFFFFEF7, lr;
	s5 =	simm.s32 $0xFFFFFFFF;
	p2 =	slt.u32 s8, $0xFFFFF086  }
0x1c: {  	p1 =	slt.u32 s9, $0xF7A;
	s5 =	simm.s32 @!p2 $0x0  }
0x1d: {  	s5 =	simm.s32 @p1 $0x1;
	p0 =	seq.s32 s7, s2  }
0x1e: {  	s7 =	smul.u32 @!p0 $0xF7A, s2;
	p2 =	seq.s32 @!p0 s5, $0x0  }
0x1f: {  	s9 =	smul.u32 $0xF7A, s1;
	s8 =	simm.s32 @!p0 $0x1BF5;
	p2 =	por !p2, p0  }
0x20: {  	[sflag:s8] =	ssyncset.s32 @!p0 $0xFFFFF086;
	s6 =	sadd.s32 @!p0 s3, s7;
	s7 =	simm.s32 @!p0 $0x108  }
0x21: {  	s3 =	sadd.s32 s3, s9;
	s6 =	sadd.s32 @!p0 $0x88, s6;
	s7 =	simm.s32 @p2 $0x1082  }
0x22: {  	[simem:s7], [sflag:s8] =	dma.local @!p0 [hbm:s6], $0xF7A  }
0x23: {  	s9 =	sor.u32 $0xD0000000, s2;
	s6 =	simm.s32 $0x108;
	_ =	swait.ge @!p0 [sflag:s8], $0x0  }
0x24: {  	s3 =	sadd.s32 $0x88, s3;
	s6 =	simm.s32 @!p1 $0x1082;
	[sflag:s4] =	ssyncset.s32 $0xFFFFF086  }
0x25: {  	[simem:s6], [sflag:s4] =	dma.local [hbm:s3], $0xF7A  }
0x26: {  	[smem:$0x3F9F] =	sst s1;
	(tag) =	ssettag s2;
	_ =	strace s9  }
0x27: {  	s1 =	sld [smem:$0x3FAF]  }
0x28: {  	s2 =	sld [smem:$0x3FB0]  }
0x29: {  	s4 =	sld [smem:$0x3FB2]  }
0x2a: {  	p0 =	seq.s32 s5, $0x0;
	s5 =	sld [smem:$0x3FB3]  }
0x2b: {  	s6 =	sld [smem:$0x3FB4]  }
0x2c: {  	s7 =	sld [smem:$0x3FB5]  }
0x2d: {  	s3 =	simm.s32 $0x108;
	s8 =	sld [smem:$0x3FB6]  }
0x2e: {  	s3 =	simm.s32 @!p0 $0x1082;
	s9 =	sld [smem:$0x3FB7]  }
0x2f: {  	lr =	sadd.s32 s0, s3;
	s0 =	sld [smem:$0x3FAE]  }
0x30: {  	s3 =	sld [smem:$0x3FB1]  }
0x31: {  	[smem:$0x3FBA] =	sst s10  }
0x32: {  	s10 =	sld [smem:$0x3FB8];
	_ =	sdelay $0x3  }
0x33: {  	p0 =	seq.s32 s10, $0x1;
	s10 =	sld [smem:$0x3FBA];
	_ =	sdelay $0x3  }
0x34: {  	[smem:$0x3FBA] =	sst s10  }
0x35: {  	s10 =	sld [smem:$0x3FB9];
	_ =	sdelay $0x3  }
0x36: {  	p1 =	seq.s32 s10, $0x1;
	s10 =	sld [smem:$0x3FBA];
	_ =	sdelay $0x3  }
0x37: {  	[smem:$0x3FBA] =	sst s10  }
0x38: {  	s10 =	sld [smem:$0x3FBB]  }
0x39: {  	_ = 	snop;
	(pc) =	sbr.ind lr, $3  }
0x3a: {  	_ = 	snop  }
0x3b: {  	_ = 	snop  }
0x3c: {  	p2 =	seq.s32 s10, $0x1;
	s10 =	sld [smem:$0x3FBA]  }
0x3d: {  	_ =	shalt  }
0x3e: {  	_ =	shalt  }
0x3f: {  	_ =	shalt  }
0x40: {  	_ =	shalt  }
0x41: {  	_ =	shalt  }
0x42: {  	_ =	shalt  }
0x43: {  	_ =	shalt  }
0x44: {  	_ =	shalt  }
0x45: {  	_ =	shalt  }
0x46: {  	_ =	shalt  }
0x47: {  	_ =	shalt  }
0x48: {  	_ =	shalt  }
0x49: {  	_ =	shalt  }
0x4a: {  	_ =	shalt  }
0x4b: {  	_ =	shalt  }
0x4c: {  	_ =	shalt  }
0x4d: {  	_ =	shalt  }
0x4e: {  	_ =	shalt  }
0x4f: {  	_ =	shalt  }
0x50: {  	_ =	shalt  }
0x51: {  	_ =	shalt  }
0x52: {  	_ =	shalt  }
0x53: {  	_ =	shalt  }
0x54: {  	_ =	shalt  }
0x55: {  	_ =	shalt  }
0x56: {  	_ =	shalt  }
0x57: {  	_ =	shalt  }
0x58: {  	_ =	shalt  }
0x59: {  	_ =	shalt  }
0x5a: {  	_ =	shalt  }
0x5b: {  	_ =	shalt  }
0x5c: {  	_ =	shalt  }
0x5d: {  	_ =	shalt  }
0x5e: {  	_ =	shalt  }
0x5f: {  	_ =	shalt  }
0x60: {  	_ =	shalt  }
0x61: {  	_ =	shalt  }
0x62: {  	_ =	shalt  }
0x63: {  	_ =	shalt  }
0x64: {  	_ =	shalt  }
0x65: {  	_ =	shalt  }
0x66: {  	_ =	shalt  }
0x67: {  	_ =	shalt  }
0x68: {  	_ =	shalt  }
0x69: {  	_ =	shalt  }
0x6a: {  	_ =	shalt  }
0x6b: {  	_ =	shalt  }
0x6c: {  	_ =	shalt  }
0x6d: {  	_ =	shalt  }
0x6e: {  	_ =	shalt  }
0x6f: {  	_ =	shalt  }
0x70: {  	_ =	shalt  }
0x71: {  	_ =	shalt  }
0x72: {  	_ =	shalt  }
0x73: {  	_ =	shalt  }
0x74: {  	_ =	shalt  }
0x75: {  	_ =	shalt  }
0x76: {  	_ =	shalt  }
0x77: {  	_ =	shalt  }
0x78: {  	_ =	shalt  }
0x79: {  	_ =	shalt  }
0x7a: {  	_ =	shalt  }
0x7b: {  	_ =	shalt  }
0x7c: {  	_ =	shalt  }
0x7d: {  	_ =	shalt  }
0x7e: {  	_ =	shalt  }
0x7f: {  	_ =	shalt  }
0x80: {  	_ =	shalt  }
0x81: {  	_ =	shalt  }
0x82: {  	_ =	shalt  }
0x83: {  	_ =	shalt  }
0x84: {  	_ =	shalt  }
0x85: {  	_ =	shalt  }
0x86: {  	_ =	shalt  }
0x87: {  	_ =	shalt  }
.Lfunc_end0:
.L_simem_size_0:
called_computation_lowered:
.L_overlay_start_0:
0x88: {  	s2 =	sld [smem:$0x3FD9]  }
0x89: {  	s3 =	sld [smem:$0x3FFE];
	_ =	sdelay $0x1  }
0x8a: {  	s1 =	srdreg.scid  }
0x8b: {  	s0 =	sand.u32 $0x1, s1  }
0x8c: {  	s17 =	sshll.u32 s0, $0xA;
	s2 =	sadd.s32 s3, s2  }
0x8d: {  	s2 =	sadd.s32 s2, s17  }
0x8e: {  	[smem:$0x3FC6] =	sst s2  }
0x8f: {  	_ = 	snop  }
0x90: {  	s2 =	sld [smem:$0x3FC9]  }
0x91: {  	s18 =	sld [smem:$0x3FC8];
	(tm) =	ssettm $0x1  }
0x92: {  	s4 =	sld [smem:$0x3FFB];
	_ =	sdelay $0x3  }
0x93: {  	_ =	strace s4  }
0x94: {  	s4 =	sld [smem:$0x3FFC];
	_ =	sdelay $0x3  }
0x95: {  	_ =	strace s4  }
0x96: {  	s4 =	sld [smem:$0x3FFD];
	_ =	sdelay $0x3  }
0x97: {  	_ =	strace s4  }
0x98: {  	_ =	strace $0x8FFFFFFF  }
0x99: {  	s19 =	sld [smem:$0x3FDB];
	_ =	sdelay $0x1  }
0x9a: {  	s5 =	simm.s32 $_scs_section_size  }
0x9b: {  	s6 =	simm.s32 $_size__tile_overlayer_lowered;
	s7 =	simm.s32 $_tile_overlayer_lowered  }
0x9c: {  	s22 =	simm.s32 $0x1BFF;
	s21 =	sshll.u32 s7, $0x1;
	s4 =	sadd.s32 s5, s19  }
0x9d: {  	s8 =	simm.s32 $0x0;
	s20 =	sshll.u32 s6, $0x1;
	s6 =	sadd.s32 s21, s4  }
0x9e: {  	[timem:s8], [sflag:s22] =	dma.local [hbm:s6], s20  }
0x9f: {  	_ =	swait.ge [sflag:s22], s20  }
0xa0: {  	s5 =	ssub.s32 $0x0, s20;
	[sflag:s22] =	ssyncset.done $0x0  }
0xa1: {  	[sflag:s22] =	ssyncadd.s32 s5;
	_ =	sdelay $0x1  }
0xa2: {  	s23 =	simm.s32 $0x1B8B  }
0xa3: {  	_ =	swait.ge [sflag:s23], $0x1  }
0xa4: {  	[sflag:s23] =	ssyncset.done $0x0  }
0xa5: {  	s25 =	simm.s32 $0x1B8E;
	s24 =	sld [smem:$0x3FFE];
	[sflag:s23] =	ssyncadd.s32 $0xFFFFFFFF  }
0xa6: {  	s26 =	simm.s32 $execute0_lowered;
	[smem:$0x3FD2] =	sst s25  }
0xa7: {  	s6 =	sshll.u32 s26, $0x1;
	_ =	strace $0x80000046;
	[dreg:$0x1] =	wrdreg $0xFFFFFFFF  }
0xa8: {  	s28 =	simm.s32 $_size_execute0_lowered;
	s4 =	sadd.s32 s4, s6;
	[dreg:$0x0] =	wrdreg $0x0  }
0xa9: {  	s6 =	sshll.u32 s28, $0x1;
	[dreg:$0x2] =	wrdreg s4  }
0xaa: {  	[dreg:$0x3] =	wrdreg s6  }
0xab: {  	[dreg:$0x4] =	wrdreg $0xC0  }
0xac: {  	_ =	task [dreg:s8], $0x5FFFF  }
0xad: {  	[dreg:$0x1] =	wrdreg $0xFFFFFFFF  }
0xae: {  	[dreg:$0x0] =	wrdreg $0x60  }
0xaf: {  	[dreg:$0x2] =	wrdreg s2  }
0xb0: {  	[dreg:$0x3] =	wrdreg s18  }
0xb1: {  	[dreg:$0x4] =	wrdreg s24  }
0xb2: {  	[dreg:$0x5] =	wrdreg $0x9  }
0xb3: {  	_ =	task.clear_ibuf [dreg:s8], $0x6FFFF;
	_ =	strace $0x90000046  }
0xb4: {  	s29 =	simm.s32 $0x9;
	_ =	strace $0x80000051  }
0xb5: {  	_ =	swait.ge [sflag:s29], $0x1  }
0xb6: {  	[sflag:s29] =	ssyncadd.s32 $0xFFFFFFFF  }
0xb7: {  	_ =	strace $0x90000051  }
0xb8: {  	_ =	sfence  }
0xb9: {  	s30 =	sld [smem:$0x0];
	_ =	sdelay $0x2  }
0xba: {  	s31 =	sshll.u32 s1, $0xD;
	s1 =	sshrl.u32 s1, $0x2  }
0xbb: {  	s3 =	sand.u32 $0x4000, s31;
	s1 =	sadd.s32 s1, s30  }
0xbc: {  	s0 =	sor.u32 s3, s0;
	s1 =	sshll.u32 s1, $0x11  }
0xbd: {  	s0 =	sor.u32 s1, s0  }
0xbe: {  	s0 =	sadd.s32 $0x8F2B, s0  }
0xbf: {  	[sflag:s0] =	ssyncadd.remote.s32 $0x1  }
0xc0: {  	_ =	sfence.sel $0xFFFF  }
0xc1: {  	[dreg:$0x0] =	wrdreg $0xFFFFFFFF;
	(pc) =	sbr.abs _section_cstart, $3  }
0xc2: {  	[dreg:$0x1] =	wrdreg $0xFFFFFFFF  }
0xc3: {  	_ =	task.clear_ibuf [dreg:s8], $0x2FFFF;
	_ =	strace $0x9FFFFFFF  }
0xc4: {  	(tm) =	ssettm $0x7FFFFFFF  }
0xc5: {  	_ =	shalt  }
tec
execute0_lowered:
.L_overlay_start_1:
0x0: {  	(tag) =	ssettag $0x1  }
0x1: {  	s0 =	srdreg.scid  }
0x2: {  	s6 =	stileid.u32;
	s23 =	sand.u32 $0x1, s0  }
0x3: {  	s14 =	smul.u32 $0x500, s6;
	s15 =	sadd.s32 $0x1, s6;
	s16 =	sadd.s32 $0x2, s6  }
0x4: {  	s22 =	sadd.s32 $0x3, s6;
	s10 =	sadd.s32 $0x4, s6;
	s11 =	sadd.s32 $0x5, s6  }
0x5: {  	s12 =	sadd.s32 $0x6, s6;
	s31 =	sxor.u32 $0x8, s6;
	s7 =	sadd.s32 $0xC, s6  }
0x6: {  	s2 =	sshll.u32 s23, $0x7;
	s3 =	ssub.s32 $0x2, s23;
	s1 =	sand.u32 $0xF, s15  }
0x7: {  	s17 =	sand.u32 $0xF, s16;
	s19 =	sshll.u32 s23, $0x4;
	[smem:$0x7ED] =	sst s31  }
0x8: {  	s24 =	sand.u32 $0xF, s22;
	s26 =	sand.u32 $0xF, s10;
	[smem:$0x7DF] =	sst s1  }
0x9: {  	s28 =	sand.u32 $0xF, s11;
	s9 =	smul.u32 $0x500, s1;
	[smem:$0x7E0] =	sst s17  }
0xa: {  	s29 =	sand.u32 $0xF, s12;
	s20 =	smul.u32 $0x500, s17;
	[smem:$0x7E3] =	sst s24  }
0xb: {  	s0 =	sor.u32 s2, s14;
	s13 =	smul.u32 $0x500, s24;
	[smem:$0x7E5] =	sst s26  }
0xc: {  	s4 =	sshrl.u32 s3, $0x1;
	s16 =	smul.u32 $0x500, s26;
	[smem:$0x7E6] =	sst s28  }
0xd: {  	s25 =	sor.u32 s6, s19;
	s17 =	smul.u32 $0x500, s28;
	[smem:$0x7E9] =	sst s29  }
0xe: {  	s14 =	sadd.s32 $0x7, s6;
	s1 =	sadd.s32 $0x9, s6;
	[smem:$0x7D1] =	sst s0  }
0xf: {  	s18 =	ssub.s32 s3, s4;
	s30 =	sand.u32 $0xF, s14;
	s14 =	sand.u32 $0xF, s1  }
0x10: {  	s4 =	sadd.s32 $0xB, s6;
	s5 =	sshrl.u32 s25, $0x3;
	s1 =	sadd.s32 $0xE, s6  }
0x11: {  	[smem:$0x7F9] =	sst s18;
	s21 =	sor.u32 s2, s9;
	s18 =	smul.u32 $0x500, s29  }
0x12: {  	s15 =	sor.u32 s2, s20;
	s22 =	sor.u32 s2, s13;
	s19 =	smul.u32 $0x500, s30  }
0x13: {  	[smem:$0x7EA] =	sst s30;
	s20 =	smul.u32 $0x500, s31;
	s12 =	sor.u32 s2, s16  }
0x14: {  	s24 =	smul.u32 $0x500, s14;
	s11 =	sor.u32 s2, s17;
	s17 =	sand.u32 $0xF, s4  }
0x15: {  	s31 =	smul.u32 $0x14000, s5;
	s9 =	sadd.s32 $0xD, s6;
	s5 =	sadd.s32 $0xFFFFFFFF, s6  }
0x16: {  	[smem:$0x7D2] =	sst s21;
	s21 =	sadd.s32 $0xA, s6;
	s8 =	smul.u32 $0x500, s17  }
0x17: {  	s13 =	sand.u32 $0xF, s5;
	s5 =	simm.s32 $0x0;
	s15 =	sshrl.u32 s15, $0x3  }
0x18: {  	s16 =	sand.u32 $0xF, s21;
	s26 =	sor.u32 s2, s18;
	s28 =	sor.u32 s2, s19  }
0x19: {  	s29 =	sor.u32 s2, s20;
	s18 =	sand.u32 $0xF, s7;
	s3 =	smul.u32 $0x500, s16  }
0x1a: {  	s24 =	sor.u32 s2, s24;
	s19 =	sand.u32 $0xF, s9;
	s10 =	smul.u32 $0x500, s18  }
0x1b: {  	s20 =	sand.u32 $0xF, s1;
	[smem:$0x7FF] =	sst s5;
	s4 =	smul.u32 $0x500, s19  }
0x1c: {  	s1 =	sshll.u32 s6, $0x7;
	s5 =	sld [smem:$0x7D1];
	s7 =	smul.u32 $0x500, s20  }
0x1d: {  	s21 =	sor.u32 s2, s8;
	s0 =	sand.u32 $0x380, s1;
	s1 =	smul.u32 $0x28000, s23  }
0x1e: {  	s30 =	sor.u32 s2, s3;
	s9 =	sor.u32 s2, s4;
	s4 =	simm.s32 $0x0  }
0x1f: {  	s8 =	sor.u32 s2, s10;
	s10 =	smul.u32 $0x500, s13;
	[dreg:$0xa] =	wrdreg s4  }
0x20: {  	s7 =	sor.u32 s2, s7;
	s3 =	smul.u32 $0x1400, s6;
	s4 =	rddreg [dreg:$0x2]  }
0x21: {  	s2 =	sor.u32 s2, s10;
	s10 =	sor.u32 s0, s31;
	s31 =	sld [smem:$0x7D2]  }
0x22: {  	s22 =	sshrl.u32 s22, $0x3;
	s1 =	sadd.s32 s3, s1;
	s0 =	sadd.s32 $0x800, s4  }
0x23: {  	s3 =	sshrl.u32 s5, $0x3;
	s15 =	sadd.s32 s0, s15;
	s2 =	sshrl.u32 s2, $0x3  }
0x24: {  	[dreg:$0xc] =	wrdreg s15;
	s2 =	sadd.s32 s0, s2;
	s5 =	sshrl.u32 s31, $0x3  }
0x25: {  	[dreg:$0x19] =	wrdreg s2;
	s31 =	sadd.s32 s0, s5;
	s5 =	sshrl.u32 s12, $0x3  }
0x26: {  	s12 =	sshrl.u32 s11, $0x3;
	[dreg:$0xb] =	wrdreg s31;
	s31 =	sadd.s32 s0, s22  }
0x27: {  	p0 =	seq.s32 s25, $0x1F;
	s11 =	sadd.s32 s0, s12;
	[dreg:$0xd] =	wrdreg s31  }
0x28: {  	s12 =	sshrl.u32 s26, $0x3;
	s31 =	sadd.s32 s0, s5;
	[dreg:$0xf] =	wrdreg s11  }
0x29: {  	s26 =	sshrl.u32 s28, $0x3;
	s22 =	sadd.s32 s0, s12;
	[dreg:$0xe] =	wrdreg s31  }
0x2a: {  	s28 =	sshrl.u32 s29, $0x3;
	s29 =	sadd.s32 s0, s26;
	[dreg:$0x10] =	wrdreg s22  }
0x2b: {  	s5 =	sshrl.u32 s24, $0x3;
	s12 =	sshrl.u32 s30, $0x3;
	[dreg:$0x11] =	wrdreg s29  }
0x2c: {  	s31 =	sadd.s32 s0, s28;
	s15 =	sadd.s32 s0, s12;
	s12 =	sld [smem:$0x7DF]  }
0x2d: {  	s21 =	sshrl.u32 s21, $0x3;
	s11 =	sadd.s32 s0, s5;
	[dreg:$0x12] =	wrdreg s31  }
0x2e: {  	s7 =	sshrl.u32 s7, $0x3;
	s2 =	sadd.s32 s3, s4;
	[dreg:$0x13] =	wrdreg s11  }
0x2f: {  	s24 =	sshrl.u32 s8, $0x3;
	s22 =	sadd.s32 s0, s21;
	[dreg:$0x14] =	wrdreg s15  }
0x30: {  	s30 =	sshrl.u32 s1, $0x3;
	s5 =	sadd.s32 s0, s24;
	[dreg:$0x15] =	wrdreg s22  }
0x31: {  	s1 =	sadd.s32 $0x1210, s4;
	s28 =	sadd.s32 s0, s7;
	[dreg:$0x16] =	wrdreg s5  }
0x32: {  	s8 =	sadd.s32 $0x1230, s4;
	s21 =	sadd.s32 s30, s1;
	[dreg:$0x18] =	wrdreg s28  }
0x33: {  	s26 =	sshrl.u32 s9, $0x3;
	s24 =	sadd.s32 s30, s8;
	[dreg:$0x1d] =	wrdreg s21  }
0x34: {  	s29 =	sshrl.u32 s10, $0x3;
	s7 =	sadd.s32 $0x1220, s4;
	[dreg:$0x1f] =	wrdreg s24  }
0x35: {  	s10 =	sadd.s32 $0x1250, s4;
	s5 =	sadd.s32 s0, s26;
	s21 =	sld [smem:$0x7E0]  }
0x36: {  	s11 =	sadd.s32 s0, s3;
	s22 =	sadd.s32 s30, s7;
	[dreg:$0x17] =	wrdreg s5  }
0x37: {  	s3 =	sadd.s32 $0x1200, s4;
	s26 =	sadd.s32 s30, s10;
	[dreg:$0x1e] =	wrdreg s22  }
0x38: {  	s9 =	sadd.s32 $0x1240, s4;
	s0 =	sadd.s32 s3, s29;
	[smem:$0x7D4] =	sst s26  }
0x39: {  	s15 =	sadd.s32 $0x1260, s4;
	s31 =	sadd.s32 s3, s30;
	[dreg:$0x1b] =	wrdreg s0  }
0x3a: {  	s5 =	smul.u32 $0x9E0, s25;
	s25 =	sadd.s32 s30, s9;
	[dreg:$0x1c] =	wrdreg s31  }
0x3b: {  	s28 =	sadd.s32 s30, s15;
	[smem:$0x7D3] =	sst s25  }
0x3c: {  	s4 =	sadd.s32 $0x1270, s4;
	s29 =	sadd.s32 $0x2800, s30;
	[smem:$0x7D5] =	sst s28  }
0x3d: {  	s0 =	sadd.s32 s30, s4;
	s31 =	sadd.s32 s29, s1;
	s1 =	sadd.s32 s29, s7  }
0x3e: {  	s7 =	sadd.s32 s29, s9;
	s9 =	sadd.s32 s29, s15;
	s15 =	rddreg [dreg:$0x1]  }
0x3f: {  	s30 =	sadd.s32 s3, s29;
	[smem:$0x7D6] =	sst s0  }
0x40: {  	[smem:$0x7D7] =	sst s30  }
0x41: {  	[smem:$0x7D8] =	sst s31  }
0x42: {  	s3 =	sadd.s32 s29, s8;
	[smem:$0x7D9] =	sst s1  }
0x43: {  	[smem:$0x7DA] =	sst s3  }
0x44: {  	s8 =	sadd.s32 s29, s10;
	[smem:$0x7DB] =	sst s7  }
0x45: {  	p1 =	sne.s32 s23, $0x0;
	s23 =	smul.u32 $0xA00, s6;
	[smem:$0x7DC] =	sst s8  }
0x46: {  	s10 =	sadd.s32 s29, s4;
	[smem:$0x7DD] =	sst s9;
	s0 =	smul.u32 $0xA00, s12  }
0x47: {  	[smem:$0x7DE] =	sst s10;
	s3 =	smul.u32 $0xA00, s21  }
0x48: {  	s22 =	sadd.s32 s15, s5;
	s1 =	sadd.s32 $0x13220, s15;
	s7 =	smul.u32 $0xA00, s14  }
0x49: {  	s9 =	smul.u32 $0xA00, s16;
	_ =	strace $0x80000047;
	[smem:$0x7E1] =	sst s22  }
0x4a: {  	s12 =	smul.u32 $0xA00, s17;
	[smem:$0x7E2] =	sst s1  }
0x4b: {  	s15 =	smul.u32 $0xA00, s18;
	[dreg:$0x1a] =	wrdreg s11  }
0x4c: {  	s17 =	smul.u32 $0xA00, s19;
	s24 =	sld [smem:$0x7E3]  }
0x4d: {  	s19 =	smul.u32 $0xA00, s20;
	s25 =	sld [smem:$0x7E5]  }
0x4e: {  	s4 =	sshrl.u32 s23, $0x2;
	s21 =	smul.u32 $0xA00, s13;
	s26 =	sld [smem:$0x7E6]  }
0x4f: {  	s13 =	simm.s32 $0x80;
	s0 =	sshrl.u32 s0, $0x2;
	s28 =	sld [smem:$0x7E9]  }
0x50: {  	s3 =	sshrl.u32 s3, $0x2;
	s30 =	sld [smem:$0x7EA];
	s0 =	sadd.s32 $0x5400, s0  }
0x51: {  	s10 =	sshrl.u32 s7, $0x2;
	s3 =	sadd.s32 $0x5400, s3;
	[smem:$0x7E4] =	sst s0  }
0x52: {  	s16 =	sshrl.u32 s12, $0x2;
	s20 =	sshrl.u32 s17, $0x2;
	[smem:$0x7E7] =	sst s3  }
0x53: {  	s23 =	sshrl.u32 s21, $0x2;
	s14 =	sadd.s32 $0x5400, s10;
	s3 =	sld [smem:$0x7ED]  }
0x54: {  	s12 =	simm.s32 $0x2;
	s18 =	sadd.s32 $0x5400, s16;
	[smem:$0x7F1] =	sst s14  }
0x55: {  	s22 =	sadd.s32 $0x5400, s20;
	[smem:$0x7F3] =	sst s18;
	s1 =	smul.u32 $0xA00, s24  }
0x56: {  	[smem:$0x7F5] =	sst s22;
	s0 =	smul.u32 $0xA00, s25;
	s25 =	sadd.s32 $0x5400, s23  }
0x57: {  	s5 =	smul.u32 $0xA00, s26;
	s26 =	sadd.s32 $0xB200, s2;
	[smem:$0x7F7] =	sst s25  }
0x58: {  	s17 =	simm.s32 $0x7C00;
	[smem:$0x7F8] =	sst s26;
	s1 =	sshrl.u32 s1, $0x2  }
0x59: {  	s29 =	sshrl.u32 s5, $0x2;
	s5 =	smul.u32 $0xA00, s30;
	s30 =	sadd.s32 $0x5400, s4  }
0x5a: {  	s0 =	sshrl.u32 s0, $0x2;
	s1 =	sadd.s32 $0x5400, s1;
	[smem:$0x7FC] =	sst s30  }
0x5b: {  	s10 =	simm.s32 $0x5180;
	s0 =	sadd.s32 $0x5400, s0;
	[smem:$0x7E8] =	sst s1  }
0x5c: {  	s24 =	smul.u32 $0x280, s6;
	s31 =	sadd.s32 $0x5400, s29;
	[smem:$0x7EB] =	sst s0  }
0x5d: {  	s16 =	simm.s32 $0x5400;
	s1 =	smul.u32 $0xA00, s28;
	[smem:$0x7EC] =	sst s31  }
0x5e: {  	s29 =	sor.u32 $0x70, s24;
	s0 =	smul.u32 $0xA00, s3;
	s28 =	sld [smem:$0x7F9]  }
0x5f: {  	s5 =	sshrl.u32 s5, $0x2;
	[smem:$0x7FB] =	sst s29;
	s31 =	sadd.s32 $0x7C40, s4  }
0x60: {  	s8 =	sadd.s32 $0x5400, s5;
	[smem:$0x7FD] =	sst s31;
	s1 =	sshrl.u32 s1, $0x2  }
0x61: {  	[smem:$0x7EF] =	sst s8;
	s0 =	sshrl.u32 s0, $0x2;
	s1 =	sadd.s32 $0x5400, s1  }
0x62: {  	s0 =	sadd.s32 $0x5400, s0;
	[smem:$0x7EE] =	sst s1;
	s1 =	sshrl.u32 s9, $0x2  }
0x63: {  	[smem:$0x7F0] =	sst s0;
	s0 =	sshrl.u32 s15, $0x2;
	s1 =	sadd.s32 $0x5400, s1  }
0x64: {  	v0 =	vlaneseq.u32;
	s0 =	sadd.s32 $0x5400, s0;
	[smem:$0x7F2] =	sst s1;
	s1 =	sshrl.u32 s19, $0x2  }
0x65: {  	v1 =	vmul.u32 $0xFFFFFFFF, v0;
	[smem:$0x7F4] =	sst s0;
	s0 =	simm.s32 $0x1980;
	s1 =	sadd.s32 $0x5400, s1  }
0x66: {  	s0 =	simm.s32 @!p0 $0x2780;
	[smem:$0x7F6] =	sst s1;
	s1 =	smax.u32 s28, $0x1  }
0x67: {  	v3 =	vimm.f32 $0.0e+00;
	v2 =	vor.u32 $0xFFFFD8F0, v0;
	s14 =	simm.s32 $0x100;
	s15 =	simm.s32 $0x3;
	v1 =	vadd.s32 s0, v1;
	[smem:$0x7FA] =	sst s1  }
.LBB2_1:
0x68: {  	_ =	strace $0x80000048  }
0x69: {  	s8 =	sld [smem:$0x7FB]  }
0x6a: {  	s3 =	sld [smem:$0x7E2];
	_ =	sdelay $0x1  }
0x6b: {  	s0 =	simm.s32 @p0 $0x0;
	s1 =	sadd.s32 $0xFFFFFFA0, s8;
	s2 =	sadd.s32 $0xFFFFFFF0, s8  }
0x6c: {  	v4 =	vmov s8;
	v5 =	vor.u32 s8, v0;
	v6 =	vadd.s32 s8, v2;
	[tilespmem:s0], [sflag:$0x3] =	stream.linear.gather @p0 [hbm4b:s3+s0], $0x3300, $0x200038;
	[tilespmem:$0xCC00] =	vst v63  }
0x6d: {  	s30 =	sadd.s32 $0xFFFFFFB0, s8;
	s4 =	sadd.s32 $0xFFFFFF90, s8;
	v7 =	vmov s1;
	v8 =	vor.u32 s1, v0;
	v9 =	vmov s2  }
0x6e: {  	s0 =	simm.s32 @p0 $0x3;
	s5 =	sadd.s32 $0xFFFFFFD0, s8;
	v10 =	vor.u32 s2, v0;
	v11 =	vmov s4;
	v12 =	vmov s30  }
0x6f: {  	s31 =	sadd.s32 $0xFFFFFFC0, s8;
	_ =	swait.ge @p0 [sflag:s0], $0x3300;
	v13 =	vmov s5;
	v60 =	vor.u32 s30, v0;
	v61 =	vadd.s32 s30, v2  }
0x70: {  	s6 =	sadd.s32 $0xFFFFFFE0, s8;
	v14 =	vor.u32 s31, v0;
	v15 =	vadd.s32 s31, v2;
	v16 =	vor.u32 s5, v0;
	s7 =	sld [smem:$0x7E1]  }
0x71: {  	v17 =	vadd.s32 s5, v2;
	v18 =	vor.u32 s6, v0;
	vm15 =	vgt.u32 v4, $0x270F;
	[sflag:s0] =	ssyncset.done @p0 $0x0  }
0x72: {  	vm0 =	vgt.u32 v9, $0x270F;
	v9 =	vadd.s32 s2, v2;
	vm14 =	vgt.u32 v11, $0x270F;
	[sflag:s0] =	ssyncadd.s32 @p0 $0xFFFFCD00;
	s0 =	simm.s32 @!p0 $0x0  }
0x73: {  	vm1 =	vgt.u32 v7, $0x270F;
	v7 =	vmov s6;
	vm2 =	vgt.u32 v12, $0x270F;
	[tilespmem:s0], [sflag:$0x3] =	stream.linear.gather @!p0 [hbm4b:s7+s0], $0x4F00, $0x200038;
	[tilespmem:$0xCC00] =	vst v63  }
0x74: {  	vm4 =	vgt.u32 v13, $0x270F;
	v11 =	vadd.s32 s4, v2;
	v9 =	vsel vm0, v9, v10;
	s0 =	simm.s32 @!p0 $0x3  }
0x75: {  	v10 =	vmov s31;
	vm5 =	vgt.u32 v7, $0x270F;
	v7 =	vadd.s32 s1, v2;
	_ =	swait.ge @!p0 [sflag:s0], $0x4F00  }
0x76: {  	v4 =	vsel vm2, v61, v60;
	v63 =	vsel vm4, v17, v16;
	v9 =	vshll.u32 v9, $0x7;
	[sflag:s0] =	ssyncset.done @!p0 $0x0  }
0x77: {  	vm3 =	vgt.u32 v10, $0x270F;
	v10 =	vor.u32 s4, v0;
	v7 =	vsel vm1, v7, v8;
	[sflag:s0] =	ssyncadd.s32 @!p0 $0xFFFFB100  }
0x78: {  	v10 =	vsel vm14, v11, v10;
	v11 =	vadd.s32 s6, v2;
	v62 =	vsel vm3, v15, v14;
	s0 =	simm.s32 $0x4F40;
	_ =	strace $0x90000048  }
0x79: {  	v8 =	vshll.u32 v10, $0x7;
	v10 =	vsel vm15, v6, v5;
	v5 =	vshll.u32 v7, $0x7;
	_ =	strace $0x80000049;
	[tilespmem:s0+$0x20] =	vst v9  }
0x7a: {  	v7 =	vshll.u32 v62, $0x7;
	v6 =	vshll.u32 v63, $0x7;
	v9 =	vsel vm5, v11, v18;
	[tilespmem:s0+$0xFFFFFFC0] =	vst v8  }
0x7b: {  	s2 =	sadd.s32 $0x80, s8;
	s1 =	simm.s32 $0x0;
	v8 =	vshll.u32 v4, $0x7;
	[tilespmem:s0+$0xFFFFFFD0] =	vst v5;
	v4 =	vshll.u32 v10, $0x7;
	v5 =	vshll.u32 v9, $0x7  }
.LBB2_2:
0x7c: {  	s3 =	sadd.s32 $0xFFFFFFA0, s2;
	s4 =	sadd.s32 $0xFFFFFFF0, s2;
	v9 =	vmov s2;
	v10 =	vor.u32 s2, v0;
	v11 =	vadd.s32 s2, v2;
	s1 =	sadd.s32 $0x8, s1;
	[tilespmem:s0+$0xFFFFFFE0] =	vst v8  }
0x7d: {  	s5 =	sadd.s32 $0xFFFFFFB0, s2;
	s6 =	sadd.s32 $0xFFFFFFC0, s2;
	v8 =	vmov s3;
	v12 =	vor.u32 s3, v0;
	v13 =	vmov s4;
	p2 =	slt.u32 s1, $0x20;
	[tilespmem:s0+$0xFFFFFFF0] =	vst v7  }
0x7e: {  	s7 =	sadd.s32 $0xFFFFFF90, s2;
	s8 =	sadd.s32 $0xFFFFFFD0, s2;
	s9 =	sadd.s32 $0xFFFFFFE0, s2;
	v7 =	vor.u32 s4, v0;
	vm0 =	vgt.u32 v13, $0x270F;
	v13 =	vadd.s32 s4, v2;
	[tilespmem:s0+$0x0] =	vst v6  }
0x7f: {  	v14 =	vmov s5;
	v6 =	vmov s7;
	v7 =	vsel vm0, v13, v7;
	[tilespmem:s0+$0x10] =	vst v5  }
0x80: {  	v5 =	vmov s6;
	v13 =	vmov s8;
	v7 =	vshll.u32 v7, $0x7;
	[tilespmem:s0+$0x30] =	vst v4;
	s0 =	sadd.s32 $0x80, s0  }
0x81: {  	vm1 =	vgt.u32 v8, $0x270F;
	vm0 =	vgt.u32 v6, $0x270F;
	v4 =	vmov s9;
	[tilespmem:s0+$0x20] =	vst v7  }
0x82: {  	vm2 =	vgt.u32 v14, $0x270F;
	vm3 =	vgt.u32 v5, $0x270F;
	vm4 =	vgt.u32 v13, $0x270F  }
0x83: {  	v6 =	vadd.s32 s7, v2;
	v5 =	vor.u32 s7, v0;
	vm5 =	vgt.u32 v4, $0x270F  }
0x84: {  	v8 =	vadd.s32 s5, v2;
	v4 =	vadd.s32 s3, v2;
	v7 =	vor.u32 s5, v0  }
0x85: {  	v15 =	vor.u32 s8, v0;
	v14 =	vadd.s32 s6, v2;
	v13 =	vor.u32 s6, v0  }
0x86: {  	v16 =	vadd.s32 s8, v2;
	v17 =	vor.u32 s9, v0;
	v18 =	vadd.s32 s9, v2  }
.Ltmp0:
0x87: {  	v5 =	vsel vm0, v6, v5;
	vm0 =	vgt.u32 v9, $0x270F;
	v4 =	vsel vm1, v4, v12;
	(pc) =	sbr.rel @p2 .LBB2_2-.Ltmp0, $4  }
0x88: {  	v9 =	vsel vm4, v16, v15;
	v6 =	vsel vm2, v8, v7;
	v7 =	vsel vm3, v14, v13  }
0x89: {  	v5 =	vshll.u32 v5, $0x7;
	v12 =	vsel vm5, v18, v17;
	v10 =	vsel vm0, v11, v10  }
0x8a: {  	v4 =	vshll.u32 v4, $0x7;
	v8 =	vshll.u32 v6, $0x7;
	v7 =	vshll.u32 v7, $0x7;
	[tilespmem:s0+$0xFFFFFFC0] =	vst v5  }
0x8b: {  	s2 =	sadd.s32 $0x80, s2;
	v6 =	vshll.u32 v9, $0x7;
	v5 =	vshll.u32 v12, $0x7;
	[tilespmem:s0+$0xFFFFFFD0] =	vst v4;
	v4 =	vshll.u32 v10, $0x7  }
0x8c: {  	[tilespmem:s0+$0xFFFFFFE0] =	vst v8  }
0x8d: {  	[tilespmem:s0+$0xFFFFFFF0] =	vst v7  }
0x8e: {  	[tilespmem:s0+$0x0] =	vst v6  }
0x8f: {  	[tilespmem:s0+$0x10] =	vst v5  }
0x90: {  	[tilespmem:s0+$0x30] =	vst v4;
	s31 =	rddreg [dreg:$0x0];
	s1 =	simm.s32 $0x280;
	s2 =	simm.s32 $0x4F00  }
0x91: {  	[tilespmem:s10], [sflag:$0x2] =	stream.indirect.gather [hbm4b:s31+s1], $0x1, s2, s1, $0x2000b8;
	[tilespmem:$0xCC00] =	vst v63  }
0x92: {  	_ =	swait.ge [sflag:s12], $0x280  }
0x93: {  	[sflag:s12] =	ssyncset.done $0x0  }
0x94: {  	[sflag:s12] =	ssyncadd.s32 $0xFFFFFD80  }
0x95: {  	[hbm4b:s11+s13] =	stream.strided.scatter [tilespmem:s10], [sflag:$0x3], $0x280, s14, s13, $0x200038;
	[tilespmem:$0xCC00] =	vst v63  }
0x96: {  	_ =	swait.ge [sflag:s15], $0x280  }
0x97: {  	[sflag:s15] =	ssyncset.done $0x0  }
0x98: {  	[sflag:s15] =	ssyncadd.s32 $0xFFFFFD80  }
0x99: {  	s0 =	simm.s32 $0x7C40;
	_ =	strace $0x90000049  }
0x9a: {  	_ =	strace $0x8000004A;
	[tilespmem:s0+$0xFFFFFFC0] =	vst v3  }
0x9b: {  	[tilespmem:s0+$0x30] =	vst v3  }
0x9c: {  	[tilespmem:s0+$0x20] =	vst v3  }
0x9d: {  	[tilespmem:s0+$0x10] =	vst v3  }
0x9e: {  	[tilespmem:s0+$0x0] =	vst v3  }
0x9f: {  	[tilespmem:s0+$0xFFFFFFF0] =	vst v3  }
0xa0: {  	s1 =	simm.s32 $0x0;
	[tilespmem:s0+$0xFFFFFFE0] =	vst v3  }
.LBB2_4:
0xa1: {  	s1 =	sadd.s32 $0x8, s1;
	[tilespmem:s0+$0xFFFFFFD0] =	vst v3;
	s0 =	sadd.s32 $0x80, s0  }
0xa2: {  	[tilespmem:s0+$0xFFFFFFC0] =	vst v3;
	p2 =	slt.u32 s1, $0x278  }
0xa3: {  	[tilespmem:s0+$0x30] =	vst v3  }
.Ltmp1:
0xa4: {  	[tilespmem:s0+$0x20] =	vst v3;
	(pc) =	sbr.rel @p2 .LBB2_4-.Ltmp1, $4  }
0xa5: {  	[tilespmem:s0+$0x10] =	vst v3  }
0xa6: {  	[tilespmem:s0+$0x0] =	vst v3  }
0xa7: {  	[tilespmem:s0+$0xFFFFFFF0] =	vst v3  }
0xa8: {  	[tilespmem:s0+$0xFFFFFFE0] =	vst v3  }
.Ltmp2:
0xa9: {  	(pc) =	sbr.rel @p1 .LBB2_9-.Ltmp2, $2  }
0xaa: {  	_ =	sdelay $0x2  }
0xab: {  	[tilespmem:s0+$0xFFFFFFD0] =	vst v3  }
0xac: {  	s0 =	simm.s32 $0x51C0  }
0xad: {  	v7 =	vld [tilespmem:s0+$0x30]  }
0xae: {  	v8 =	vld [tilespmem:s0+$0xFFFFFFD0]  }
0xaf: {  	s3 =	sld [smem:$0x7FD];
	v9 =	vld [tilespmem:s0+$0xFFFFFFE0]  }
0xb0: {  	v5 =	vld [tilespmem:s0+$0xFFFFFFF0]  }
0xb1: {  	v4 =	vld [tilespmem:s0+$0x0]  }
0xb2: {  	v6 =	vld [tilespmem:s0+$0x10];
	[tilespmem:s3+$0x30] =	vst v7  }
0xb3: {  	[tilespmem:s3+$0xFFFFFFD0] =	vst v8;
	v7 =	vld [tilespmem:s0+$0x20]  }
0xb4: {  	s1 =	simm.s32 $0x0;
	s2 =	simm.s32 $0x5240;
	v8 =	vld [tilespmem:s0+$0xFFFFFFC0];
	[tilespmem:s3+$0xFFFFFFE0] =	vst v9;
	s0 =	smov.u32 s3  }
.LBB2_7:
0xb5: {  	v9 =	vld [tilespmem:s2+$0x30];
	s1 =	sadd.s32 $0x8, s1;
	[tilespmem:s0+$0xFFFFFFF0] =	vst v5  }
0xb6: {  	v10 =	vld [tilespmem:s2+$0xFFFFFFD0];
	p2 =	slt.u32 s1, $0x20;
	[tilespmem:s0+$0x0] =	vst v4  }
0xb7: {  	v11 =	vld [tilespmem:s2+$0xFFFFFFE0];
	[tilespmem:s0+$0x10] =	vst v6  }
.Ltmp3:
0xb8: {  	v5 =	vld [tilespmem:s2+$0xFFFFFFF0];
	[tilespmem:s0+$0x20] =	vst v7;
	(pc) =	sbr.rel @p2 .LBB2_7-.Ltmp3, $4  }
0xb9: {  	v4 =	vld [tilespmem:s2+$0x0];
	[tilespmem:s0+$0xFFFFFFC0] =	vst v8;
	s0 =	sadd.s32 $0x80, s0  }
0xba: {  	v6 =	vld [tilespmem:s2+$0x10];
	[tilespmem:s0+$0x30] =	vst v9  }
0xbb: {  	[tilespmem:s0+$0xFFFFFFD0] =	vst v10;
	v7 =	vld [tilespmem:s2+$0x20]  }
0xbc: {  	v8 =	vld [tilespmem:s2+$0xFFFFFFC0];
	[tilespmem:s0+$0xFFFFFFE0] =	vst v11;
	s2 =	sadd.s32 $0x80, s2  }
0xbd: {  	[tilespmem:s0+$0xFFFFFFF0] =	vst v5  }
0xbe: {  	[tilespmem:s0+$0x0] =	vst v4  }
0xbf: {  	[tilespmem:s0+$0x10] =	vst v6  }
0xc0: {  	[tilespmem:s0+$0x20] =	vst v7  }
0xc1: {  	[tilespmem:s0+$0xFFFFFFC0] =	vst v8  }
.LBB2_9:
0xc2: {  	_ =	strace $0x9000004A  }
0xc3: {  	_ =	strace $0x8000004B  }
0xc4: {  	[bflag:$0x0] =	sbarrier.arrive $0xFFFF  }
0xc5: {  	_ =	strace $0x9000004B  }
0xc6: {  	_ =	strace $0x8000004C  }
0xc7: {  	s1 =	sld [smem:$0x7FC]  }
0xc8: {  	s18 =	rddreg [dreg:$0xb]  }
0xc9: {  	s2 =	sld [smem:$0x7E4]  }
0xca: {  	s19 =	rddreg [dreg:$0xc]  }
0xcb: {  	s20 =	sld [smem:$0x7E7]  }
0xcc: {  	s21 =	rddreg [dreg:$0xd]  }
0xcd: {  	s22 =	sld [smem:$0x7E8]  }
0xce: {  	s23 =	rddreg [dreg:$0xe]  }
0xcf: {  	s24 =	sld [smem:$0x7EB]  }
0xd0: {  	s25 =	rddreg [dreg:$0xf]  }
0xd1: {  	s26 =	sld [smem:$0x7EC]  }
0xd2: {  	s28 =	rddreg [dreg:$0x10]  }
0xd3: {  	s29 =	sld [smem:$0x7EE]  }
0xd4: {  	s30 =	rddreg [dreg:$0x11]  }
0xd5: {  	s31 =	sld [smem:$0x7EF]  }
0xd6: {  	s0 =	simm.s32 $0x80;
	s3 =	sld [smem:$0x7F0]  }
0xd7: {  	[tilespmem:s1], [sflag:$0x2] =	stream.strided.gather [hbm4b:s11+s0], $0x280, s14, s0, $0x200038;
	[tilespmem:$0xCC00] =	vst v63  }
0xd8: {  	s4 =	rddreg [dreg:$0x13]  }
0xd9: {  	[tilespmem:s2], [sflag:$0x2] =	stream.strided.gather [hbm4b:s18+s0], $0x280, s14, s0, $0x200038;
	[tilespmem:$0xCC00] =	vst v63  }
0xda: {  	s5 =	sld [smem:$0x7F1]  }
0xdb: {  	[tilespmem:s20], [sflag:$0x2] =	stream.strided.gather [hbm4b:s19+s0], $0x280, s14, s0, $0x200038;
	[tilespmem:$0xCC00] =	vst v63  }
0xdc: {  	s6 =	rddreg [dreg:$0x14]  }
0xdd: {  	[tilespmem:s22], [sflag:$0x2] =	stream.strided.gather [hbm4b:s21+s0], $0x280, s14, s0, $0x200038;
	[tilespmem:$0xCC00] =	vst v63  }
0xde: {  	s7 =	sld [smem:$0x7F2]  }
0xdf: {  	[tilespmem:s24], [sflag:$0x2] =	stream.strided.gather [hbm4b:s23+s0], $0x280, s14, s0, $0x200038;
	[tilespmem:$0xCC00] =	vst v63  }
0xe0: {  	s8 =	rddreg [dreg:$0x15]  }
0xe1: {  	[tilespmem:s26], [sflag:$0x2] =	stream.strided.gather [hbm4b:s25+s0], $0x280, s14, s0, $0x200038;
	[tilespmem:$0xCC00] =	vst v63  }
0xe2: {  	s9 =	sld [smem:$0x7F3]  }
0xe3: {  	[tilespmem:s29], [sflag:$0x2] =	stream.strided.gather [hbm4b:s28+s0], $0x280, s14, s0, $0x200038;
	[tilespmem:$0xCC00] =	vst v63  }
0xe4: {  	s10 =	rddreg [dreg:$0x16]  }
0xe5: {  	[tilespmem:s31], [sflag:$0x2] =	stream.strided.gather [hbm4b:s30+s0], $0x280, s14, s0, $0x200038;
	[tilespmem:$0xCC00] =	vst v63  }
0xe6: {  	s2 =	rddreg [dreg:$0x12]  }
0xe7: {  	[tilespmem:s3], [sflag:$0x2] =	stream.strided.gather [hbm4b:s2+s0], $0x280, s14, s0, $0x200038;
	[tilespmem:$0xCC00] =	vst v63  }
0xe8: {  	s11 =	sld [smem:$0x7F4]  }
0xe9: {  	[tilespmem:s5], [sflag:$0x2] =	stream.strided.gather [hbm4b:s4+s0], $0x280, s14, s0, $0x200038;
	[tilespmem:$0xCC00] =	vst v63  }
0xea: {  	s18 =	rddreg [dreg:$0x17]  }
0xeb: {  	[tilespmem:s7], [sflag:$0x2] =	stream.strided.gather [hbm4b:s6+s0], $0x280, s14, s0, $0x200038;
	[tilespmem:$0xCC00] =	vst v63  }
0xec: {  	s19 =	sld [smem:$0x7F5]  }
0xed: {  	[tilespmem:s9], [sflag:$0x2] =	stream.strided.gather [hbm4b:s8+s0], $0x280, s14, s0, $0x200038;
	[tilespmem:$0xCC00] =	vst v63  }
0xee: {  	s20 =	rddreg [dreg:$0x18]  }
0xef: {  	[tilespmem:s11], [sflag:$0x2] =	stream.strided.gather [hbm4b:s10+s0], $0x280, s14, s0, $0x200038;
	[tilespmem:$0xCC00] =	vst v63  }
0xf0: {  	s21 =	sld [smem:$0x7F6]  }
0xf1: {  	[tilespmem:s19], [sflag:$0x2] =	stream.strided.gather [hbm4b:s18+s0], $0x280, s14, s0, $0x200038;
	[tilespmem:$0xCC00] =	vst v63  }
0xf2: {  	s23 =	sld [smem:$0x7F7]  }
0xf3: {  	[tilespmem:s21], [sflag:$0x2] =	stream.strided.gather [hbm4b:s20+s0], $0x280, s14, s0, $0x200038;
	[tilespmem:$0xCC00] =	vst v63  }
0xf4: {  	s22 =	rddreg [dreg:$0x19]  }
0xf5: {  	[tilespmem:s23], [sflag:$0x2] =	stream.strided.gather [hbm4b:s22+s0], $0x280, s14, s0, $0x200038;
	[tilespmem:$0xCC00] =	vst v63  }
0xf6: {  	_ =	swait.ge [sflag:s12], $0x280  }
0xf7: {  	[sflag:s12] =	ssyncset.done $0x0  }
0xf8: {  	[sflag:s12] =	ssyncadd.s32 $0xFFFFFD80  }
0xf9: {  	_ =	swait.ge [sflag:s12], $0x280  }
0xfa: {  	[sflag:s12] =	ssyncset.done $0x0  }
0xfb: {  	[sflag:s12] =	ssyncadd.s32 $0xFFFFFD80  }
0xfc: {  	_ =	swait.ge [sflag:s12], $0x280  }
0xfd: {  	[sflag:s12] =	ssyncset.done $0x0  }
0xfe: {  	[sflag:s12] =	ssyncadd.s32 $0xFFFFFD80  }
0xff: {  	_ =	swait.ge [sflag:s12], $0x280  }
0x100: {  	[sflag:s12] =	ssyncset.done $0x0  }
0x101: {  	[sflag:s12] =	ssyncadd.s32 $0xFFFFFD80  }
0x102: {  	_ =	swait.ge [sflag:s12], $0x280  }
0x103: {  	[sflag:s12] =	ssyncset.done $0x0  }
0x104: {  	[sflag:s12] =	ssyncadd.s32 $0xFFFFFD80  }
0x105: {  	_ =	swait.ge [sflag:s12], $0x280  }
0x106: {  	[sflag:s12] =	ssyncset.done $0x0  }
0x107: {  	[sflag:s12] =	ssyncadd.s32 $0xFFFFFD80  }
0x108: {  	_ =	swait.ge [sflag:s12], $0x280  }
0x109: {  	[sflag:s12] =	ssyncset.done $0x0  }
0x10a: {  	[sflag:s12] =	ssyncadd.s32 $0xFFFFFD80  }
0x10b: {  	_ =	swait.ge [sflag:s12], $0x280  }
0x10c: {  	[sflag:s12] =	ssyncset.done $0x0  }
0x10d: {  	[sflag:s12] =	ssyncadd.s32 $0xFFFFFD80  }
0x10e: {  	_ =	swait.ge [sflag:s12], $0x280  }
0x10f: {  	[sflag:s12] =	ssyncset.done $0x0  }
0x110: {  	[sflag:s12] =	ssyncadd.s32 $0xFFFFFD80  }
0x111: {  	_ =	swait.ge [sflag:s12], $0x280  }
0x112: {  	[sflag:s12] =	ssyncset.done $0x0  }
0x113: {  	[sflag:s12] =	ssyncadd.s32 $0xFFFFFD80  }
0x114: {  	_ =	swait.ge [sflag:s12], $0x280  }
0x115: {  	[sflag:s12] =	ssyncset.done $0x0  }
0x116: {  	[sflag:s12] =	ssyncadd.s32 $0xFFFFFD80  }
0x117: {  	_ =	swait.ge [sflag:s12], $0x280  }
0x118: {  	[sflag:s12] =	ssyncset.done $0x0  }
0x119: {  	[sflag:s12] =	ssyncadd.s32 $0xFFFFFD80  }
0x11a: {  	_ =	swait.ge [sflag:s12], $0x280  }
0x11b: {  	[sflag:s12] =	ssyncset.done $0x0  }
0x11c: {  	[sflag:s12] =	ssyncadd.s32 $0xFFFFFD80  }
0x11d: {  	_ =	swait.ge [sflag:s12], $0x280  }
0x11e: {  	[sflag:s12] =	ssyncset.done $0x0  }
0x11f: {  	[sflag:s12] =	ssyncadd.s32 $0xFFFFFD80  }
0x120: {  	_ =	swait.ge [sflag:s12], $0x280  }
0x121: {  	[sflag:s12] =	ssyncset.done $0x0  }
0x122: {  	[sflag:s12] =	ssyncadd.s32 $0xFFFFFD80  }
0x123: {  	_ =	swait.ge [sflag:s12], $0x280  }
0x124: {  	[sflag:s12] =	ssyncset.done $0x0  }
0x125: {  	[sflag:s12] =	ssyncadd.s32 $0xFFFFFD80  }
0x126: {  	_ =	strace $0x9000004C  }
0x127: {  	_ =	strace $0x8000004D  }
0x128: {  	v4 =	vld [tilespmem:s0+$0xFFFFFFF0]  }
0x129: {  	s5 =	simm.s32 $0x70;
	v5 =	vld [tilespmem:s0+$0xFFFFFF80]  }
0x12a: {  	s24 =	simm.s32 $0x10;
	v6 =	vmov s5;
	v7 =	vld [tilespmem:s0+$0xFFFFFF90]  }
0x12b: {  	vm2 =	vlt.u32 v6, v1;
	v6 =	vmov s24;
	v8 =	vld [tilespmem:s0+$0xFFFFFFA0]  }
0x12c: {  	vm0 =	vlt.u32 v6, v1;
	v6 =	vld [tilespmem:s0+$0xFFFFFFB0]  }
0x12d: {  	v57 =	vld [tilespmem:s0+$0xFFFFFFC0]  }
0x12e: {  	v58 =	vld [tilespmem:s0+$0x70]  }
0x12f: {  	v59 =	vld [tilespmem:s0+$0xFFFFFFD0]  }
0x130: {  	v60 =	vld [tilespmem:s0+$0xFFFFFFE0]  }
0x131: {  	s25 =	simm.s32 $0x0;
	v63 =	vld [tilespmem:s0+$0x0]  }
0x132: {  	s26 =	simm.s32 $0x20;
	v9 =	vmov s25;
	v14 =	vld [tilespmem:s0+$0x10]  }
0x133: {  	v10 =	vmov s26;
	s28 =	simm.s32 $0x30;
	vm1 =	vlt.u32 v9, v1;
	v15 =	vld [tilespmem:s0+$0x20]  }
0x134: {  	vm3 =	vlt.u32 v10, v1;
	s29 =	simm.s32 $0x40;
	v11 =	vmov s28;
	v16 =	vld [tilespmem:s0+$0x30]  }
0x135: {  	v12 =	vmov s29;
	vm4 =	vlt.u32 v11, v1;
	s30 =	simm.s32 $0x50;
	v17 =	vld [tilespmem:s0+$0x40]  }
0x136: {  	vm5 =	vlt.u32 v12, v1;
	v13 =	vmov s30;
	v18 =	vld [tilespmem:s0+$0x50]  }
0x137: {  	vm6 =	vlt.u32 v13, v1;
	v4 =	vld.idx.msk [tilespmem:v4+s16+$0x0], vm2  }
0x138: {  	v7 =	vld.idx.msk [tilespmem:v7+s16+$0x0], vm0  }
0x139: {  	v61 =	vld.idx.msk [tilespmem:v5+s16+$0x0], vm1  }
0x13a: {  	v8 =	vld.idx.msk [tilespmem:v8+s16+$0x0], vm3  }
0x13b: {  	v6 =	vld.idx.msk [tilespmem:v6+s16+$0x0], vm4  }
0x13c: {  	v9 =	vld.idx.msk [tilespmem:v57+s16+$0x0], vm5  }
0x13d: {  	v62 =	vld.idx.msk [tilespmem:v59+s16+$0x0], vm6  }
0x13e: {  	s31 =	simm.s32 $0x60;
	v5 =	vld [tilespmem:s0+$0x60]  }
0x13f: {  	[tilespmem:v58+s17+$0x0] =	vst.idx.add.f32.msk vm2, v4;
	v4 =	vmov s31  }
0x140: {  	[tilespmem:v63+s17+$0x0] =	vst.idx.add.f32.msk vm1, v61;
	vm2 =	vlt.u32 v4, v1  }
0x141: {  	[tilespmem:v14+s17+$0x0] =	vst.idx.add.f32.msk vm0, v7  }
0x142: {  	[tilespmem:v15+s17+$0x0] =	vst.idx.add.f32.msk vm3, v8  }
0x143: {  	[tilespmem:v16+s17+$0x0] =	vst.idx.add.f32.msk vm4, v6  }
0x144: {  	[tilespmem:v17+s17+$0x0] =	vst.idx.add.f32.msk vm5, v9  }
0x145: {  	[tilespmem:v18+s17+$0x0] =	vst.idx.add.f32.msk vm6, v62  }
0x146: {  	s1 =	simm.s32 $0x180;
	s0 =	simm.s32 $0x0;
	vm0 =	vmmov vm2;
	v4 =	vld.idx.msk [tilespmem:v60+s16+$0x0], vm2  }
.LBB2_10:
0x147: {  	v6 =	vld [tilespmem:s1+$0xFFFFFFF0];
	s0 =	sadd.s32 $0x8, s0;
	s5 =	sadd.s32 $0x80, s5  }
0x148: {  	v7 =	vld [tilespmem:s1+$0xFFFFFF80];
	s2 =	sadd.s32 $0xFFFFFFA0, s5;
	s3 =	sadd.s32 $0xFFFFFFB0, s5;
	v8 =	vmov s5;
	p2 =	slt.u32 s0, $0x270  }
0x149: {  	s4 =	sadd.s32 $0xFFFFFFE0, s5;
	v9 =	vmov s2;
	v10 =	vld [tilespmem:s1+$0xFFFFFF90];
	v11 =	vmov s3;
	s2 =	sadd.s32 $0xFFFFFFC0, s5;
	s3 =	sadd.s32 $0xFFFFFFD0, s5;
	vm8 =	vlt.u32 v8, v1  }
0x14a: {  	s6 =	sadd.s32 $0xFFFFFF90, s5;
	v14 =	vmov s4;
	v8 =	vld [tilespmem:s1+$0xFFFFFFA0];
	v12 =	vmov s2;
	v13 =	vmov s3;
	s2 =	sadd.s32 $0xFFFFFFF0, s5  }
0x14b: {  	v15 =	vmov s6;
	vm1 =	vlt.u32 v9, v1;
	v9 =	vld [tilespmem:s1+$0xFFFFFFB0];
	v16 =	vmov s2  }
0x14c: {  	vm6 =	vlt.u32 v15, v1;
	vm5 =	vlt.u32 v11, v1;
	vm3 =	vlt.u32 v12, v1;
	v11 =	vld [tilespmem:s1+$0xFFFFFFC0]  }
0x14d: {  	vm2 =	vlt.u32 v14, v1;
	vm4 =	vlt.u32 v13, v1;
	vm7 =	vlt.u32 v16, v1;
	v12 =	vld [tilespmem:s1+$0x70]  }
0x14e: {  	v13 =	vld [tilespmem:s1+$0xFFFFFFD0]  }
0x14f: {  	v6 =	vld.idx.msk [tilespmem:v6+s16+$0x0], vm8  }
0x150: {  	v14 =	vld [tilespmem:s1+$0xFFFFFFE0]  }
0x151: {  	v10 =	vld.idx.msk [tilespmem:v10+s16+$0x0], vm1  }
0x152: {  	v7 =	vld.idx.msk [tilespmem:v7+s16+$0x0], vm6  }
0x153: {  	v8 =	vld.idx.msk [tilespmem:v8+s16+$0x0], vm5  }
0x154: {  	v9 =	vld.idx.msk [tilespmem:v9+s16+$0x0], vm3  }
0x155: {  	[tilespmem:v12+s17+$0x0] =	vst.idx.add.f32.msk vm8, v6  }
0x156: {  	v6 =	vld.idx.msk [tilespmem:v11+s16+$0x0], vm4  }
0x157: {  	v11 =	vld.idx.msk [tilespmem:v13+s16+$0x0], vm2  }
0x158: {  	v12 =	vld.idx.msk [tilespmem:v14+s16+$0x0], vm7  }
0x159: {  	v13 =	vld [tilespmem:s1+$0x0]  }
0x15a: {  	v14 =	vld [tilespmem:s1+$0x10]  }
0x15b: {  	v15 =	vld [tilespmem:s1+$0x20]  }
0x15c: {  	v16 =	vld [tilespmem:s1+$0x30]  }
0x15d: {  	v17 =	vld [tilespmem:s1+$0x40]  }
0x15e: {  	v18 =	vld [tilespmem:s1+$0x50]  }
0x15f: {  	v19 =	vld [tilespmem:s1+$0x60]  }
0x160: {  	[tilespmem:v5+s17+$0x0] =	vst.idx.add.f32.msk vm0, v4;
	v4 =	vmov v12;
	vm0 =	vmmov vm7  }
0x161: {  	[tilespmem:v13+s17+$0x0] =	vst.idx.add.f32.msk vm6, v7  }
.Ltmp4:
0x162: {  	[tilespmem:v14+s17+$0x0] =	vst.idx.add.f32.msk vm1, v10;
	(pc) =	sbr.rel @p2 .LBB2_10-.Ltmp4, $4  }
0x163: {  	[tilespmem:v15+s17+$0x0] =	vst.idx.add.f32.msk vm5, v8  }
0x164: {  	[tilespmem:v16+s17+$0x0] =	vst.idx.add.f32.msk vm3, v9;
	v5 =	vmov v19  }
0x165: {  	[tilespmem:v17+s17+$0x0] =	vst.idx.add.f32.msk vm4, v6  }
0x166: {  	s1 =	sadd.s32 $0x100, s1;
	[tilespmem:v18+s17+$0x0] =	vst.idx.add.f32.msk vm2, v11  }
0x167: {  	_ =	sdelay $0x4  }
0x168: {  	[tilespmem:v5+s17+$0x0] =	vst.idx.add.f32.msk vm0, v4  }
0x169: {  	_ =	strace $0x9000004D  }
0x16a: {  	_ =	strace $0x8000004E  }
0x16b: {  	s1 =	simm.s32 $0x400;
	s0 =	rddreg [dreg:$0x1b]  }
0x16c: {  	[hbm4b:s0+s13] =	stream.strided.scatter [tilespmem:s17], [sflag:$0x3], $0x2800, s1, s13, $0x200038;
	[tilespmem:$0xCC00] =	vst v63  }
0x16d: {  	_ =	swait.ge [sflag:s15], $0x2800  }
0x16e: {  	[sflag:s15] =	ssyncset.done $0x0  }
0x16f: {  	[sflag:s15] =	ssyncadd.s32 $0xFFFFD800  }
0x170: {  	_ =	strace $0x9000004E  }
0x171: {  	_ =	strace $0x8000004F  }
0x172: {  	[bflag:$0x0] =	sbarrier.arrive $0xFFFF  }
0x173: {  	_ =	strace $0x9000004F  }
0x174: {  	_ =	strace $0x80000050  }
0x175: {  	s9 =	simm.s32 $0x0;
	s28 =	simm.s32 $0xA400;
	s26 =	rddreg [dreg:$0x1c]  }
0x176: {  	[tilespmem:s28], [sflag:$0x1] =	stream.linear.gather [hbm4b:s26+s9], $0x80, $0x200038;
	[tilespmem:$0xCC00] =	vst v63  }
0x177: {  	s2 =	simm.s32 $0xA800;
	s29 =	sadd.s32 $0x80, s26  }
0x178: {  	[tilespmem:s2], [sflag:$0x1] =	stream.linear.gather [hbm4b:s29+s9], $0x80, $0x200038;
	[tilespmem:$0xCC00] =	vst v63  }
0x179: {  	s31 =	simm.s32 $0xAC00;
	s30 =	sadd.s32 $0x100, s26  }
0x17a: {  	[tilespmem:s31], [sflag:$0x1] =	stream.linear.gather [hbm4b:s30+s9], $0x80, $0x200038;
	[tilespmem:$0xCC00] =	vst v63  }
0x17b: {  	s3 =	simm.s32 $0xB000;
	s2 =	sadd.s32 $0x180, s26  }
0x17c: {  	[tilespmem:s3], [sflag:$0x1] =	stream.linear.gather [hbm4b:s2+s9], $0x80, $0x200038;
	[tilespmem:$0xCC00] =	vst v63  }
0x17d: {  	s5 =	simm.s32 $0xB400;
	s4 =	sadd.s32 $0x200, s26  }
0x17e: {  	[tilespmem:s5], [sflag:$0x1] =	stream.linear.gather [hbm4b:s4+s9], $0x80, $0x200038;
	[tilespmem:$0xCC00] =	vst v63  }
0x17f: {  	s7 =	simm.s32 $0xA480;
	s6 =	rddreg [dreg:$0x1d]  }
0x180: {  	[tilespmem:s7], [sflag:$0x1] =	stream.linear.gather [hbm4b:s6+s9], $0x80, $0x200038;
	[tilespmem:$0xCC00] =	vst v63  }
0x181: {  	s10 =	simm.s32 $0xA880;
	s8 =	sadd.s32 $0x80, s6  }
0x182: {  	[tilespmem:s10], [sflag:$0x1] =	stream.linear.gather [hbm4b:s8+s9], $0x80, $0x200038;
	[tilespmem:$0xCC00] =	vst v63  }
0x183: {  	s12 =	simm.s32 $0xAC80;
	s11 =	sadd.s32 $0x100, s6  }
0x184: {  	[tilespmem:s12], [sflag:$0x1] =	stream.linear.gather [hbm4b:s11+s9], $0x80, $0x200038;
	[tilespmem:$0xCC00] =	vst v63  }
0x185: {  	s14 =	simm.s32 $0xB080;
	s13 =	sadd.s32 $0x180, s6  }
0x186: {  	[tilespmem:s14], [sflag:$0x1] =	stream.linear.gather [hbm4b:s13+s9], $0x80, $0x200038;
	[tilespmem:$0xCC00] =	vst v63  }
0x187: {  	s16 =	simm.s32 $0xB480;
	s15 =	sadd.s32 $0x200, s6  }
0x188: {  	[tilespmem:s16], [sflag:$0x1] =	stream.linear.gather [hbm4b:s15+s9], $0x80, $0x200038;
	[tilespmem:$0xCC00] =	vst v63  }
0x189: {  	s18 =	simm.s32 $0xA500;
	s17 =	rddreg [dreg:$0x1e]  }
0x18a: {  	[tilespmem:s18], [sflag:$0x1] =	stream.linear.gather [hbm4b:s17+s9], $0x80, $0x200038;
	[tilespmem:$0xCC00] =	vst v63  }
0x18b: {  	s20 =	simm.s32 $0xA900;
	s19 =	sadd.s32 $0x80, s17  }
0x18c: {  	[tilespmem:s20], [sflag:$0x1] =	stream.linear.gather [hbm4b:s19+s9], $0x80, $0x200038;
	[tilespmem:$0xCC00] =	vst v63  }
0x18d: {  	s22 =	simm.s32 $0xAD00;
	s21 =	sadd.s32 $0x100, s17  }
0x18e: {  	[tilespmem:s22], [sflag:$0x1] =	stream.linear.gather [hbm4b:s21+s9], $0x80, $0x200038;
	[tilespmem:$0xCC00] =	vst v63  }
0x18f: {  	s24 =	simm.s32 $0xB100;
	s23 =	sadd.s32 $0x180, s17  }
0x190: {  	[tilespmem:s24], [sflag:$0x1] =	stream.linear.gather [hbm4b:s23+s9], $0x80, $0x200038;
	[tilespmem:$0xCC00] =	vst v63  }
0x191: {  	s25 =	sadd.s32 $0x200, s17;
	s26 =	simm.s32 $0xB500  }
0x192: {  	[tilespmem:s26], [sflag:$0x1] =	stream.linear.gather [hbm4b:s25+s9], $0x80, $0x200038;
	[tilespmem:$0xCC00] =	vst v63  }
0x193: {  	s28 =	rddreg [dreg:$0x1f];
	s29 =	simm.s32 $0xA580  }
0x194: {  	[tilespmem:s29], [sflag:$0x1] =	stream.linear.gather [hbm4b:s28+s9], $0x80, $0x200038;
	[tilespmem:$0xCC00] =	vst v63  }
0x195: {  	s30 =	sadd.s32 $0x80, s28;
	s31 =	simm.s32 $0xA980  }
0x196: {  	[tilespmem:s31], [sflag:$0x1] =	stream.linear.gather [hbm4b:s30+s9], $0x80, $0x200038;
	[tilespmem:$0xCC00] =	vst v63  }
0x197: {  	s3 =	sadd.s32 $0x100, s28;
	s4 =	simm.s32 $0xAD80  }
0x198: {  	[tilespmem:s4], [sflag:$0x1] =	stream.linear.gather [hbm4b:s3+s9], $0x80, $0x200038;
	[tilespmem:$0xCC00] =	vst v63  }
0x199: {  	s5 =	sadd.s32 $0x180, s28;
	s6 =	simm.s32 $0xB180  }
0x19a: {  	[tilespmem:s6], [sflag:$0x1] =	stream.linear.gather [hbm4b:s5+s9], $0x80, $0x200038;
	[tilespmem:$0xCC00] =	vst v63  }
0x19b: {  	s7 =	sadd.s32 $0x200, s28;
	s8 =	simm.s32 $0xB580;
	s10 =	sld [smem:$0x7D3]  }
0x19c: {  	[tilespmem:s8], [sflag:$0x1] =	stream.linear.gather [hbm4b:s7+s9], $0x80, $0x200038;
	[tilespmem:$0xCC00] =	vst v63  }
0x19d: {  	s11 =	simm.s32 $0xA600  }
0x19e: {  	[tilespmem:s11], [sflag:$0x1] =	stream.linear.gather [hbm4b:s10+s9], $0x80, $0x200038;
	[tilespmem:$0xCC00] =	vst v63  }
0x19f: {  	s12 =	sadd.s32 $0x80, s10;
	s13 =	simm.s32 $0xAA00  }
0x1a0: {  	[tilespmem:s13], [sflag:$0x1] =	stream.linear.gather [hbm4b:s12+s9], $0x80, $0x200038;
	[tilespmem:$0xCC00] =	vst v63  }
0x1a1: {  	s14 =	sadd.s32 $0x100, s10;
	s15 =	simm.s32 $0xAE00  }
0x1a2: {  	[tilespmem:s15], [sflag:$0x1] =	stream.linear.gather [hbm4b:s14+s9], $0x80, $0x200038;
	[tilespmem:$0xCC00] =	vst v63  }
0x1a3: {  	s16 =	sadd.s32 $0x180, s10;
	s17 =	simm.s32 $0xB200  }
0x1a4: {  	[tilespmem:s17], [sflag:$0x1] =	stream.linear.gather [hbm4b:s16+s9], $0x80, $0x200038;
	[tilespmem:$0xCC00] =	vst v63  }
0x1a5: {  	s18 =	sadd.s32 $0x200, s10;
	s19 =	simm.s32 $0xB600;
	s20 =	sld [smem:$0x7D4]  }
0x1a6: {  	[tilespmem:s19], [sflag:$0x1] =	stream.linear.gather [hbm4b:s18+s9], $0x80, $0x200038;
	[tilespmem:$0xCC00] =	vst v63  }
0x1a7: {  	s21 =	simm.s32 $0xA680  }
0x1a8: {  	[tilespmem:s21], [sflag:$0x1] =	stream.linear.gather [hbm4b:s20+s9], $0x80, $0x200038;
	[tilespmem:$0xCC00] =	vst v63  }
0x1a9: {  	s22 =	sadd.s32 $0x80, s20;
	s23 =	simm.s32 $0xAA80  }
0x1aa: {  	[tilespmem:s23], [sflag:$0x1] =	stream.linear.gather [hbm4b:s22+s9], $0x80, $0x200038;
	[tilespmem:$0xCC00] =	vst v63  }
0x1ab: {  	s24 =	sadd.s32 $0x100, s20;
	s25 =	simm.s32 $0xAE80  }
0x1ac: {  	[tilespmem:s25], [sflag:$0x1] =	stream.linear.gather [hbm4b:s24+s9], $0x80, $0x200038;
	[tilespmem:$0xCC00] =	vst v63  }
0x1ad: {  	s26 =	sadd.s32 $0x180, s20;
	s28 =	simm.s32 $0xB280  }
0x1ae: {  	[tilespmem:s28], [sflag:$0x1] =	stream.linear.gather [hbm4b:s26+s9], $0x80, $0x200038;
	[tilespmem:$0xCC00] =	vst v63  }
0x1af: {  	s29 =	sadd.s32 $0x200, s20;
	s30 =	simm.s32 $0xB680;
	s31 =	sld [smem:$0x7D5]  }
0x1b0: {  	[tilespmem:s30], [sflag:$0x1] =	stream.linear.gather [hbm4b:s29+s9], $0x80, $0x200038;
	[tilespmem:$0xCC00] =	vst v63  }
0x1b1: {  	s3 =	simm.s32 $0xA700  }
0x1b2: {  	[tilespmem:s3], [sflag:$0x1] =	stream.linear.gather [hbm4b:s31+s9], $0x80, $0x200038;
	[tilespmem:$0xCC00] =	vst v63  }
0x1b3: {  	s4 =	sadd.s32 $0x80, s31;
	s5 =	simm.s32 $0xAB00  }
0x1b4: {  	[tilespmem:s5], [sflag:$0x1] =	stream.linear.gather [hbm4b:s4+s9], $0x80, $0x200038;
	[tilespmem:$0xCC00] =	vst v63  }
0x1b5: {  	s6 =	sadd.s32 $0x100, s31;
	s7 =	simm.s32 $0xAF00  }
0x1b6: {  	[tilespmem:s7], [sflag:$0x1] =	stream.linear.gather [hbm4b:s6+s9], $0x80, $0x200038;
	[tilespmem:$0xCC00] =	vst v63  }
0x1b7: {  	s8 =	sadd.s32 $0x180, s31;
	s10 =	simm.s32 $0xB300  }
0x1b8: {  	[tilespmem:s10], [sflag:$0x1] =	stream.linear.gather [hbm4b:s8+s9], $0x80, $0x200038;
	[tilespmem:$0xCC00] =	vst v63  }
0x1b9: {  	s11 =	sadd.s32 $0x200, s31;
	s12 =	simm.s32 $0xB700;
	s13 =	sld [smem:$0x7D6]  }
0x1ba: {  	[tilespmem:s12], [sflag:$0x1] =	stream.linear.gather [hbm4b:s11+s9], $0x80, $0x200038;
	[tilespmem:$0xCC00] =	vst v63  }
0x1bb: {  	s14 =	simm.s32 $0xA780  }
0x1bc: {  	[tilespmem:s14], [sflag:$0x1] =	stream.linear.gather [hbm4b:s13+s9], $0x80, $0x200038;
	[tilespmem:$0xCC00] =	vst v63  }
0x1bd: {  	s15 =	sadd.s32 $0x80, s13;
	s16 =	simm.s32 $0xAB80  }
0x1be: {  	[tilespmem:s16], [sflag:$0x1] =	stream.linear.gather [hbm4b:s15+s9], $0x80, $0x200038;
	[tilespmem:$0xCC00] =	vst v63  }
0x1bf: {  	s17 =	sadd.s32 $0x100, s13;
	s18 =	simm.s32 $0xAF80  }
0x1c0: {  	[tilespmem:s18], [sflag:$0x1] =	stream.linear.gather [hbm4b:s17+s9], $0x80, $0x200038;
	[tilespmem:$0xCC00] =	vst v63  }
0x1c1: {  	s19 =	sadd.s32 $0x180, s13;
	s20 =	simm.s32 $0xB380  }
0x1c2: {  	[tilespmem:s20], [sflag:$0x1] =	stream.linear.gather [hbm4b:s19+s9], $0x80, $0x200038;
	[tilespmem:$0xCC00] =	vst v63  }
0x1c3: {  	s21 =	sadd.s32 $0x200, s13;
	s22 =	simm.s32 $0xB780;
	s23 =	sld [smem:$0x7D7]  }
0x1c4: {  	[tilespmem:s22], [sflag:$0x1] =	stream.linear.gather [hbm4b:s21+s9], $0x80, $0x200038;
	[tilespmem:$0xCC00] =	vst v63  }
0x1c5: {  	s24 =	simm.s32 $0xB800  }
0x1c6: {  	[tilespmem:s24], [sflag:$0x1] =	stream.linear.gather [hbm4b:s23+s9], $0x80, $0x200038;
	[tilespmem:$0xCC00] =	vst v63  }
0x1c7: {  	s25 =	sadd.s32 $0x80, s23;
	s26 =	simm.s32 $0xBC00  }
0x1c8: {  	[tilespmem:s26], [sflag:$0x1] =	stream.linear.gather [hbm4b:s25+s9], $0x80, $0x200038;
	[tilespmem:$0xCC00] =	vst v63  }
0x1c9: {  	s28 =	sadd.s32 $0x100, s23;
	s29 =	simm.s32 $0xC000  }
0x1ca: {  	[tilespmem:s29], [sflag:$0x1] =	stream.linear.gather [hbm4b:s28+s9], $0x80, $0x200038;
	[tilespmem:$0xCC00] =	vst v63  }
0x1cb: {  	s30 =	sadd.s32 $0x180, s23;
	s31 =	simm.s32 $0xC400  }
0x1cc: {  	[tilespmem:s31], [sflag:$0x1] =	stream.linear.gather [hbm4b:s30+s9], $0x80, $0x200038;
	[tilespmem:$0xCC00] =	vst v63  }
0x1cd: {  	s2 =	sadd.s32 $0x200, s23;
	s3 =	simm.s32 $0xC800;
	s4 =	sld [smem:$0x7D8]  }
0x1ce: {  	[tilespmem:s3], [sflag:$0x1] =	stream.linear.gather [hbm4b:s2+s9], $0x80, $0x200038;
	[tilespmem:$0xCC00] =	vst v63  }
0x1cf: {  	s5 =	simm.s32 $0xB880  }
0x1d0: {  	[tilespmem:s5], [sflag:$0x1] =	stream.linear.gather [hbm4b:s4+s9], $0x80, $0x200038;
	[tilespmem:$0xCC00] =	vst v63  }
0x1d1: {  	s7 =	simm.s32 $0xBC80;
	s6 =	sadd.s32 $0x80, s4  }
0x1d2: {  	[tilespmem:s7], [sflag:$0x1] =	stream.linear.gather [hbm4b:s6+s9], $0x80, $0x200038;
	[tilespmem:$0xCC00] =	vst v63  }
0x1d3: {  	s8 =	sadd.s32 $0x100, s4;
	s10 =	simm.s32 $0xC080  }
0x1d4: {  	[tilespmem:s10], [sflag:$0x1] =	stream.linear.gather [hbm4b:s8+s9], $0x80, $0x200038;
	[tilespmem:$0xCC00] =	vst v63  }
0x1d5: {  	s11 =	sadd.s32 $0x180, s4;
	s12 =	simm.s32 $0xC480  }
0x1d6: {  	[tilespmem:s12], [sflag:$0x1] =	stream.linear.gather [hbm4b:s11+s9], $0x80, $0x200038;
	[tilespmem:$0xCC00] =	vst v63  }
0x1d7: {  	s13 =	sadd.s32 $0x200, s4;
	s14 =	simm.s32 $0xC880;
	s15 =	sld [smem:$0x7D9]  }
0x1d8: {  	[tilespmem:s14], [sflag:$0x1] =	stream.linear.gather [hbm4b:s13+s9], $0x80, $0x200038;
	[tilespmem:$0xCC00] =	vst v63  }
0x1d9: {  	s16 =	simm.s32 $0xB900  }
0x1da: {  	[tilespmem:s16], [sflag:$0x1] =	stream.linear.gather [hbm4b:s15+s9], $0x80, $0x200038;
	[tilespmem:$0xCC00] =	vst v63  }
0x1db: {  	s18 =	simm.s32 $0xBD00;
	s17 =	sadd.s32 $0x80, s15  }
0x1dc: {  	[tilespmem:s18], [sflag:$0x1] =	stream.linear.gather [hbm4b:s17+s9], $0x80, $0x200038;
	[tilespmem:$0xCC00] =	vst v63  }
0x1dd: {  	s19 =	sadd.s32 $0x100, s15;
	s20 =	simm.s32 $0xC100  }
0x1de: {  	[tilespmem:s20], [sflag:$0x1] =	stream.linear.gather [hbm4b:s19+s9], $0x80, $0x200038;
	[tilespmem:$0xCC00] =	vst v63  }
0x1df: {  	s21 =	sadd.s32 $0x180, s15;
	s22 =	simm.s32 $0xC500  }
0x1e0: {  	[tilespmem:s22], [sflag:$0x1] =	stream.linear.gather [hbm4b:s21+s9], $0x80, $0x200038;
	[tilespmem:$0xCC00] =	vst v63  }
0x1e1: {  	s23 =	sadd.s32 $0x200, s15;
	s24 =	simm.s32 $0xC900;
	s25 =	sld [smem:$0x7DA]  }
0x1e2: {  	[tilespmem:s24], [sflag:$0x1] =	stream.linear.gather [hbm4b:s23+s9], $0x80, $0x200038;
	[tilespmem:$0xCC00] =	vst v63  }
0x1e3: {  	s26 =	simm.s32 $0xB980  }
0x1e4: {  	[tilespmem:s26], [sflag:$0x1] =	stream.linear.gather [hbm4b:s25+s9], $0x80, $0x200038;
	[tilespmem:$0xCC00] =	vst v63  }
0x1e5: {  	s29 =	simm.s32 $0xBD80;
	s28 =	sadd.s32 $0x80, s25  }
0x1e6: {  	[tilespmem:s29], [sflag:$0x1] =	stream.linear.gather [hbm4b:s28+s9], $0x80, $0x200038;
	[tilespmem:$0xCC00] =	vst v63  }
0x1e7: {  	s30 =	sadd.s32 $0x100, s25;
	s31 =	simm.s32 $0xC180  }
0x1e8: {  	[tilespmem:s31], [sflag:$0x1] =	stream.linear.gather [hbm4b:s30+s9], $0x80, $0x200038;
	[tilespmem:$0xCC00] =	vst v63  }
0x1e9: {  	s2 =	sadd.s32 $0x180, s25;
	s3 =	simm.s32 $0xC580  }
0x1ea: {  	[tilespmem:s3], [sflag:$0x1] =	stream.linear.gather [hbm4b:s2+s9], $0x80, $0x200038;
	[tilespmem:$0xCC00] =	vst v63  }
0x1eb: {  	s4 =	sadd.s32 $0x200, s25;
	s5 =	simm.s32 $0xC980;
	s6 =	sld [smem:$0x7DB]  }
0x1ec: {  	[tilespmem:s5], [sflag:$0x1] =	stream.linear.gather [hbm4b:s4+s9], $0x80, $0x200038;
	[tilespmem:$0xCC00] =	vst v63  }
0x1ed: {  	s7 =	simm.s32 $0xBA00  }
0x1ee: {  	[tilespmem:s7], [sflag:$0x1] =	stream.linear.gather [hbm4b:s6+s9], $0x80, $0x200038;
	[tilespmem:$0xCC00] =	vst v63  }
0x1ef: {  	s10 =	simm.s32 $0xBE00;
	s8 =	sadd.s32 $0x80, s6  }
0x1f0: {  	[tilespmem:s10], [sflag:$0x1] =	stream.linear.gather [hbm4b:s8+s9], $0x80, $0x200038;
	[tilespmem:$0xCC00] =	vst v63  }
0x1f1: {  	s11 =	sadd.s32 $0x100, s6;
	s12 =	simm.s32 $0xC200  }
0x1f2: {  	[tilespmem:s12], [sflag:$0x1] =	stream.linear.gather [hbm4b:s11+s9], $0x80, $0x200038;
	[tilespmem:$0xCC00] =	vst v63  }
0x1f3: {  	s13 =	sadd.s32 $0x180, s6;
	s14 =	simm.s32 $0xC600  }
0x1f4: {  	[tilespmem:s14], [sflag:$0x1] =	stream.linear.gather [hbm4b:s13+s9], $0x80, $0x200038;
	[tilespmem:$0xCC00] =	vst v63  }
0x1f5: {  	s15 =	sadd.s32 $0x200, s6;
	s16 =	simm.s32 $0xCA00;
	s17 =	sld [smem:$0x7DC]  }
0x1f6: {  	[tilespmem:s16], [sflag:$0x1] =	stream.linear.gather [hbm4b:s15+s9], $0x80, $0x200038;
	[tilespmem:$0xCC00] =	vst v63  }
0x1f7: {  	s18 =	simm.s32 $0xBA80  }
0x1f8: {  	[tilespmem:s18], [sflag:$0x1] =	stream.linear.gather [hbm4b:s17+s9], $0x80, $0x200038;
	[tilespmem:$0xCC00] =	vst v63  }
0x1f9: {  	s20 =	simm.s32 $0xBE80;
	s19 =	sadd.s32 $0x80, s17  }
0x1fa: {  	[tilespmem:s20], [sflag:$0x1] =	stream.linear.gather [hbm4b:s19+s9], $0x80, $0x200038;
	[tilespmem:$0xCC00] =	vst v63  }
0x1fb: {  	s21 =	sadd.s32 $0x100, s17;
	s22 =	simm.s32 $0xC280  }
0x1fc: {  	[tilespmem:s22], [sflag:$0x1] =	stream.linear.gather [hbm4b:s21+s9], $0x80, $0x200038;
	[tilespmem:$0xCC00] =	vst v63  }
0x1fd: {  	s23 =	sadd.s32 $0x180, s17;
	s24 =	simm.s32 $0xC680  }
0x1fe: {  	[tilespmem:s24], [sflag:$0x1] =	stream.linear.gather [hbm4b:s23+s9], $0x80, $0x200038;
	[tilespmem:$0xCC00] =	vst v63  }
0x1ff: {  	s25 =	sadd.s32 $0x200, s17;
	s26 =	simm.s32 $0xCA80;
	s28 =	sld [smem:$0x7DD]  }
0x200: {  	[tilespmem:s26], [sflag:$0x1] =	stream.linear.gather [hbm4b:s25+s9], $0x80, $0x200038;
	[tilespmem:$0xCC00] =	vst v63  }
0x201: {  	s29 =	simm.s32 $0xBB00  }
0x202: {  	[tilespmem:s29], [sflag:$0x1] =	stream.linear.gather [hbm4b:s28+s9], $0x80, $0x200038;
	[tilespmem:$0xCC00] =	vst v63  }
0x203: {  	s31 =	simm.s32 $0xBF00;
	s30 =	sadd.s32 $0x80, s28  }
0x204: {  	[tilespmem:s31], [sflag:$0x1] =	stream.linear.gather [hbm4b:s30+s9], $0x80, $0x200038;
	[tilespmem:$0xCC00] =	vst v63  }
0x205: {  	s3 =	sadd.s32 $0x100, s28;
	s4 =	simm.s32 $0xC300  }
0x206: {  	[tilespmem:s4], [sflag:$0x1] =	stream.linear.gather [hbm4b:s3+s9], $0x80, $0x200038;
	[tilespmem:$0xCC00] =	vst v63  }
0x207: {  	s5 =	sadd.s32 $0x180, s28;
	s6 =	simm.s32 $0xC700  }
0x208: {  	[tilespmem:s6], [sflag:$0x1] =	stream.linear.gather [hbm4b:s5+s9], $0x80, $0x200038;
	[tilespmem:$0xCC00] =	vst v63  }
0x209: {  	s7 =	sadd.s32 $0x200, s28;
	s8 =	simm.s32 $0xCB00;
	s10 =	sld [smem:$0x7DE]  }
0x20a: {  	[tilespmem:s8], [sflag:$0x1] =	stream.linear.gather [hbm4b:s7+s9], $0x80, $0x200038;
	[tilespmem:$0xCC00] =	vst v63  }
0x20b: {  	s11 =	simm.s32 $0xBB80  }
0x20c: {  	[tilespmem:s11], [sflag:$0x1] =	stream.linear.gather [hbm4b:s10+s9], $0x80, $0x200038;
	[tilespmem:$0xCC00] =	vst v63  }
0x20d: {  	s12 =	sadd.s32 $0x80, s10;
	s13 =	simm.s32 $0xBF80  }
0x20e: {  	[tilespmem:s13], [sflag:$0x1] =	stream.linear.gather [hbm4b:s12+s9], $0x80, $0x200038;
	[tilespmem:$0xCC00] =	vst v63  }
0x20f: {  	s14 =	sadd.s32 $0x100, s10;
	s15 =	simm.s32 $0xC380  }
0x210: {  	[tilespmem:s15], [sflag:$0x1] =	stream.linear.gather [hbm4b:s14+s9], $0x80, $0x200038;
	[tilespmem:$0xCC00] =	vst v63  }
0x211: {  	s16 =	sadd.s32 $0x180, s10;
	s17 =	simm.s32 $0xC780  }
0x212: {  	[tilespmem:s17], [sflag:$0x1] =	stream.linear.gather [hbm4b:s16+s9], $0x80, $0x200038;
	[tilespmem:$0xCC00] =	vst v63  }
0x213: {  	s18 =	sadd.s32 $0x200, s10;
	s19 =	simm.s32 $0xCB80;
	s3 =	simm.s32 $0x1  }
0x214: {  	[tilespmem:s19], [sflag:$0x1] =	stream.linear.gather [hbm4b:s18+s9], $0x80, $0x200038;
	[tilespmem:$0xCC00] =	vst v63  }
0x215: {  	_ =	swait.ge [sflag:s3], $0x280  }
0x216: {  	[sflag:s3] =	ssyncset.done $0x0  }
0x217: {  	[sflag:s3] =	ssyncadd.s32 $0xFFFFFD80  }
0x218: {  	_ =	swait.ge [sflag:s3], $0x280  }
0x219: {  	[sflag:s3] =	ssyncset.done $0x0  }
0x21a: {  	[sflag:s3] =	ssyncadd.s32 $0xFFFFFD80  }
0x21b: {  	_ =	swait.ge [sflag:s3], $0x280  }
0x21c: {  	[sflag:s3] =	ssyncset.done $0x0  }
0x21d: {  	[sflag:s3] =	ssyncadd.s32 $0xFFFFFD80  }
0x21e: {  	_ =	swait.ge [sflag:s3], $0x280  }
0x21f: {  	[sflag:s3] =	ssyncset.done $0x0  }
0x220: {  	[sflag:s3] =	ssyncadd.s32 $0xFFFFFD80  }
0x221: {  	_ =	swait.ge [sflag:s3], $0x280  }
0x222: {  	[sflag:s3] =	ssyncset.done $0x0  }
0x223: {  	[sflag:s3] =	ssyncadd.s32 $0xFFFFFD80  }
0x224: {  	_ =	swait.ge [sflag:s3], $0x280  }
0x225: {  	[sflag:s3] =	ssyncset.done $0x0  }
0x226: {  	[sflag:s3] =	ssyncadd.s32 $0xFFFFFD80  }
0x227: {  	_ =	swait.ge [sflag:s3], $0x280  }
0x228: {  	[sflag:s3] =	ssyncset.done $0x0  }
0x229: {  	[sflag:s3] =	ssyncadd.s32 $0xFFFFFD80  }
0x22a: {  	_ =	swait.ge [sflag:s3], $0x280  }
0x22b: {  	[sflag:s3] =	ssyncset.done $0x0  }
0x22c: {  	[sflag:s3] =	ssyncadd.s32 $0xFFFFFD80  }
0x22d: {  	_ =	swait.ge [sflag:s3], $0x280  }
0x22e: {  	[sflag:s3] =	ssyncset.done $0x0  }
0x22f: {  	[sflag:s3] =	ssyncadd.s32 $0xFFFFFD80  }
0x230: {  	_ =	swait.ge [sflag:s3], $0x280  }
0x231: {  	[sflag:s3] =	ssyncset.done $0x0  }
0x232: {  	[sflag:s3] =	ssyncadd.s32 $0xFFFFFD80  }
0x233: {  	_ =	swait.ge [sflag:s3], $0x280  }
0x234: {  	[sflag:s3] =	ssyncset.done $0x0  }
0x235: {  	[sflag:s3] =	ssyncadd.s32 $0xFFFFFD80  }
0x236: {  	_ =	swait.ge [sflag:s3], $0x280  }
0x237: {  	[sflag:s3] =	ssyncset.done $0x0  }
0x238: {  	[sflag:s3] =	ssyncadd.s32 $0xFFFFFD80  }
0x239: {  	_ =	swait.ge [sflag:s3], $0x280  }
0x23a: {  	[sflag:s3] =	ssyncset.done $0x0  }
0x23b: {  	[sflag:s3] =	ssyncadd.s32 $0xFFFFFD80  }
0x23c: {  	_ =	swait.ge [sflag:s3], $0x280  }
0x23d: {  	[sflag:s3] =	ssyncset.done $0x0  }
0x23e: {  	[sflag:s3] =	ssyncadd.s32 $0xFFFFFD80  }
0x23f: {  	_ =	swait.ge [sflag:s3], $0x280  }
0x240: {  	[sflag:s3] =	ssyncset.done $0x0  }
0x241: {  	[sflag:s3] =	ssyncadd.s32 $0xFFFFFD80  }
0x242: {  	s0 =	sand.u32 $0x40, s9;
	s20 =	sand.u32 $0x1C00, s9;
	_ =	swait.ge [sflag:s3], $0x280  }
0x243: {  	s21 =	sadd.s32 $0xA400, s20;
	s10 =	sor.u32 $0x30, s0;
	[sflag:s3] =	ssyncset.done $0x0  }
0x244: {  	s22 =	sor.u32 s10, s21;
	[sflag:s3] =	ssyncadd.s32 $0xFFFFFD80  }
0x245: {  	v13 =	vld [tilespmem:s22+$0x0]  }
0x246: {  	s4 =	sor.u32 s0, s21;
	v14 =	vld [tilespmem:s22+$0x80]  }
0x247: {  	v15 =	vld [tilespmem:s4+$0x0]  }
0x248: {  	v16 =	vld [tilespmem:s22+$0x100]  }
0x249: {  	s12 =	sor.u32 $0x10, s0;
	v17 =	vld [tilespmem:s4+$0x80]  }
0x24a: {  	s5 =	sor.u32 s12, s21;
	v18 =	vld [tilespmem:s22+$0x180]  }
0x24b: {  	v19 =	vld [tilespmem:s5+$0x0]  }
0x24c: {  	v20 =	vld [tilespmem:s22+$0x200]  }
0x24d: {  	s14 =	sor.u32 $0x20, s0;
	v21 =	vld [tilespmem:s5+$0x80]  }
0x24e: {  	s2 =	sor.u32 s14, s21;
	v22 =	vld [tilespmem:s22+$0x280]  }
0x24f: {  	v23 =	vld [tilespmem:s2+$0x0]  }
0x250: {  	v24 =	vld [tilespmem:s22+$0x300]  }
0x251: {  	s8 =	sadd.s32 $0xB900, s20;
	v25 =	vld [tilespmem:s2+$0x80]  }
0x252: {  	s25 =	sor.u32 s10, s8;
	v12 =	vld [tilespmem:s22+$0x380]  }
0x253: {  	s6 =	sadd.s32 $0xB800, s20;
	v4 =	vld [tilespmem:s25+$0x0]  }
0x254: {  	s23 =	sor.u32 s10, s6;
	v26 =	vld [tilespmem:s4+$0x100]  }
0x255: {  	s7 =	sadd.s32 $0xB880, s20;
	v11 =	vld [tilespmem:s23+$0x0]  }
0x256: {  	s24 =	sor.u32 s10, s7;
	v27 =	vld [tilespmem:s5+$0x100]  }
0x257: {  	s11 =	sadd.s32 $0xB980, s20;
	v10 =	vld [tilespmem:s24+$0x0]  }
0x258: {  	s26 =	sor.u32 s10, s11;
	v28 =	vld [tilespmem:s2+$0x100];
	[tilespmem:$0x1FFA0] =	vst v4  }
0x259: {  	v4 =	vld [tilespmem:s26+$0x0];
	_ =	sdelay $0x3  }
0x25a: {  	s13 =	sadd.s32 $0xBA00, s20  }
0x25b: {  	s28 =	sor.u32 s10, s13;
	v29 =	vld [tilespmem:s4+$0x180];
	[tilespmem:$0x1FFB0] =	vst v4  }
0x25c: {  	v4 =	vld [tilespmem:s28+$0x0];
	_ =	sdelay $0x3  }
0x25d: {  	s15 =	sadd.s32 $0xBA80, s20  }
0x25e: {  	s29 =	sor.u32 s10, s15;
	v30 =	vld [tilespmem:s5+$0x180];
	[tilespmem:$0x1FFC0] =	vst v4  }
0x25f: {  	v4 =	vld [tilespmem:s29+$0x0];
	_ =	sdelay $0x3  }
0x260: {  	s16 =	sadd.s32 $0xBB00, s20  }
0x261: {  	s30 =	sor.u32 s10, s16;
	v31 =	vld [tilespmem:s2+$0x180];
	[tilespmem:$0x1FFD0] =	vst v4  }
0x262: {  	v4 =	vld [tilespmem:s30+$0x0];
	_ =	sdelay $0x3  }
0x263: {  	s1 =	sadd.s32 $0xBB80, s20  }
0x264: {  	s31 =	sor.u32 s10, s1;
	v32 =	vld [tilespmem:s4+$0x200];
	[tilespmem:$0x1FFE0] =	vst v4  }
0x265: {  	v4 =	vld [tilespmem:s31+$0x0];
	_ =	sdelay $0x4  }
0x266: {  	v33 =	vld [tilespmem:s5+$0x200];
	[tilespmem:$0x1FFF0] =	vst v4  }
0x267: {  	v34 =	vld [tilespmem:s2+$0x200]  }
0x268: {  	v35 =	vld [tilespmem:s4+$0x280]  }
0x269: {  	v36 =	vld [tilespmem:s5+$0x280]  }
0x26a: {  	v37 =	vld [tilespmem:s2+$0x280]  }
0x26b: {  	v38 =	vld [tilespmem:s4+$0x300]  }
0x26c: {  	v39 =	vld [tilespmem:s5+$0x300]  }
0x26d: {  	v40 =	vld [tilespmem:s2+$0x300]  }
0x26e: {  	v41 =	vld [tilespmem:s4+$0x380]  }
0x26f: {  	v42 =	vld [tilespmem:s5+$0x380]  }
0x270: {  	s17 =	sor.u32 s14, s6;
	v43 =	vld [tilespmem:s2+$0x380]  }
0x271: {  	s18 =	sor.u32 s0, s7;
	v46 =	vld [tilespmem:s17+$0x0]  }
0x272: {  	s19 =	sor.u32 s12, s7;
	v47 =	vld [tilespmem:s18+$0x0]  }
0x273: {  	s20 =	sor.u32 s14, s7;
	v48 =	vld [tilespmem:s19+$0x0]  }
0x274: {  	s21 =	sor.u32 s0, s8;
	v49 =	vld [tilespmem:s20+$0x0]  }
0x275: {  	s22 =	sor.u32 s12, s8;
	v50 =	vld [tilespmem:s21+$0x0]  }
0x276: {  	s23 =	sor.u32 s14, s8;
	v51 =	vld [tilespmem:s22+$0x0]  }
0x277: {  	s24 =	sor.u32 s0, s11;
	v52 =	vld [tilespmem:s23+$0x0]  }
0x278: {  	s25 =	sor.u32 s12, s11;
	v53 =	vld [tilespmem:s24+$0x0]  }
0x279: {  	s26 =	sor.u32 s14, s11;
	v54 =	vld [tilespmem:s25+$0x0]  }
0x27a: {  	s28 =	sor.u32 s0, s13;
	v55 =	vld [tilespmem:s26+$0x0]  }
0x27b: {  	s29 =	sor.u32 s12, s13;
	v56 =	vld [tilespmem:s28+$0x0]  }
0x27c: {  	s30 =	sor.u32 s14, s13;
	v57 =	vld [tilespmem:s29+$0x0]  }
0x27d: {  	s31 =	sor.u32 s0, s15;
	v58 =	vld [tilespmem:s30+$0x0]  }
0x27e: {  	s7 =	sor.u32 s12, s16;
	v59 =	vld [tilespmem:s31+$0x0]  }
0x27f: {  	s8 =	sor.u32 s14, s16;
	v63 =	vld [tilespmem:s7+$0x0]  }
0x280: {  	s4 =	sor.u32 s0, s6;
	v9 =	vld [tilespmem:s8+$0x0]  }
0x281: {  	s5 =	sor.u32 s12, s6;
	v44 =	vld [tilespmem:s4+$0x0]  }
0x282: {  	s6 =	sor.u32 s0, s16;
	v45 =	vld [tilespmem:s5+$0x0]  }
0x283: {  	s0 =	sor.u32 s0, s1;
	v62 =	vld [tilespmem:s6+$0x0]  }
0x284: {  	s4 =	sor.u32 s12, s15;
	v8 =	vld [tilespmem:s0+$0x0]  }
0x285: {  	v15 =	vadd.f32 v17, v15;
	s11 =	simm.s32 $0x200;
	s5 =	sor.u32 s14, s15;
	v60 =	vld [tilespmem:s4+$0x0]  }
0x286: {  	s17 =	simm.s32 $0x40;
	s2 =	sand.u32 $0x1C00, s11;
	s15 =	sor.u32 s12, s1;
	v61 =	vld [tilespmem:s5+$0x0]  }
0x287: {  	v15 =	vadd.f32 v26, v15;
	s13 =	sand.u32 $0x40, s17;
	s1 =	sor.u32 s14, s1;
	s18 =	sadd.s32 $0xA400, s2;
	v7 =	vld [tilespmem:s15+$0x0]  }
0x288: {  	v13 =	vadd.f32 v14, v13;
	v14 =	vld [tilespmem:s1+$0x0];
	s28 =	sor.u32 s13, s18  }
0x289: {  	v15 =	vadd.f32 v29, v15;
	v6 =	vld [tilespmem:s28+$0x0]  }
0x28a: {  	s16 =	sor.u32 $0x30, s13;
	v29 =	vld [tilespmem:s28+$0x80]  }
0x28b: {  	v13 =	vadd.f32 v16, v13;
	v15 =	vadd.f32 v32, v15;
	s25 =	sor.u32 s16, s18;
	v32 =	vld [tilespmem:s28+$0x100]  }
0x28c: {  	v4 =	vld [tilespmem:s25+$0x0]  }
0x28d: {  	v13 =	vadd.f32 v18, v13;
	v16 =	vld [tilespmem:s25+$0x80]  }
0x28e: {  	v18 =	vld [tilespmem:s25+$0x100]  }
0x28f: {  	v13 =	vadd.f32 v20, v13;
	v5 =	vld [tilespmem:s25+$0x180]  }
0x290: {  	v20 =	vld [tilespmem:s25+$0x200]  }
0x291: {  	v13 =	vadd.f32 v22, v13;
	v17 =	vld [tilespmem:s25+$0x280]  }
0x292: {  	v19 =	vadd.f32 v21, v19;
	s26 =	sadd.s32 $0xB800, s2;
	v21 =	vld [tilespmem:s25+$0x300]  }
0x293: {  	v22 =	vadd.f32 v25, v23;
	v13 =	vadd.f32 v24, v13;
	s24 =	sadd.s32 $0xB900, s2;
	s29 =	sor.u32 s16, s26;
	v23 =	vld [tilespmem:s25+$0x380]  }
0x294: {  	v19 =	vadd.f32 v27, v19;
	s23 =	sadd.s32 $0xB980, s2;
	s31 =	sor.u32 s16, s24;
	v24 =	vld [tilespmem:s29+$0x0]  }
0x295: {  	v12 =	vadd.f32 v12, v13;
	s22 =	sadd.s32 $0xBA00, s2;
	s4 =	sor.u32 s16, s23;
	v26 =	vld [tilespmem:s31+$0x0]  }
0x296: {  	v30 =	vadd.f32 v30, v19;
	s21 =	sadd.s32 $0xBA80, s2;
	s5 =	sor.u32 s16, s22;
	v19 =	vld [tilespmem:s4+$0x0]  }
0x297: {  	v11 =	vadd.f32 v11, v12;
	s19 =	sadd.s32 $0xBB00, s2;
	s6 =	sor.u32 s16, s21;
	v13 =	vld [tilespmem:s5+$0x0]  }
0x298: {  	s20 =	sor.u32 $0x10, s13;
	s7 =	sor.u32 s16, s19;
	v12 =	vld [tilespmem:s6+$0x0]  }
0x299: {  	v22 =	vadd.f32 v28, v22;
	v10 =	vadd.f32 v10, v11;
	s8 =	sor.u32 s20, s18;
	v11 =	vld [tilespmem:s7+$0x0]  }
0x29a: {  	v33 =	vadd.f32 v33, v30;
	v30 =	vld [tilespmem:s8+$0x0]  }
0x29b: {  	v22 =	vadd.f32 v31, v22;
	v31 =	vld [tilespmem:s8+$0x80]  }
0x29c: {  	v27 =	vadd.f32 v36, v33;
	v33 =	vld [tilespmem:s8+$0x100]  }
0x29d: {  	s25 =	sadd.s32 $0xB880, s2;
	v22 =	vadd.f32 v34, v22;
	v15 =	vadd.f32 v35, v15;
	v34 =	vld [tilespmem:s28+$0x180]  }
0x29e: {  	s5 =	sadd.s32 $0xBB80, s2;
	s30 =	sor.u32 s16, s25;
	v35 =	vld [tilespmem:s8+$0x180]  }
0x29f: {  	s2 =	sor.u32 s16, s5;
	v25 =	vld [tilespmem:s30+$0x0];
	v22 =	vadd.f32 v37, v22;
	v37 =	vadd.f32 v38, v15  }
0x2a0: {  	v15 =	vld [tilespmem:s2+$0x0];
	v27 =	vadd.f32 v39, v27;
	v6 =	vadd.f32 v29, v6  }
0x2a1: {  	v38 =	vld [tilespmem:$0x1FFA0];
	v22 =	vadd.f32 v40, v22;
	v28 =	vadd.f32 v41, v37  }
0x2a2: {  	v41 =	vld [tilespmem:$0x1FFB0];
	v27 =	vadd.f32 v42, v27;
	v4 =	vadd.f32 v16, v4  }
0x2a3: {  	v22 =	vadd.f32 v43, v22;
	v28 =	vadd.f32 v44, v28;
	v44 =	vld [tilespmem:$0x1FFC0]  }
0x2a4: {  	v6 =	vadd.f32 v32, v6;
	v27 =	vadd.f32 v45, v27;
	v45 =	vld [tilespmem:$0x1FFD0]  }
0x2a5: {  	v4 =	vadd.f32 v18, v4;
	v22 =	vadd.f32 v46, v22;
	v46 =	vld [tilespmem:s28+$0x200]  }
0x2a6: {  	v10 =	vadd.f32 v38, v10;
	v28 =	vadd.f32 v47, v28;
	v47 =	vld [tilespmem:$0x1FFE0]  }
0x2a7: {  	v6 =	vadd.f32 v34, v6;
	v27 =	vadd.f32 v48, v27;
	v48 =	vld [tilespmem:s8+$0x200]  }
0x2a8: {  	v4 =	vadd.f32 v5, v4;
	v22 =	vadd.f32 v49, v22;
	v49 =	vld [tilespmem:s28+$0x280]  }
0x2a9: {  	v10 =	vadd.f32 v41, v10;
	v28 =	vadd.f32 v50, v28;
	v50 =	vld [tilespmem:$0x1FFF0]  }
0x2aa: {  	s11 =	sor.u32 s13, s26;
	v27 =	vadd.f32 v51, v27;
	v51 =	vld [tilespmem:s8+$0x280];
	v4 =	vadd.f32 v20, v4  }
0x2ab: {  	v10 =	vadd.f32 v44, v10;
	v44 =	vld [tilespmem:s11+$0x0];
	v22 =	vadd.f32 v52, v22  }
0x2ac: {  	v28 =	vadd.f32 v53, v28;
	v27 =	vadd.f32 v54, v27;
	v52 =	vld [tilespmem:s28+$0x300]  }
0x2ad: {  	v53 =	vld [tilespmem:s28+$0x380];
	s28 =	sor.u32 $0x20, s13;
	v4 =	vadd.f32 v17, v4;
	v10 =	vadd.f32 v45, v10  }
0x2ae: {  	v54 =	vld [tilespmem:s8+$0x300];
	s0 =	sor.u32 s28, s18;
	v6 =	vadd.f32 v46, v6;
	v22 =	vadd.f32 v55, v22  }
0x2af: {  	v28 =	vadd.f32 v56, v28;
	v27 =	vadd.f32 v57, v27;
	v5 =	vld [tilespmem:s0+$0x80]  }
0x2b0: {  	s15 =	sor.u32 s20, s26;
	v4 =	vadd.f32 v21, v4;
	v22 =	vadd.f32 v58, v22;
	v58 =	vld [tilespmem:s0+$0x0]  }
0x2b1: {  	v45 =	vld [tilespmem:s15+$0x0];
	v10 =	vadd.f32 v47, v10;
	v6 =	vadd.f32 v49, v6  }
0x2b2: {  	v28 =	vadd.f32 v59, v28;
	v27 =	vadd.f32 v60, v27;
	v59 =	vld [tilespmem:s0+$0x100]  }
0x2b3: {  	v55 =	vld [tilespmem:s8+$0x380];
	v4 =	vadd.f32 v23, v4;
	v10 =	vadd.f32 v50, v10  }
0x2b4: {  	v60 =	vld [tilespmem:s0+$0x180];
	v57 =	vadd.f32 v62, v28;
	v62 =	vadd.f32 v31, v30  }
0x2b5: {  	v32 =	vld [tilespmem:s0+$0x300];
	v6 =	vadd.f32 v52, v6;
	v5 =	vadd.f32 v5, v58  }
0x2b6: {  	v56 =	vadd.f32 v61, v22;
	v61 =	vld [tilespmem:s0+$0x200];
	v33 =	vadd.f32 v33, v62  }
0x2b7: {  	v43 =	vld [tilespmem:s0+$0x380];
	v27 =	vadd.f32 v63, v27;
	v5 =	vadd.f32 v59, v5  }
0x2b8: {  	s18 =	sor.u32 s28, s26;
	v63 =	vld [tilespmem:s0+$0x280];
	v4 =	vadd.f32 v24, v4;
	v21 =	vadd.f32 v35, v33  }
0x2b9: {  	s26 =	sor.u32 s13, s25;
	v46 =	vld [tilespmem:s18+$0x0];
	v6 =	vadd.f32 v53, v6;
	v5 =	vadd.f32 v60, v5  }
0x2ba: {  	s30 =	sor.u32 s28, s25;
	v47 =	vld [tilespmem:s26+$0x0];
	v9 =	vadd.f32 v9, v56;
	v21 =	vadd.f32 v48, v21  }
0x2bb: {  	s1 =	sor.u32 s20, s24;
	v50 =	vld [tilespmem:s30+$0x0];
	v8 =	vadd.f32 v8, v57;
	v5 =	vadd.f32 v61, v5  }
0x2bc: {  	s2 =	sor.u32 s28, s24;
	v52 =	vld [tilespmem:s1+$0x0];
	v4 =	vadd.f32 v25, v4;
	v49 =	vadd.f32 v51, v21  }
0x2bd: {  	s6 =	sor.u32 s28, s23;
	v53 =	vld [tilespmem:s2+$0x0];
	v9 =	vadd.f32 v14, v9;
	v5 =	vadd.f32 v63, v5  }
0x2be: {  	s29 =	sor.u32 s20, s25;
	v57 =	vld [tilespmem:s6+$0x0];
	v4 =	vadd.f32 v26, v4;
	v14 =	vadd.f32 v54, v49  }
0x2bf: {  	s31 =	sor.u32 s13, s24;
	v7 =	vadd.f32 v7, v27;
	v48 =	vld [tilespmem:s29+$0x0];
	v5 =	vadd.f32 v32, v5  }
0x2c0: {  	s3 =	sor.u32 s13, s23;
	s4 =	sor.u32 s20, s23;
	s23 =	sor.u32 s13, s21;
	v4 =	vadd.f32 v19, v4;
	v51 =	vld [tilespmem:s31+$0x0];
	v14 =	vadd.f32 v55, v14  }
0x2c1: {  	v62 =	vld [tilespmem:s23+$0x0];
	v6 =	vadd.f32 v44, v6;
	v5 =	vadd.f32 v43, v5  }
0x2c2: {  	v4 =	vadd.f32 v13, v4;
	v54 =	vld [tilespmem:s3+$0x0];
	v56 =	vadd.f32 v45, v14  }
0x2c3: {  	s7 =	sor.u32 s13, s22;
	s8 =	sand.u32 $0x380, s9;
	v6 =	vadd.f32 v47, v6;
	v55 =	vld [tilespmem:s4+$0x0];
	v5 =	vadd.f32 v46, v5  }
0x2c4: {  	s9 =	sor.u32 s20, s22;
	s11 =	sadd.s32 $0x5180, s8;
	v58 =	vld [tilespmem:s7+$0x0];
	v4 =	vadd.f32 v12, v4;
	v60 =	vadd.f32 v48, v56  }
0x2c5: {  	s15 =	sor.u32 s28, s22;
	s24 =	sor.u32 s20, s21;
	s0 =	sor.u32 s10, s11;
	v59 =	vld [tilespmem:s9+$0x0];
	v6 =	vadd.f32 v51, v6;
	v5 =	vadd.f32 v50, v5  }
0x2c6: {  	s25 =	sor.u32 s28, s21;
	s30 =	sor.u32 s28, s19;
	[tilespmem:s0+$0x0] =	vst v10;
	s9 =	simm.s32 $0x5180;
	v61 =	vld [tilespmem:s15+$0x0];
	v11 =	vadd.f32 v11, v4;
	v12 =	vadd.f32 v52, v60  }
0x2c7: {  	s26 =	sor.u32 s13, s19;
	s18 =	sor.u32 s12, s11;
	[tilespmem:s9+$0x0] =	vst v8;
	v8 =	vld [tilespmem:s30+$0x0];
	s31 =	sand.u32 $0x380, s17;
	v6 =	vadd.f32 v54, v6;
	v10 =	vadd.f32 v53, v5  }
0x2c8: {  	s22 =	sor.u32 s14, s11;
	s12 =	simm.s32 $0x400;
	[tilespmem:s18+$0x0] =	vst v7;
	s2 =	sadd.s32 $0x5180, s31;
	v4 =	vld [tilespmem:s25+$0x0];
	v15 =	vadd.f32 v15, v11;
	v7 =	vadd.f32 v55, v12  }
0x2c9: {  	s14 =	simm.s32 $0x80;
	s29 =	sor.u32 s20, s19;
	[tilespmem:s22+$0x0] =	vst v9;
	s22 =	sor.u32 s20, s2;
	v63 =	vadd.f32 v58, v6;
	v6 =	vld [tilespmem:s26+$0x0];
	v9 =	vadd.f32 v57, v10  }
0x2ca: {  	s26 =	sor.u32 s20, s5;
	s20 =	sor.u32 s28, s2;
	s2 =	sor.u32 s16, s2;
	v5 =	vld [tilespmem:s24+$0x0];
	v11 =	vadd.f32 v59, v7  }
0x2cb: {  	s10 =	simm.s32 $0x4;
	s25 =	sor.u32 s13, s5;
	[tilespmem:s2+$0x0] =	vst v15;
	s24 =	sor.u32 s28, s5;
	v7 =	vld [tilespmem:s29+$0x0];
	v10 =	vadd.f32 v61, v9;
	v9 =	vadd.f32 v62, v63  }
.LBB2_12:
0x2cc: {  	s23 =	sand.u32 $0x40, s14;
	s28 =	sand.u32 $0x1C00, s12  }
0x2cd: {  	s0 =	sadd.s32 $0xA400, s28;
	s5 =	sor.u32 $0x30, s23  }
0x2ce: {  	v12 =	vld [tilespmem:s25+$0x0];
	s1 =	sor.u32 s5, s0  }
0x2cf: {  	v52 =	vld [tilespmem:s1+$0x100]  }
0x2d0: {  	v5 =	vadd.f32 v5, v11;
	v11 =	vld [tilespmem:s26+$0x0]  }
0x2d1: {  	v6 =	vadd.f32 v6, v9;
	v9 =	vld [tilespmem:s24+$0x0]  }
0x2d2: {  	v4 =	vadd.f32 v4, v10;
	v10 =	vld [tilespmem:s1+$0x0]  }
0x2d3: {  	s17 =	sor.u32 s23, s0;
	v5 =	vadd.f32 v7, v5;
	v7 =	vld [tilespmem:s1+$0x80]  }
0x2d4: {  	v4 =	vadd.f32 v8, v4;
	v8 =	vld [tilespmem:s17+$0x0];
	v6 =	vadd.f32 v12, v6  }
0x2d5: {  	s9 =	sadd.s32 $0x40, s9;
	v5 =	vadd.f32 v11, v5;
	v11 =	vld [tilespmem:s17+$0x80]  }
0x2d6: {  	s26 =	sadd.s32 $0xB900, s28;
	[tilespmem:s9+$0x0] =	vst v6;
	v6 =	vld [tilespmem:s1+$0x180]  }
0x2d7: {  	s30 =	sor.u32 s23, s26;
	v4 =	vadd.f32 v9, v4;
	v59 =	vld [tilespmem:s17+$0x300]  }
0x2d8: {  	v61 =	vld [tilespmem:s30+$0x0]  }
0x2d9: {  	s19 =	sor.u32 $0x10, s23;
	[tilespmem:s20+$0x0] =	vst v4;
	v4 =	vld [tilespmem:s1+$0x200]  }
0x2da: {  	s13 =	sor.u32 s19, s0;
	[tilespmem:s22+$0x0] =	vst v5;
	v7 =	vadd.f32 v7, v10;
	v10 =	vld [tilespmem:s1+$0x280]  }
0x2db: {  	s21 =	sor.u32 $0x20, s23;
	v5 =	vld [tilespmem:s13+$0x0]  }
0x2dc: {  	s16 =	sor.u32 s21, s0;
	v9 =	vld [tilespmem:s13+$0x80]  }
0x2dd: {  	v53 =	vld [tilespmem:s16+$0x80];
	v7 =	vadd.f32 v52, v7  }
0x2de: {  	v13 =	vld [tilespmem:s13+$0x100]  }
0x2df: {  	v8 =	vadd.f32 v11, v8;
	v11 =	vld [tilespmem:s16+$0x0];
	v6 =	vadd.f32 v6, v7  }
0x2e0: {  	v7 =	vld [tilespmem:s1+$0x300]  }
0x2e1: {  	v4 =	vadd.f32 v4, v6;
	v6 =	vld [tilespmem:s1+$0x380]  }
0x2e2: {  	s11 =	sadd.s32 $0xB800, s28;
	v5 =	vadd.f32 v9, v5;
	v9 =	vld [tilespmem:s17+$0x100]  }
0x2e3: {  	s20 =	sor.u32 s5, s11;
	v54 =	vld [tilespmem:s16+$0x100];
	v4 =	vadd.f32 v10, v4  }
0x2e4: {  	s2 =	sadd.s32 $0xB880, s28;
	v10 =	vld [tilespmem:s20+$0x0]  }
0x2e5: {  	s25 =	sor.u32 s5, s2;
	v55 =	vld [tilespmem:s13+$0x180];
	v4 =	vadd.f32 v7, v4  }
0x2e6: {  	s31 =	sor.u32 s21, s2;
	v7 =	vadd.f32 v53, v11;
	v11 =	vld [tilespmem:s25+$0x0]  }
0x2e7: {  	s24 =	sor.u32 s19, s2;
	s22 =	sor.u32 s23, s2;
	s2 =	sor.u32 s5, s26;
	v4 =	vadd.f32 v6, v4;
	v6 =	vadd.f32 v9, v8;
	v9 =	vld [tilespmem:s17+$0x180]  }
0x2e8: {  	s3 =	sadd.s32 $0xB980, s28;
	s6 =	sadd.s32 $0xBA00, s28;
	v8 =	vld [tilespmem:s2+$0x0]  }
0x2e9: {  	s15 =	sor.u32 s23, s11;
	s18 =	sor.u32 s19, s11;
	s4 =	sor.u32 s5, s3;
	v56 =	vld [tilespmem:s16+$0x180];
	v4 =	vadd.f32 v10, v4  }
0x2ea: {  	s0 =	sor.u32 s21, s11;
	[dreg:$0x7] =	wrdreg s15;
	s20 =	sor.u32 s5, s6;
	v10 =	vld [tilespmem:s4+$0x0]  }
0x2eb: {  	s7 =	sor.u32 s23, s6;
	s8 =	sor.u32 s19, s6;
	[dreg:$0x4] =	wrdreg s18;
	v4 =	vadd.f32 v11, v4;
	v11 =	vld [tilespmem:s20+$0x0]  }
0x2ec: {  	s15 =	sor.u32 s23, s3;
	[dreg:$0x8] =	wrdreg s22;
	s22 =	sadd.s32 $0xBA80, s28;
	v6 =	vadd.f32 v9, v6;
	v9 =	vld [tilespmem:s17+$0x200]  }
0x2ed: {  	[dreg:$0x5] =	wrdreg s24;
	s29 =	sor.u32 s19, s26;
	v57 =	vld [tilespmem:s13+$0x200];
	s24 =	sor.u32 s5, s22;
	v4 =	vadd.f32 v8, v4  }
0x2ee: {  	s18 =	sor.u32 s19, s3;
	[dreg:$0x9] =	wrdreg s29;
	s25 =	sadd.s32 $0xBB00, s28;
	v8 =	vld [tilespmem:s24+$0x0]  }
0x2ef: {  	s29 =	sor.u32 s21, s26;
	s11 =	sor.u32 s21, s3;
	v58 =	vld [tilespmem:s16+$0x200];
	s26 =	sor.u32 s5, s25;
	v4 =	vadd.f32 v10, v4  }
0x2f0: {  	s3 =	sor.u32 s23, s22;
	s1 =	sor.u32 s21, s22;
	v5 =	vadd.f32 v13, v5;
	s24 =	sadd.s32 $0xBB80, s28;
	v10 =	vld [tilespmem:s26+$0x0]  }
0x2f1: {  	s4 =	sor.u32 s21, s6;
	s6 =	sor.u32 s19, s22;
	s22 =	sor.u32 s5, s24;
	v4 =	vadd.f32 v11, v4;
	v6 =	vadd.f32 v9, v6;
	v9 =	vld [tilespmem:s13+$0x280]  }
0x2f2: {  	v5 =	vadd.f32 v55, v5;
	v11 =	vld [tilespmem:s22+$0x0]  }
0x2f3: {  	v4 =	vadd.f32 v8, v4;
	v8 =	vld [tilespmem:s17+$0x280]  }
0x2f4: {  	v62 =	vld [tilespmem:s7+$0x0];
	v7 =	vadd.f32 v54, v7;
	v5 =	vadd.f32 v57, v5  }
0x2f5: {  	[dreg:$0x6] =	wrdreg s0;
	s0 =	sor.u32 s23, s25;
	s2 =	sor.u32 s19, s25;
	v4 =	vadd.f32 v10, v4;
	v10 =	vld [tilespmem:s16+$0x280]  }
0x2f6: {  	v7 =	vadd.f32 v56, v7;
	s28 =	sor.u32 s21, s25;
	s25 =	sor.u32 s23, s24;
	s23 =	sand.u32 $0x380, s14;
	v5 =	vadd.f32 v9, v5;
	v9 =	vld [tilespmem:s13+$0x380]  }
0x2f7: {  	s23 =	sadd.s32 $0x5180, s23;
	v4 =	vadd.f32 v11, v4;
	v11 =	vld [tilespmem:s13+$0x300]  }
0x2f8: {  	v7 =	vadd.f32 v58, v7;
	s5 =	sor.u32 s5, s23;
	v6 =	vadd.f32 v8, v6;
	v8 =	vld [tilespmem:s16+$0x300]  }
0x2f9: {  	[tilespmem:s5+$0x0] =	vst v4;
	v4 =	vld [tilespmem:s17+$0x380]  }
0x2fa: {  	v7 =	vadd.f32 v10, v7;
	v10 =	vld [tilespmem:s16+$0x380];
	s16 =	rddreg [dreg:$0x7]  }
0x2fb: {  	s26 =	sor.u32 s19, s24;
	s17 =	rddreg [dreg:$0x4];
	v60 =	vld [tilespmem:s16+$0x0]  }
0x2fc: {  	s24 =	sor.u32 s21, s24;
	s20 =	sor.u32 s21, s23;
	s21 =	rddreg [dreg:$0x8];
	v6 =	vadd.f32 v59, v6;
	v5 =	vadd.f32 v11, v5;
	v11 =	vld [tilespmem:s17+$0x0]  }
0x2fd: {  	s22 =	sor.u32 s19, s23;
	s19 =	rddreg [dreg:$0x6];
	v7 =	vadd.f32 v8, v7;
	v8 =	vld [tilespmem:s21+$0x0]  }
0x2fe: {  	s23 =	rddreg [dreg:$0x5];
	v4 =	vadd.f32 v4, v6;
	v6 =	vld [tilespmem:s19+$0x0]  }
0x2ff: {  	v5 =	vadd.f32 v9, v5;
	v9 =	vld [tilespmem:s23+$0x0]  }
0x300: {  	v7 =	vadd.f32 v10, v7;
	v10 =	vld [tilespmem:s31+$0x0];
	s31 =	rddreg [dreg:$0x9];
	v4 =	vadd.f32 v60, v4  }
0x301: {  	v5 =	vadd.f32 v11, v5;
	v11 =	vld [tilespmem:s31+$0x0]  }
0x302: {  	v4 =	vadd.f32 v8, v4;
	v8 =	vld [tilespmem:s15+$0x0]  }
0x303: {  	v6 =	vadd.f32 v6, v7;
	v7 =	vld [tilespmem:s29+$0x0]  }
0x304: {  	v5 =	vadd.f32 v9, v5;
	v9 =	vld [tilespmem:s18+$0x0]  }
0x305: {  	v63 =	vld [tilespmem:s3+$0x0]  }
0x306: {  	v4 =	vadd.f32 v61, v4;
	v6 =	vadd.f32 v10, v6;
	v10 =	vld [tilespmem:s11+$0x0]  }
0x307: {  	s10 =	sadd.s32 $0x4, s10;
	v5 =	vadd.f32 v11, v5;
	v11 =	vld [tilespmem:s8+$0x0]  }
0x308: {  	p2 =	slt.u32 s10, $0x24;
	v4 =	vadd.f32 v8, v4;
	v8 =	vld [tilespmem:s4+$0x0]  }
.Ltmp5:
0x309: {  	v6 =	vadd.f32 v7, v6;
	v7 =	vadd.f32 v9, v5;
	v5 =	vld [tilespmem:s6+$0x0];
	(pc) =	sbr.rel @p2 .LBB2_12-.Ltmp5, $4  }
0x30a: {  	v12 =	vadd.f32 v62, v4;
	v4 =	vld [tilespmem:s1+$0x0]  }
0x30b: {  	v9 =	vadd.f32 v10, v6;
	v6 =	vld [tilespmem:s0+$0x0]  }
0x30c: {  	v11 =	vadd.f32 v11, v7;
	v7 =	vld [tilespmem:s2+$0x0]  }
0x30d: {  	s12 =	sadd.s32 $0x200, s12;
	s14 =	sadd.s32 $0x40, s14;
	v10 =	vadd.f32 v8, v9;
	v9 =	vadd.f32 v63, v12;
	v8 =	vld [tilespmem:s28+$0x0]  }
0x30e: {  	v12 =	vld [tilespmem:s25+$0x0]  }
0x30f: {  	v13 =	vld [tilespmem:s26+$0x0]  }
0x310: {  	v5 =	vadd.f32 v5, v11;
	v63 =	vld [tilespmem:s24+$0x0]  }
0x311: {  	v4 =	vadd.f32 v4, v10;
	v6 =	vadd.f32 v6, v9  }
0x312: {  	v5 =	vadd.f32 v7, v5  }
0x313: {  	v4 =	vadd.f32 v8, v4;
	v6 =	vadd.f32 v12, v6  }
0x314: {  	s0 =	sadd.s32 $0x40, s9;
	v5 =	vadd.f32 v13, v5  }
0x315: {  	v4 =	vadd.f32 v63, v4;
	[tilespmem:s0+$0x0] =	vst v6  }
0x316: {  	[tilespmem:s22+$0x0] =	vst v5  }
0x317: {  	[tilespmem:s20+$0x0] =	vst v4  }
0x318: {  	s0 =	sld [smem:$0x7F8]  }
0x319: {  	s10 =	simm.s32 $0x5180  }
0x31a: {  	s13 =	simm.s32 $0x80;
	s14 =	simm.s32 $0x100;
	s15 =	simm.s32 $0x3  }
0x31b: {  	[hbm4b:s0+s13] =	stream.strided.scatter [tilespmem:s10], [sflag:$0x3], $0x280, s14, s13, $0x200038;
	[tilespmem:$0xCC00] =	vst v63  }
0x31c: {  	_ =	swait.ge [sflag:s15], $0x280  }
0x31d: {  	s1 =	sld [smem:$0x7FA]  }
0x31e: {  	s31 =	rddreg [dreg:$0xa]  }
0x31f: {  	s0 =	sadd.s32 $0x1, s31  }
0x320: {  	p2 =	sne.s32 s0, s1  }
.Ltmp6:
0x321: {  	_ = 	snop;
	(pc) =	sbr.rel @p2 .LBB2_1-.Ltmp6, $4  }
0x322: {  	[sflag:s15] =	ssyncset.done $0x0  }
0x323: {  	[sflag:s15] =	ssyncadd.s32 $0xFFFFFD80;
	[dreg:$0xa] =	wrdreg s0  }
0x324: {  	s12 =	simm.s32 $0x2;
	_ =	strace $0x90000050  }
0x325: {  	s16 =	simm.s32 $0x5400;
	s17 =	simm.s32 $0x7C00;
	s11 =	rddreg [dreg:$0x1a]  }
0x326: {  	_ =	sfence.sel $0x180000  }
0x327: {  	[bflag:$0x0] =	sbarrier.arrive $0xFFFF  }
0x328: {  	_ =	strace $0x90000047  }
0x329: {  	s0 =	stileid.u32;
	[bflag:$0x2] =	sbarrier.arrive $0xFFFF  }
0x32a: {  	p0 =	sne.s32 s0, $0x0;
	s0 =	rddreg [dreg:$0x3]  }
0x32b: {  	s0 =	sadd.s32 @!p0 $0x100000, s0  }
0x32c: {  	[sflag:s0] =	ssyncadd.tile.s32 @!p0 $0x1;
	_ =	shalt  }
.Lfunc_end2:
_tile_overlayer_lowered:
.L_overlay_start_2:
0x32d: {  	(tag) =	ssettag $0x2  }
0x32e: {  	s0 =	rddreg [dreg:$0x0];
	s2 =	stileid.u32  }
0x32f: {  	s1 =	rddreg [dreg:$0x1];
	p0 =	sne.s32 s2, $0x0  }
0x330: {  	s3 =	rddreg [dreg:$0x2];
	[bflag:$0x3] =	sbarrier.arrive $0xFFFF;
	s2 =	simm.s32 @!p0 $0x1C03  }
0x331: {  	[timem:s3], [sflag:s2] =	dma.local @!p0 [hbm:s0], s1  }
0x332: {  	s0 =	simm.s32 @!p0 $0x3  }
0x333: {  	_ =	swait.ge @!p0 [sflag:s0], s1  }
0x334: {  	s1 =	ssub.s32 @!p0 $0x0, s1;
	[sflag:s0] =	ssyncset.done @!p0 $0x0  }
0x335: {  	[sflag:s0] =	ssyncadd.s32 @!p0 s1  }
0x336: {  	[bflag:$0x3] =	sbarrier.arrive $0xFFFF  }
0x337: {  	_ =	shalt  }

</sc_bundles>
